<compile_context>
chip_gen: v7x
topology: tpu7x:2x2x1
jax: 0.10.2.dev20260603
libtpu: 0.0.44.dev20260713+nightly
codegen_flags: <defaults>
</compile_context>

<pallas_src>
import functools

import jax
import jax.numpy as jnp
from jax import lax
from jax.experimental import pallas as pl
from jax.experimental.pallas import tpu as pltpu
from jax.experimental.pallas import tpu_sc as plsc

NC = 2
NS = 16
NW = NC * NS


def kernel(x, table):
    B, S = x.shape
    M, D = table.shape
    rows_per_w = S // NW
    CHUNK = 32
    NCH = rows_per_w // CHUNK

    mesh = plsc.VectorSubcoreMesh(core_axis_name="c", subcore_axis_name="s")

    @functools.partial(
        pl.kernel,
        mesh=mesh,
        out_type=jax.ShapeDtypeStruct((B, S, D), table.dtype),
        scratch_types=[
            pltpu.VMEM((2, CHUNK, D), table.dtype),
            pltpu.SemaphoreType.DMA((2,)),
            pltpu.SemaphoreType.DMA((2,)),
        ],
    )
    def k(tab_hbm, out_hbm, buf, in_sem, out_sem):
        wid = lax.axis_index("s") * NC + lax.axis_index("c")
        base = wid * rows_per_w

        def row0(c):
            return base + c * CHUNK

        def in_copy(c, p):
            return pltpu.make_async_copy(
                tab_hbm.at[pl.ds(row0(c), CHUNK), :],
                buf.at[p],
                in_sem.at[p],
            )

        def out_copy(c, p, b):
            return pltpu.make_async_copy(
                buf.at[p],
                out_hbm.at[b, pl.ds(row0(c), CHUNK), :],
                out_sem.at[p],
            )

        in_copy(0, 0).start()
        for c in range(NCH):
            p = c % 2
            if c + 1 < NCH:
                if c >= 1:
                    for b in range(B):
                        out_copy(c - 1, p ^ 1, b).wait()
                in_copy(c + 1, p ^ 1).start()
            in_copy(c, p).wait()
            for b in range(B):
                out_copy(c, p, b).start()
        for c in range(max(0, NCH - 2), NCH):
            for b in range(B):
                out_copy(c, c % 2, b).wait()

    return k(table)

# --- scband reference (transcript-rebuilt; emitter-appended) ---
"""Pipeline reference for scband-positional-embedding-59880434041158 (READ-ONLY COPY).

The authoritative reference and input builder live on the scoring server;
editing this copy changes nothing except your own understanding.
"""

import jax, jax.numpy as jnp
import numpy as np

MAX_LENGTH = 8192
EMBED_DIM = 1024

def setup_inputs(seed: int = 0) -> dict:
    key = jax.random.key(seed)
    k1, k2 = jax.random.split(key)
    x = jax.random.randint(k1, (4, 8192), 0, 8192, dtype=jnp.int64)
    table = jax.random.normal(k2, (MAX_LENGTH, EMBED_DIM), dtype=jnp.float32)
    return {"x": x, "table": table}

def reference(x, table):
    # positions = arange(seq_len) broadcast across batch via ones_like(x)
    positions = jnp.arange(0, x.shape[-1], dtype=x.dtype)
    positions = positions * jnp.ones_like(x)
    embeddings = jnp.take(table, positions, axis=0)
    return embeddings

if __name__ == "__main__":
    import jax
    _d = setup_inputs()
    print(jax.jit(kernel)(*tuple(_d.values())))

</pallas_src>

<mosaic_0001>
#map = affine_map<(d0, d1) -> (0, 0)>
#map1 = affine_map<(d0, d1) -> (0, 0, 0)>
module attributes {stable_mosaic.version = 14 : i64} {
  func.func @k(%arg0: i32, %arg1: i32, %arg2: memref<8192x1024xf32, #tpu.memory_space<hbm>>, %arg3: memref<4x8192x1024xf32, #tpu.memory_space<hbm>>, %arg4: memref<2x32x1024xf32, #tpu.memory_space<vmem>>, %arg5: memref<2x!tpu.dma_semaphore, #tpu.memory_space<semaphore_mem>>, %arg6: memref<2x!tpu.dma_semaphore, #tpu.memory_space<semaphore_mem>>) attributes {dimension_semantics = [#tpu.dimension_semantics<core_parallel>, #tpu.dimension_semantics<subcore_parallel>], iteration_bounds = array<i64: 2, 16>, scalar_prefetch = 0 : i64, scratch_operands = 3 : i64, tpu.core_type = #tpu.core_type<sc_vector_subcore>, window_params = [{transform_indices = #map}, {transform_indices = #map1}]} {
    %mul3A = arith.constant 2 : i32
    %mul3A_0 = arith.muli %arg1, %mul3A : i32
    %add3A = arith.addi %mul3A_0, %arg0 : i32
    %mul3A_1 = arith.constant 256 : i32
    %mul3A_2 = arith.muli %add3A, %mul3A_1 : i32
    %add3A_3 = arith.constant 0 : i32
    %add3A_4 = arith.addi %mul3A_2, %add3A_3 : i32
    %dma_start3A = arith.constant 0 : i32
    %dma_start3A_5 = arith.constant 0 : i32
    %dma_start3A_6 = arith.constant 0 : i32
    %dma_start3A_7 = arith.constant 0 : i32
    %dma_start3A_8 = tpu.memref_slice %arg4[%dma_start3A, %dma_start3A_6, %dma_start3A_7] : memref<2x32x1024xf32, #tpu.memory_space<vmem>> -> memref<1x32x1024xf32, #tpu.memory_space<vmem>>
    %dma_start3A_9 = tpu.memref_squeeze %dma_start3A_8 : memref<1x32x1024xf32, #tpu.memory_space<vmem>> -> memref<32x1024xf32, #tpu.memory_space<vmem>>
    %dma_start3A_10 = arith.constant 0 : i32
    %dma_start3A_11 = tpu.memref_slice %arg2[%add3A_4, %dma_start3A_10] : memref<8192x1024xf32, #tpu.memory_space<hbm>> -> memref<32x1024xf32, #tpu.memory_space<hbm>>
    %dma_start3A_12 = tpu.memref_slice %arg5[%dma_start3A_5] : memref<2x!tpu.dma_semaphore, #tpu.memory_space<semaphore_mem>> -> memref<1x!tpu.dma_semaphore, #tpu.memory_space<semaphore_mem>>
    %dma_start3A_13 = tpu.memref_squeeze %dma_start3A_12 : memref<1x!tpu.dma_semaphore, #tpu.memory_space<semaphore_mem>> -> memref<!tpu.dma_semaphore, #tpu.memory_space<semaphore_mem>>
    %dma_start3A_14 = arith.constant 0 : i32
    %dma_start3A_15 = arith.constant 0 : i32
    %dma_start3A_16 = tpu.memref_slice %arg4[%dma_start3A, %dma_start3A_14, %dma_start3A_15] : memref<2x32x1024xf32, #tpu.memory_space<vmem>> -> memref<1x32x1024xf32, #tpu.memory_space<vmem>>
    %dma_start3A_17 = tpu.memref_squeeze %dma_start3A_16 : memref<1x32x1024xf32, #tpu.memory_space<vmem>> -> memref<32x1024xf32, #tpu.memory_space<vmem>>
    %dma_start3A_18 = arith.constant 0 : i32
    %dma_start3A_19 = tpu.memref_slice %arg2[%add3A_4, %dma_start3A_18] : memref<8192x1024xf32, #tpu.memory_space<hbm>> -> memref<32x1024xf32, #tpu.memory_space<hbm>>
    tpu.enqueue_dma source(%dma_start3A_19 : memref<32x1024xf32, #tpu.memory_space<hbm>>) target(%dma_start3A_17 : memref<32x1024xf32, #tpu.memory_space<vmem>>) target_semaphore(%dma_start3A_13 : memref<!tpu.dma_semaphore, #tpu.memory_space<semaphore_mem>>)
    %add3A_20 = arith.constant 32 : i32
    %add3A_21 = arith.addi %mul3A_2, %add3A_20 : i32
    %dma_start3A_22 = arith.constant 1 : i32
    %dma_start3A_23 = arith.constant 1 : i32
    %dma_start3A_24 = arith.constant 0 : i32
    %dma_start3A_25 = arith.constant 0 : i32
    %dma_start3A_26 = tpu.memref_slice %arg4[%dma_start3A_22, %dma_start3A_24, %dma_start3A_25] : memref<2x32x1024xf32, #tpu.memory_space<vmem>> -> memref<1x32x1024xf32, #tpu.memory_space<vmem>>
    %dma_start3A_27 = tpu.memref_squeeze %dma_start3A_26 : memref<1x32x1024xf32, #tpu.memory_space<vmem>> -> memref<32x1024xf32, #tpu.memory_space<vmem>>
    %dma_start3A_28 = arith.constant 0 : i32
    %dma_start3A_29 = tpu.memref_slice %arg2[%add3A_21, %dma_start3A_28] : memref<8192x1024xf32, #tpu.memory_space<hbm>> -> memref<32x1024xf32, #tpu.memory_space<hbm>>
    %dma_start3A_30 = tpu.memref_slice %arg5[%dma_start3A_23] : memref<2x!tpu.dma_semaphore, #tpu.memory_space<semaphore_mem>> -> memref<1x!tpu.dma_semaphore, #tpu.memory_space<semaphore_mem>>
    %dma_start3A_31 = tpu.memref_squeeze %dma_start3A_30 : memref<1x!tpu.dma_semaphore, #tpu.memory_space<semaphore_mem>> -> memref<!tpu.dma_semaphore, #tpu.memory_space<semaphore_mem>>
    %dma_start3A_32 = arith.constant 0 : i32
    %dma_start3A_33 = arith.constant 0 : i32
    %dma_start3A_34 = tpu.memref_slice %arg4[%dma_start3A_22, %dma_start3A_32, %dma_start3A_33] : memref<2x32x1024xf32, #tpu.memory_space<vmem>> -> memref<1x32x1024xf32, #tpu.memory_space<vmem>>
    %dma_start3A_35 = tpu.memref_squeeze %dma_start3A_34 : memref<1x32x1024xf32, #tpu.memory_space<vmem>> -> memref<32x1024xf32, #tpu.memory_space<vmem>>
    %dma_start3A_36 = arith.constant 0 : i32
    %dma_start3A_37 = tpu.memref_slice %arg2[%add3A_21, %dma_start3A_36] : memref<8192x1024xf32, #tpu.memory_space<hbm>> -> memref<32x1024xf32, #tpu.memory_space<hbm>>
    tpu.enqueue_dma source(%dma_start3A_37 : memref<32x1024xf32, #tpu.memory_space<hbm>>) target(%dma_start3A_35 : memref<32x1024xf32, #tpu.memory_space<vmem>>) target_semaphore(%dma_start3A_31 : memref<!tpu.dma_semaphore, #tpu.memory_space<semaphore_mem>>)
    %add3A_38 = arith.constant 0 : i32
    %add3A_39 = arith.addi %mul3A_2, %add3A_38 : i32
    %dma_wait3A = arith.constant 0 : i32
    %dma_wait3A_40 = arith.constant 0 : i32
    %dma_wait3A_41 = arith.constant 0 : i32
    %dma_wait3A_42 = arith.constant 0 : i32
    %dma_wait3A_43 = tpu.memref_slice %arg4[%dma_wait3A, %dma_wait3A_41, %dma_wait3A_42] : memref<2x32x1024xf32, #tpu.memory_space<vmem>> -> memref<1x32x1024xf32, #tpu.memory_space<vmem>>
    %dma_wait3A_44 = tpu.memref_squeeze %dma_wait3A_43 : memref<1x32x1024xf32, #tpu.memory_space<vmem>> -> memref<32x1024xf32, #tpu.memory_space<vmem>>
    %dma_wait3A_45 = arith.constant 0 : i32
    %dma_wait3A_46 = tpu.memref_slice %arg2[%add3A_39, %dma_wait3A_45] : memref<8192x1024xf32, #tpu.memory_space<hbm>> -> memref<32x1024xf32, #tpu.memory_space<hbm>>
    %dma_wait3A_47 = tpu.memref_slice %arg5[%dma_wait3A_40] : memref<2x!tpu.dma_semaphore, #tpu.memory_space<semaphore_mem>> -> memref<1x!tpu.dma_semaphore, #tpu.memory_space<semaphore_mem>>
    %dma_wait3A_48 = tpu.memref_squeeze %dma_wait3A_47 : memref<1x!tpu.dma_semaphore, #tpu.memory_space<semaphore_mem>> -> memref<!tpu.dma_semaphore, #tpu.memory_space<semaphore_mem>>
    %dma_wait3A_49 = arith.constant 0 : i32
    %dma_wait3A_50 = arith.constant 0 : i32
    %dma_wait3A_51 = tpu.memref_slice %arg4[%dma_wait3A, %dma_wait3A_49, %dma_wait3A_50] : memref<2x32x1024xf32, #tpu.memory_space<vmem>> -> memref<1x32x1024xf32, #tpu.memory_space<vmem>>
    %dma_wait3A_52 = tpu.memref_squeeze %dma_wait3A_51 : memref<1x32x1024xf32, #tpu.memory_space<vmem>> -> memref<32x1024xf32, #tpu.memory_space<vmem>>
    %dma_wait3A_53 = arith.constant 0 : i32
    %dma_wait3A_54 = tpu.memref_slice %arg2[%add3A_39, %dma_wait3A_53] : memref<8192x1024xf32, #tpu.memory_space<hbm>> -> memref<32x1024xf32, #tpu.memory_space<hbm>>
    tpu.wait_dma2 semaphore(%dma_wait3A_48 : memref<!tpu.dma_semaphore, #tpu.memory_space<semaphore_mem>>) src(%dma_wait3A_54 : memref<32x1024xf32, #tpu.memory_space<hbm>>) dst(%dma_wait3A_52 : memref<32x1024xf32, #tpu.memory_space<vmem>>)
    %add3A_55 = arith.constant 0 : i32
    %add3A_56 = arith.addi %mul3A_2, %add3A_55 : i32
    %dma_start3A_57 = arith.constant 0 : i32
    %dma_start3A_58 = arith.constant 0 : i32
    %dma_start3A_59 = arith.constant 0 : i32
    %dma_start3A_60 = arith.constant 0 : i32
    %dma_start3A_61 = arith.constant 0 : i32
    %dma_start3A_62 = tpu.memref_slice %arg4[%dma_start3A_57, %dma_start3A_60, %dma_start3A_61] : memref<2x32x1024xf32, #tpu.memory_space<vmem>> -> memref<1x32x1024xf32, #tpu.memory_space<vmem>>
    %dma_start3A_63 = tpu.memref_squeeze %dma_start3A_62 : memref<1x32x1024xf32, #tpu.memory_space<vmem>> -> memref<32x1024xf32, #tpu.memory_space<vmem>>
    %dma_start3A_64 = arith.constant 0 : i32
    %dma_start3A_65 = tpu.memref_slice %arg3[%dma_start3A_58, %add3A_56, %dma_start3A_64] : memref<4x8192x1024xf32, #tpu.memory_space<hbm>> -> memref<1x32x1024xf32, #tpu.memory_space<hbm>>
    %dma_start3A_66 = tpu.memref_squeeze %dma_start3A_65 : memref<1x32x1024xf32, #tpu.memory_space<hbm>> -> memref<32x1024xf32, #tpu.memory_space<hbm>>
    %dma_start3A_67 = tpu.memref_slice %arg6[%dma_start3A_59] : memref<2x!tpu.dma_semaphore, #tpu.memory_space<semaphore_mem>> -> memref<1x!tpu.dma_semaphore, #tpu.memory_space<semaphore_mem>>
    %dma_start3A_68 = tpu.memref_squeeze %dma_start3A_67 : memref<1x!tpu.dma_semaphore, #tpu.memory_space<semaphore_mem>> -> memref<!tpu.dma_semaphore, #tpu.memory_space<semaphore_mem>>
    %dma_start3A_69 = arith.constant 0 : i32
    %dma_start3A_70 = tpu.memref_slice %arg3[%dma_start3A_58, %add3A_56, %dma_start3A_69] : memref<4x8192x1024xf32, #tpu.memory_space<hbm>> -> memref<1x32x1024xf32, #tpu.memory_space<hbm>>
    %dma_start3A_71 = tpu.memref_squeeze %dma_start3A_70 : memref<1x32x1024xf32, #tpu.memory_space<hbm>> -> memref<32x1024xf32, #tpu.memory_space<hbm>>
    %dma_start3A_72 = arith.constant 0 : i32
    %dma_start3A_73 = arith.constant 0 : i32
    %dma_start3A_74 = tpu.memref_slice %arg4[%dma_start3A_57, %dma_start3A_72, %dma_start3A_73] : memref<2x32x1024xf32, #tpu.memory_space<vmem>> -> memref<1x32x1024xf32, #tpu.memory_space<vmem>>
    %dma_start3A_75 = tpu.memref_squeeze %dma_start3A_74 : memref<1x32x1024xf32, #tpu.memory_space<vmem>> -> memref<32x1024xf32, #tpu.memory_space<vmem>>
    tpu.enqueue_dma source(%dma_start3A_75 : memref<32x1024xf32, #tpu.memory_space<vmem>>) target(%dma_start3A_71 : memref<32x1024xf32, #tpu.memory_space<hbm>>) target_semaphore(%dma_start3A_68 : memref<!tpu.dma_semaphore, #tpu.memory_space<semaphore_mem>>)
    %add3A_76 = arith.constant 0 : i32
    %add3A_77 = arith.addi %mul3A_2, %add3A_76 : i32
    %dma_start3A_78 = arith.constant 0 : i32
    %dma_start3A_79 = arith.constant 1 : i32
    %dma_start3A_80 = arith.constant 0 : i32
    %dma_start3A_81 = arith.constant 0 : i32
    %dma_start3A_82 = arith.constant 0 : i32
    %dma_start3A_83 = tpu.memref_slice %arg4[%dma_start3A_78, %dma_start3A_81, %dma_start3A_82] : memref<2x32x1024xf32, #tpu.memory_space<vmem>> -> memref<1x32x1024xf32, #tpu.memory_space<vmem>>
    %dma_start3A_84 = tpu.memref_squeeze %dma_start3A_83 : memref<1x32x1024xf32, #tpu.memory_space<vmem>> -> memref<32x1024xf32, #tpu.memory_space<vmem>>
    %dma_start3A_85 = arith.constant 0 : i32
    %dma_start3A_86 = tpu.memref_slice %arg3[%dma_start3A_79, %add3A_77, %dma_start3A_85] : memref<4x8192x1024xf32, #tpu.memory_space<hbm>> -> memref<1x32x1024xf32, #tpu.memory_space<hbm>>
    %dma_start3A_87 = tpu.memref_squeeze %dma_start3A_86 : memref<1x32x1024xf32, #tpu.memory_space<hbm>> -> memref<32x1024xf32, #tpu.memory_space<hbm>>
    %dma_start3A_88 = tpu.memref_slice %arg6[%dma_start3A_80] : memref<2x!tpu.dma_semaphore, #tpu.memory_space<semaphore_mem>> -> memref<1x!tpu.dma_semaphore, #tpu.memory_space<semaphore_mem>>
    %dma_start3A_89 = tpu.memref_squeeze %dma_start3A_88 : memref<1x!tpu.dma_semaphore, #tpu.memory_space<semaphore_mem>> -> memref<!tpu.dma_semaphore, #tpu.memory_space<semaphore_mem>>
    %dma_start3A_90 = arith.constant 0 : i32
    %dma_start3A_91 = tpu.memref_slice %arg3[%dma_start3A_79, %add3A_77, %dma_start3A_90] : memref<4x8192x1024xf32, #tpu.memory_space<hbm>> -> memref<1x32x1024xf32, #tpu.memory_space<hbm>>
    %dma_start3A_92 = tpu.memref_squeeze %dma_start3A_91 : memref<1x32x1024xf32, #tpu.memory_space<hbm>> -> memref<32x1024xf32, #tpu.memory_space<hbm>>
    %dma_start3A_93 = arith.constant 0 : i32
    %dma_start3A_94 = arith.constant 0 : i32
    %dma_start3A_95 = tpu.memref_slice %arg4[%dma_start3A_78, %dma_start3A_93, %dma_start3A_94] : memref<2x32x1024xf32, #tpu.memory_space<vmem>> -> memref<1x32x1024xf32, #tpu.memory_space<vmem>>
    %dma_start3A_96 = tpu.memref_squeeze %dma_start3A_95 : memref<1x32x1024xf32, #tpu.memory_space<vmem>> -> memref<32x1024xf32, #tpu.memory_space<vmem>>
    tpu.enqueue_dma source(%dma_start3A_96 : memref<32x1024xf32, #tpu.memory_space<vmem>>) target(%dma_start3A_92 : memref<32x1024xf32, #tpu.memory_space<hbm>>) target_semaphore(%dma_start3A_89 : memref<!tpu.dma_semaphore, #tpu.memory_space<semaphore_mem>>)
    %add3A_97 = arith.constant 0 : i32
    %add3A_98 = arith.addi %mul3A_2, %add3A_97 : i32
    %dma_start3A_99 = arith.constant 0 : i32
    %dma_start3A_100 = arith.constant 2 : i32
    %dma_start3A_101 = arith.constant 0 : i32
    %dma_start3A_102 = arith.constant 0 : i32
    %dma_start3A_103 = arith.constant 0 : i32
    %dma_start3A_104 = tpu.memref_slice %arg4[%dma_start3A_99, %dma_start3A_102, %dma_start3A_103] : memref<2x32x1024xf32, #tpu.memory_space<vmem>> -> memref<1x32x1024xf32, #tpu.memory_space<vmem>>
    %dma_start3A_105 = tpu.memref_squeeze %dma_start3A_104 : memref<1x32x1024xf32, #tpu.memory_space<vmem>> -> memref<32x1024xf32, #tpu.memory_space<vmem>>
    %dma_start3A_106 = arith.constant 0 : i32
    %dma_start3A_107 = tpu.memref_slice %arg3[%dma_start3A_100, %add3A_98, %dma_start3A_106] : memref<4x8192x1024xf32, #tpu.memory_space<hbm>> -> memref<1x32x1024xf32, #tpu.memory_space<hbm>>
    %dma_start3A_108 = tpu.memref_squeeze %dma_start3A_107 : memref<1x32x1024xf32, #tpu.memory_space<hbm>> -> memref<32x1024xf32, #tpu.memory_space<hbm>>
    %dma_start3A_109 = tpu.memref_slice %arg6[%dma_start3A_101] : memref<2x!tpu.dma_semaphore, #tpu.memory_space<semaphore_mem>> -> memref<1x!tpu.dma_semaphore, #tpu.memory_space<semaphore_mem>>
    %dma_start3A_110 = tpu.memref_squeeze %dma_start3A_109 : memref<1x!tpu.dma_semaphore, #tpu.memory_space<semaphore_mem>> -> memref<!tpu.dma_semaphore, #tpu.memory_space<semaphore_mem>>
    %dma_start3A_111 = arith.constant 0 : i32
    %dma_start3A_112 = tpu.memref_slice %arg3[%dma_start3A_100, %add3A_98, %dma_start3A_111] : memref<4x8192x1024xf32, #tpu.memory_space<hbm>> -> memref<1x32x1024xf32, #tpu.memory_space<hbm>>
    %dma_start3A_113 = tpu.memref_squeeze %dma_start3A_112 : memref<1x32x1024xf32, #tpu.memory_space<hbm>> -> memref<32x1024xf32, #tpu.memory_space<hbm>>
    %dma_start3A_114 = arith.constant 0 : i32
    %dma_start3A_115 = arith.constant 0 : i32
    %dma_start3A_116 = tpu.memref_slice %arg4[%dma_start3A_99, %dma_start3A_114, %dma_start3A_115] : memref<2x32x1024xf32, #tpu.memory_space<vmem>> -> memref<1x32x1024xf32, #tpu.memory_space<vmem>>
    %dma_start3A_117 = tpu.memref_squeeze %dma_start3A_116 : memref<1x32x1024xf32, #tpu.memory_space<vmem>> -> memref<32x1024xf32, #tpu.memory_space<vmem>>
    tpu.enqueue_dma source(%dma_start3A_117 : memref<32x1024xf32, #tpu.memory_space<vmem>>) target(%dma_start3A_113 : memref<32x1024xf32, #tpu.memory_space<hbm>>) target_semaphore(%dma_start3A_110 : memref<!tpu.dma_semaphore, #tpu.memory_space<semaphore_mem>>)
    %add3A_118 = arith.constant 0 : i32
    %add3A_119 = arith.addi %mul3A_2, %add3A_118 : i32
    %dma_start3A_120 = arith.constant 0 : i32
    %dma_start3A_121 = arith.constant 3 : i32
    %dma_start3A_122 = arith.constant 0 : i32
    %dma_start3A_123 = arith.constant 0 : i32
    %dma_start3A_124 = arith.constant 0 : i32
    %dma_start3A_125 = tpu.memref_slice %arg4[%dma_start3A_120, %dma_start3A_123, %dma_start3A_124] : memref<2x32x1024xf32, #tpu.memory_space<vmem>> -> memref<1x32x1024xf32, #tpu.memory_space<vmem>>
    %dma_start3A_126 = tpu.memref_squeeze %dma_start3A_125 : memref<1x32x1024xf32, #tpu.memory_space<vmem>> -> memref<32x1024xf32, #tpu.memory_space<vmem>>
    %dma_start3A_127 = arith.constant 0 : i32
    %dma_start3A_128 = tpu.memref_slice %arg3[%dma_start3A_121, %add3A_119, %dma_start3A_127] : memref<4x8192x1024xf32, #tpu.memory_space<hbm>> -> memref<1x32x1024xf32, #tpu.memory_space<hbm>>
    %dma_start3A_129 = tpu.memref_squeeze %dma_start3A_128 : memref<1x32x1024xf32, #tpu.memory_space<hbm>> -> memref<32x1024xf32, #tpu.memory_space<hbm>>
    %dma_start3A_130 = tpu.memref_slice %arg6[%dma_start3A_122] : memref<2x!tpu.dma_semaphore, #tpu.memory_space<semaphore_mem>> -> memref<1x!tpu.dma_semaphore, #tpu.memory_space<semaphore_mem>>
    %dma_start3A_131 = tpu.memref_squeeze %dma_start3A_130 : memref<1x!tpu.dma_semaphore, #tpu.memory_space<semaphore_mem>> -> memref<!tpu.dma_semaphore, #tpu.memory_space<semaphore_mem>>
    %dma_start3A_132 = arith.constant 0 : i32
    %dma_start3A_133 = tpu.memref_slice %arg3[%dma_start3A_121, %add3A_119, %dma_start3A_132] : memref<4x8192x1024xf32, #tpu.memory_space<hbm>> -> memref<1x32x1024xf32, #tpu.memory_space<hbm>>
    %dma_start3A_134 = tpu.memref_squeeze %dma_start3A_133 : memref<1x32x1024xf32, #tpu.memory_space<hbm>> -> memref<32x1024xf32, #tpu.memory_space<hbm>>
    %dma_start3A_135 = arith.constant 0 : i32
    %dma_start3A_136 = arith.constant 0 : i32
    %dma_start3A_137 = tpu.memref_slice %arg4[%dma_start3A_120, %dma_start3A_135, %dma_start3A_136] : memref<2x32x1024xf32, #tpu.memory_space<vmem>> -> memref<1x32x1024xf32, #tpu.memory_space<vmem>>
    %dma_start3A_138 = tpu.memref_squeeze %dma_start3A_137 : memref<1x32x1024xf32, #tpu.memory_space<vmem>> -> memref<32x1024xf32, #tpu.memory_space<vmem>>
    tpu.enqueue_dma source(%dma_start3A_138 : memref<32x1024xf32, #tpu.memory_space<vmem>>) target(%dma_start3A_134 : memref<32x1024xf32, #tpu.memory_space<hbm>>) target_semaphore(%dma_start3A_131 : memref<!tpu.dma_semaphore, #tpu.memory_space<semaphore_mem>>)
    %add3A_139 = arith.constant 0 : i32
    %add3A_140 = arith.addi %mul3A_2, %add3A_139 : i32
    %dma_wait3A_141 = arith.constant 0 : i32
    %dma_wait3A_142 = arith.constant 0 : i32
    %dma_wait3A_143 = arith.constant 0 : i32
    %dma_wait3A_144 = arith.constant 0 : i32
    %dma_wait3A_145 = arith.constant 0 : i32
    %dma_wait3A_146 = tpu.memref_slice %arg4[%dma_wait3A_141, %dma_wait3A_144, %dma_wait3A_145] : memref<2x32x1024xf32, #tpu.memory_space<vmem>> -> memref<1x32x1024xf32, #tpu.memory_space<vmem>>
    %dma_wait3A_147 = tpu.memref_squeeze %dma_wait3A_146 : memref<1x32x1024xf32, #tpu.memory_space<vmem>> -> memref<32x1024xf32, #tpu.memory_space<vmem>>
    %dma_wait3A_148 = arith.constant 0 : i32
    %dma_wait3A_149 = tpu.memref_slice %arg3[%dma_wait3A_142, %add3A_140, %dma_wait3A_148] : memref<4x8192x1024xf32, #tpu.memory_space<hbm>> -> memref<1x32x1024xf32, #tpu.memory_space<hbm>>
    %dma_wait3A_150 = tpu.memref_squeeze %dma_wait3A_149 : memref<1x32x1024xf32, #tpu.memory_space<hbm>> -> memref<32x1024xf32, #tpu.memory_space<hbm>>
    %dma_wait3A_151 = tpu.memref_slice %arg6[%dma_wait3A_143] : memref<2x!tpu.dma_semaphore, #tpu.memory_space<semaphore_mem>> -> memref<1x!tpu.dma_semaphore, #tpu.memory_space<semaphore_mem>>
    %dma_wait3A_152 = tpu.memref_squeeze %dma_wait3A_151 : memref<1x!tpu.dma_semaphore, #tpu.memory_space<semaphore_mem>> -> memref<!tpu.dma_semaphore, #tpu.memory_space<semaphore_mem>>
    %dma_wait3A_153 = arith.constant 0 : i32
    %dma_wait3A_154 = tpu.memref_slice %arg3[%dma_wait3A_142, %add3A_140, %dma_wait3A_153] : memref<4x8192x1024xf32, #tpu.memory_space<hbm>> -> memref<1x32x1024xf32, #tpu.memory_space<hbm>>
    %dma_wait3A_155 = tpu.memref_squeeze %dma_wait3A_154 : memref<1x32x1024xf32, #tpu.memory_space<hbm>> -> memref<32x1024xf32, #tpu.memory_space<hbm>>
    %dma_wait3A_156 = arith.constant 0 : i32
    %dma_wait3A_157 = arith.constant 0 : i32
    %dma_wait3A_158 = tpu.memref_slice %arg4[%dma_wait3A_141, %dma_wait3A_156, %dma_wait3A_157] : memref<2x32x1024xf32, #tpu.memory_space<vmem>> -> memref<1x32x1024xf32, #tpu.memory_space<vmem>>
    %dma_wait3A_159 = tpu.memref_squeeze %dma_wait3A_158 : memref<1x32x1024xf32, #tpu.memory_space<vmem>> -> memref<32x1024xf32, #tpu.memory_space<vmem>>
    tpu.wait_dma2 semaphore(%dma_wait3A_152 : memref<!tpu.dma_semaphore, #tpu.memory_space<semaphore_mem>>) src(%dma_wait3A_159 : memref<32x1024xf32, #tpu.memory_space<vmem>>) dst(%dma_wait3A_155 : memref<32x1024xf32, #tpu.memory_space<hbm>>)
    %add3A_160 = arith.constant 0 : i32
    %add3A_161 = arith.addi %mul3A_2, %add3A_160 : i32
    %dma_wait3A_162 = arith.constant 0 : i32
    %dma_wait3A_163 = arith.constant 1 : i32
    %dma_wait3A_164 = arith.constant 0 : i32
    %dma_wait3A_165 = arith.constant 0 : i32
    %dma_wait3A_166 = arith.constant 0 : i32
    %dma_wait3A_167 = tpu.memref_slice %arg4[%dma_wait3A_162, %dma_wait3A_165, %dma_wait3A_166] : memref<2x32x1024xf32, #tpu.memory_space<vmem>> -> memref<1x32x1024xf32, #tpu.memory_space<vmem>>
    %dma_wait3A_168 = tpu.memref_squeeze %dma_wait3A_167 : memref<1x32x1024xf32, #tpu.memory_space<vmem>> -> memref<32x1024xf32, #tpu.memory_space<vmem>>
    %dma_wait3A_169 = arith.constant 0 : i32
    %dma_wait3A_170 = tpu.memref_slice %arg3[%dma_wait3A_163, %add3A_161, %dma_wait3A_169] : memref<4x8192x1024xf32, #tpu.memory_space<hbm>> -> memref<1x32x1024xf32, #tpu.memory_space<hbm>>
    %dma_wait3A_171 = tpu.memref_squeeze %dma_wait3A_170 : memref<1x32x1024xf32, #tpu.memory_space<hbm>> -> memref<32x1024xf32, #tpu.memory_space<hbm>>
    %dma_wait3A_172 = tpu.memref_slice %arg6[%dma_wait3A_164] : memref<2x!tpu.dma_semaphore, #tpu.memory_space<semaphore_mem>> -> memref<1x!tpu.dma_semaphore, #tpu.memory_space<semaphore_mem>>
    %dma_wait3A_173 = tpu.memref_squeeze %dma_wait3A_172 : memref<1x!tpu.dma_semaphore, #tpu.memory_space<semaphore_mem>> -> memref<!tpu.dma_semaphore, #tpu.memory_space<semaphore_mem>>
    %dma_wait3A_174 = arith.constant 0 : i32
    %dma_wait3A_175 = tpu.memref_slice %arg3[%dma_wait3A_163, %add3A_161, %dma_wait3A_174] : memref<4x8192x1024xf32, #tpu.memory_space<hbm>> -> memref<1x32x1024xf32, #tpu.memory_space<hbm>>
    %dma_wait3A_176 = tpu.memref_squeeze %dma_wait3A_175 : memref<1x32x1024xf32, #tpu.memory_space<hbm>> -> memref<32x1024xf32, #tpu.memory_space<hbm>>
    %dma_wait3A_177 = arith.constant 0 : i32
    %dma_wait3A_178 = arith.constant 0 : i32
    %dma_wait3A_179 = tpu.memref_slice %arg4[%dma_wait3A_162, %dma_wait3A_177, %dma_wait3A_178] : memref<2x32x1024xf32, #tpu.memory_space<vmem>> -> memref<1x32x1024xf32, #tpu.memory_space<vmem>>
    %dma_wait3A_180 = tpu.memref_squeeze %dma_wait3A_179 : memref<1x32x1024xf32, #tpu.memory_space<vmem>> -> memref<32x1024xf32, #tpu.memory_space<vmem>>
    tpu.wait_dma2 semaphore(%dma_wait3A_173 : memref<!tpu.dma_semaphore, #tpu.memory_space<semaphore_mem>>) src(%dma_wait3A_180 : memref<32x1024xf32, #tpu.memory_space<vmem>>) dst(%dma_wait3A_176 : memref<32x1024xf32, #tpu.memory_space<hbm>>)
    %add3A_181 = arith.constant 0 : i32
    %add3A_182 = arith.addi %mul3A_2, %add3A_181 : i32
    %dma_wait3A_183 = arith.constant 0 : i32
    %dma_wait3A_184 = arith.constant 2 : i32
    %dma_wait3A_185 = arith.constant 0 : i32
    %dma_wait3A_186 = arith.constant 0 : i32
    %dma_wait3A_187 = arith.constant 0 : i32
    %dma_wait3A_188 = tpu.memref_slice %arg4[%dma_wait3A_183, %dma_wait3A_186, %dma_wait3A_187] : memref<2x32x1024xf32, #tpu.memory_space<vmem>> -> memref<1x32x1024xf32, #tpu.memory_space<vmem>>
    %dma_wait3A_189 = tpu.memref_squeeze %dma_wait3A_188 : memref<1x32x1024xf32, #tpu.memory_space<vmem>> -> memref<32x1024xf32, #tpu.memory_space<vmem>>
    %dma_wait3A_190 = arith.constant 0 : i32
    %dma_wait3A_191 = tpu.memref_slice %arg3[%dma_wait3A_184, %add3A_182, %dma_wait3A_190] : memref<4x8192x1024xf32, #tpu.memory_space<hbm>> -> memref<1x32x1024xf32, #tpu.memory_space<hbm>>
    %dma_wait3A_192 = tpu.memref_squeeze %dma_wait3A_191 : memref<1x32x1024xf32, #tpu.memory_space<hbm>> -> memref<32x1024xf32, #tpu.memory_space<hbm>>
    %dma_wait3A_193 = tpu.memref_slice %arg6[%dma_wait3A_185] : memref<2x!tpu.dma_semaphore, #tpu.memory_space<semaphore_mem>> -> memref<1x!tpu.dma_semaphore, #tpu.memory_space<semaphore_mem>>
    %dma_wait3A_194 = tpu.memref_squeeze %dma_wait3A_193 : memref<1x!tpu.dma_semaphore, #tpu.memory_space<semaphore_mem>> -> memref<!tpu.dma_semaphore, #tpu.memory_space<semaphore_mem>>
    %dma_wait3A_195 = arith.constant 0 : i32
    %dma_wait3A_196 = tpu.memref_slice %arg3[%dma_wait3A_184, %add3A_182, %dma_wait3A_195] : memref<4x8192x1024xf32, #tpu.memory_space<hbm>> -> memref<1x32x1024xf32, #tpu.memory_space<hbm>>
    %dma_wait3A_197 = tpu.memref_squeeze %dma_wait3A_196 : memref<1x32x1024xf32, #tpu.memory_space<hbm>> -> memref<32x1024xf32, #tpu.memory_space<hbm>>
    %dma_wait3A_198 = arith.constant 0 : i32
    %dma_wait3A_199 = arith.constant 0 : i32
    %dma_wait3A_200 = tpu.memref_slice %arg4[%dma_wait3A_183, %dma_wait3A_198, %dma_wait3A_199] : memref<2x32x1024xf32, #tpu.memory_space<vmem>> -> memref<1x32x1024xf32, #tpu.memory_space<vmem>>
    %dma_wait3A_201 = tpu.memref_squeeze %dma_wait3A_200 : memref<1x32x1024xf32, #tpu.memory_space<vmem>> -> memref<32x1024xf32, #tpu.memory_space<vmem>>
    tpu.wait_dma2 semaphore(%dma_wait3A_194 : memref<!tpu.dma_semaphore, #tpu.memory_space<semaphore_mem>>) src(%dma_wait3A_201 : memref<32x1024xf32, #tpu.memory_space<vmem>>) dst(%dma_wait3A_197 : memref<32x1024xf32, #tpu.memory_space<hbm>>)
    %add3A_202 = arith.constant 0 : i32
    %add3A_203 = arith.addi %mul3A_2, %add3A_202 : i32
    %dma_wait3A_204 = arith.constant 0 : i32
    %dma_wait3A_205 = arith.constant 3 : i32
    %dma_wait3A_206 = arith.constant 0 : i32
    %dma_wait3A_207 = arith.constant 0 : i32
    %dma_wait3A_208 = arith.constant 0 : i32
    %dma_wait3A_209 = tpu.memref_slice %arg4[%dma_wait3A_204, %dma_wait3A_207, %dma_wait3A_208] : memref<2x32x1024xf32, #tpu.memory_space<vmem>> -> memref<1x32x1024xf32, #tpu.memory_space<vmem>>
    %dma_wait3A_210 = tpu.memref_squeeze %dma_wait3A_209 : memref<1x32x1024xf32, #tpu.memory_space<vmem>> -> memref<32x1024xf32, #tpu.memory_space<vmem>>
    %dma_wait3A_211 = arith.constant 0 : i32
    %dma_wait3A_212 = tpu.memref_slice %arg3[%dma_wait3A_205, %add3A_203, %dma_wait3A_211] : memref<4x8192x1024xf32, #tpu.memory_space<hbm>> -> memref<1x32x1024xf32, #tpu.memory_space<hbm>>
    %dma_wait3A_213 = tpu.memref_squeeze %dma_wait3A_212 : memref<1x32x1024xf32, #tpu.memory_space<hbm>> -> memref<32x1024xf32, #tpu.memory_space<hbm>>
    %dma_wait3A_214 = tpu.memref_slice %arg6[%dma_wait3A_206] : memref<2x!tpu.dma_semaphore, #tpu.memory_space<semaphore_mem>> -> memref<1x!tpu.dma_semaphore, #tpu.memory_space<semaphore_mem>>
    %dma_wait3A_215 = tpu.memref_squeeze %dma_wait3A_214 : memref<1x!tpu.dma_semaphore, #tpu.memory_space<semaphore_mem>> -> memref<!tpu.dma_semaphore, #tpu.memory_space<semaphore_mem>>
    %dma_wait3A_216 = arith.constant 0 : i32
    %dma_wait3A_217 = tpu.memref_slice %arg3[%dma_wait3A_205, %add3A_203, %dma_wait3A_216] : memref<4x8192x1024xf32, #tpu.memory_space<hbm>> -> memref<1x32x1024xf32, #tpu.memory_space<hbm>>
    %dma_wait3A_218 = tpu.memref_squeeze %dma_wait3A_217 : memref<1x32x1024xf32, #tpu.memory_space<hbm>> -> memref<32x1024xf32, #tpu.memory_space<hbm>>
    %dma_wait3A_219 = arith.constant 0 : i32
    %dma_wait3A_220 = arith.constant 0 : i32
    %dma_wait3A_221 = tpu.memref_slice %arg4[%dma_wait3A_204, %dma_wait3A_219, %dma_wait3A_220] : memref<2x32x1024xf32, #tpu.memory_space<vmem>> -> memref<1x32x1024xf32, #tpu.memory_space<vmem>>
    %dma_wait3A_222 = tpu.memref_squeeze %dma_wait3A_221 : memref<1x32x1024xf32, #tpu.memory_space<vmem>> -> memref<32x1024xf32, #tpu.memory_space<vmem>>
    tpu.wait_dma2 semaphore(%dma_wait3A_215 : memref<!tpu.dma_semaphore, #tpu.memory_space<semaphore_mem>>) src(%dma_wait3A_222 : memref<32x1024xf32, #tpu.memory_space<vmem>>) dst(%dma_wait3A_218 : memref<32x1024xf32, #tpu.memory_space<hbm>>)
    %add3A_223 = arith.constant 64 : i32
    %add3A_224 = arith.addi %mul3A_2, %add3A_223 : i32
    %dma_start3A_225 = arith.constant 0 : i32
    %dma_start3A_226 = arith.constant 0 : i32
    %dma_start3A_227 = arith.constant 0 : i32
    %dma_start3A_228 = arith.constant 0 : i32
    %dma_start3A_229 = tpu.memref_slice %arg4[%dma_start3A_225, %dma_start3A_227, %dma_start3A_228] : memref<2x32x1024xf32, #tpu.memory_space<vmem>> -> memref<1x32x1024xf32, #tpu.memory_space<vmem>>
    %dma_start3A_230 = tpu.memref_squeeze %dma_start3A_229 : memref<1x32x1024xf32, #tpu.memory_space<vmem>> -> memref<32x1024xf32, #tpu.memory_space<vmem>>
    %dma_start3A_231 = arith.constant 0 : i32
    %dma_start3A_232 = tpu.memref_slice %arg2[%add3A_224, %dma_start3A_231] : memref<8192x1024xf32, #tpu.memory_space<hbm>> -> memref<32x1024xf32, #tpu.memory_space<hbm>>
    %dma_start3A_233 = tpu.memref_slice %arg5[%dma_start3A_226] : memref<2x!tpu.dma_semaphore, #tpu.memory_space<semaphore_mem>> -> memref<1x!tpu.dma_semaphore, #tpu.memory_space<semaphore_mem>>
    %dma_start3A_234 = tpu.memref_squeeze %dma_start3A_233 : memref<1x!tpu.dma_semaphore, #tpu.memory_space<semaphore_mem>> -> memref<!tpu.dma_semaphore, #tpu.memory_space<semaphore_mem>>
    %dma_start3A_235 = arith.constant 0 : i32
    %dma_start3A_236 = arith.constant 0 : i32
    %dma_start3A_237 = tpu.memref_slice %arg4[%dma_start3A_225, %dma_start3A_235, %dma_start3A_236] : memref<2x32x1024xf32, #tpu.memory_space<vmem>> -> memref<1x32x1024xf32, #tpu.memory_space<vmem>>
    %dma_start3A_238 = tpu.memref_squeeze %dma_start3A_237 : memref<1x32x1024xf32, #tpu.memory_space<vmem>> -> memref<32x1024xf32, #tpu.memory_space<vmem>>
    %dma_start3A_239 = arith.constant 0 : i32
    %dma_start3A_240 = tpu.memref_slice %arg2[%add3A_224, %dma_start3A_239] : memref<8192x1024xf32, #tpu.memory_space<hbm>> -> memref<32x1024xf32, #tpu.memory_space<hbm>>
    tpu.enqueue_dma source(%dma_start3A_240 : memref<32x1024xf32, #tpu.memory_space<hbm>>) target(%dma_start3A_238 : memref<32x1024xf32, #tpu.memory_space<vmem>>) target_semaphore(%dma_start3A_234 : memref<!tpu.dma_semaphore, #tpu.memory_space<semaphore_mem>>)
    %add3A_241 = arith.constant 32 : i32
    %add3A_242 = arith.addi %mul3A_2, %add3A_241 : i32
    %dma_wait3A_243 = arith.constant 1 : i32
    %dma_wait3A_244 = arith.constant 1 : i32
    %dma_wait3A_245 = arith.constant 0 : i32
    %dma_wait3A_246 = arith.constant 0 : i32
    %dma_wait3A_247 = tpu.memref_slice %arg4[%dma_wait3A_243, %dma_wait3A_245, %dma_wait3A_246] : memref<2x32x1024xf32, #tpu.memory_space<vmem>> -> memref<1x32x1024xf32, #tpu.memory_space<vmem>>
    %dma_wait3A_248 = tpu.memref_squeeze %dma_wait3A_247 : memref<1x32x1024xf32, #tpu.memory_space<vmem>> -> memref<32x1024xf32, #tpu.memory_space<vmem>>
    %dma_wait3A_249 = arith.constant 0 : i32
    %dma_wait3A_250 = tpu.memref_slice %arg2[%add3A_242, %dma_wait3A_249] : memref<8192x1024xf32, #tpu.memory_space<hbm>> -> memref<32x1024xf32, #tpu.memory_space<hbm>>
    %dma_wait3A_251 = tpu.memref_slice %arg5[%dma_wait3A_244] : memref<2x!tpu.dma_semaphore, #tpu.memory_space<semaphore_mem>> -> memref<1x!tpu.dma_semaphore, #tpu.memory_space<semaphore_mem>>
    %dma_wait3A_252 = tpu.memref_squeeze %dma_wait3A_251 : memref<1x!tpu.dma_semaphore, #tpu.memory_space<semaphore_mem>> -> memref<!tpu.dma_semaphore, #tpu.memory_space<semaphore_mem>>
    %dma_wait3A_253 = arith.constant 0 : i32
    %dma_wait3A_254 = arith.constant 0 : i32
    %dma_wait3A_255 = tpu.memref_slice %arg4[%dma_wait3A_243, %dma_wait3A_253, %dma_wait3A_254] : memref<2x32x1024xf32, #tpu.memory_space<vmem>> -> memref<1x32x1024xf32, #tpu.memory_space<vmem>>
    %dma_wait3A_256 = tpu.memref_squeeze %dma_wait3A_255 : memref<1x32x1024xf32, #tpu.memory_space<vmem>> -> memref<32x1024xf32, #tpu.memory_space<vmem>>
    %dma_wait3A_257 = arith.constant 0 : i32
    %dma_wait3A_258 = tpu.memref_slice %arg2[%add3A_242, %dma_wait3A_257] : memref<8192x1024xf32, #tpu.memory_space<hbm>> -> memref<32x1024xf32, #tpu.memory_space<hbm>>
    tpu.wait_dma2 semaphore(%dma_wait3A_252 : memref<!tpu.dma_semaphore, #tpu.memory_space<semaphore_mem>>) src(%dma_wait3A_258 : memref<32x1024xf32, #tpu.memory_space<hbm>>) dst(%dma_wait3A_256 : memref<32x1024xf32, #tpu.memory_space<vmem>>)
    %add3A_259 = arith.constant 32 : i32
    %add3A_260 = arith.addi %mul3A_2, %add3A_259 : i32
    %dma_start3A_261 = arith.constant 1 : i32
    %dma_start3A_262 = arith.constant 0 : i32
    %dma_start3A_263 = arith.constant 1 : i32
    %dma_start3A_264 = arith.constant 0 : i32
    %dma_start3A_265 = arith.constant 0 : i32
    %dma_start3A_266 = tpu.memref_slice %arg4[%dma_start3A_261, %dma_start3A_264, %dma_start3A_265] : memref<2x32x1024xf32, #tpu.memory_space<vmem>> -> memref<1x32x1024xf32, #tpu.memory_space<vmem>>
    %dma_start3A_267 = tpu.memref_squeeze %dma_start3A_266 : memref<1x32x1024xf32, #tpu.memory_space<vmem>> -> memref<32x1024xf32, #tpu.memory_space<vmem>>
    %dma_start3A_268 = arith.constant 0 : i32
    %dma_start3A_269 = tpu.memref_slice %arg3[%dma_start3A_262, %add3A_260, %dma_start3A_268] : memref<4x8192x1024xf32, #tpu.memory_space<hbm>> -> memref<1x32x1024xf32, #tpu.memory_space<hbm>>
    %dma_start3A_270 = tpu.memref_squeeze %dma_start3A_269 : memref<1x32x1024xf32, #tpu.memory_space<hbm>> -> memref<32x1024xf32, #tpu.memory_space<hbm>>
    %dma_start3A_271 = tpu.memref_slice %arg6[%dma_start3A_263] : memref<2x!tpu.dma_semaphore, #tpu.memory_space<semaphore_mem>> -> memref<1x!tpu.dma_semaphore, #tpu.memory_space<semaphore_mem>>
    %dma_start3A_272 = tpu.memref_squeeze %dma_start3A_271 : memref<1x!tpu.dma_semaphore, #tpu.memory_space<semaphore_mem>> -> memref<!tpu.dma_semaphore, #tpu.memory_space<semaphore_mem>>
    %dma_start3A_273 = arith.constant 0 : i32
    %dma_start3A_274 = tpu.memref_slice %arg3[%dma_start3A_262, %add3A_260, %dma_start3A_273] : memref<4x8192x1024xf32, #tpu.memory_space<hbm>> -> memref<1x32x1024xf32, #tpu.memory_space<hbm>>
    %dma_start3A_275 = tpu.memref_squeeze %dma_start3A_274 : memref<1x32x1024xf32, #tpu.memory_space<hbm>> -> memref<32x1024xf32, #tpu.memory_space<hbm>>
    %dma_start3A_276 = arith.constant 0 : i32
    %dma_start3A_277 = arith.constant 0 : i32
    %dma_start3A_278 = tpu.memref_slice %arg4[%dma_start3A_261, %dma_start3A_276, %dma_start3A_277] : memref<2x32x1024xf32, #tpu.memory_space<vmem>> -> memref<1x32x1024xf32, #tpu.memory_space<vmem>>
    %dma_start3A_279 = tpu.memref_squeeze %dma_start3A_278 : memref<1x32x1024xf32, #tpu.memory_space<vmem>> -> memref<32x1024xf32, #tpu.memory_space<vmem>>
    tpu.enqueue_dma source(%dma_start3A_279 : memref<32x1024xf32, #tpu.memory_space<vmem>>) target(%dma_start3A_275 : memref<32x1024xf32, #tpu.memory_space<hbm>>) target_semaphore(%dma_start3A_272 : memref<!tpu.dma_semaphore, #tpu.memory_space<semaphore_mem>>)
    %add3A_280 = arith.constant 32 : i32
    %add3A_281 = arith.addi %mul3A_2, %add3A_280 : i32
    %dma_start3A_282 = arith.constant 1 : i32
    %dma_start3A_283 = arith.constant 1 : i32
    %dma_start3A_284 = arith.constant 1 : i32
    %dma_start3A_285 = arith.constant 0 : i32
    %dma_start3A_286 = arith.constant 0 : i32
    %dma_start3A_287 = tpu.memref_slice %arg4[%dma_start3A_282, %dma_start3A_285, %dma_start3A_286] : memref<2x32x1024xf32, #tpu.memory_space<vmem>> -> memref<1x32x1024xf32, #tpu.memory_space<vmem>>
    %dma_start3A_288 = tpu.memref_squeeze %dma_start3A_287 : memref<1x32x1024xf32, #tpu.memory_space<vmem>> -> memref<32x1024xf32, #tpu.memory_space<vmem>>
    %dma_start3A_289 = arith.constant 0 : i32
    %dma_start3A_290 = tpu.memref_slice %arg3[%dma_start3A_283, %add3A_281, %dma_start3A_289] : memref<4x8192x1024xf32, #tpu.memory_space<hbm>> -> memref<1x32x1024xf32, #tpu.memory_space<hbm>>
    %dma_start3A_291 = tpu.memref_squeeze %dma_start3A_290 : memref<1x32x1024xf32, #tpu.memory_space<hbm>> -> memref<32x1024xf32, #tpu.memory_space<hbm>>
    %dma_start3A_292 = tpu.memref_slice %arg6[%dma_start3A_284] : memref<2x!tpu.dma_semaphore, #tpu.memory_space<semaphore_mem>> -> memref<1x!tpu.dma_semaphore, #tpu.memory_space<semaphore_mem>>
    %dma_start3A_293 = tpu.memref_squeeze %dma_start3A_292 : memref<1x!tpu.dma_semaphore, #tpu.memory_space<semaphore_mem>> -> memref<!tpu.dma_semaphore, #tpu.memory_space<semaphore_mem>>
    %dma_start3A_294 = arith.constant 0 : i32
    %dma_start3A_295 = tpu.memref_slice %arg3[%dma_start3A_283, %add3A_281, %dma_start3A_294] : memref<4x8192x1024xf32, #tpu.memory_space<hbm>> -> memref<1x32x1024xf32, #tpu.memory_space<hbm>>
    %dma_start3A_296 = tpu.memref_squeeze %dma_start3A_295 : memref<1x32x1024xf32, #tpu.memory_space<hbm>> -> memref<32x1024xf32, #tpu.memory_space<hbm>>
    %dma_start3A_297 = arith.constant 0 : i32
    %dma_start3A_298 = arith.constant 0 : i32
    %dma_start3A_299 = tpu.memref_slice %arg4[%dma_start3A_282, %dma_start3A_297, %dma_start3A_298] : memref<2x32x1024xf32, #tpu.memory_space<vmem>> -> memref<1x32x1024xf32, #tpu.memory_space<vmem>>
    %dma_start3A_300 = tpu.memref_squeeze %dma_start3A_299 : memref<1x32x1024xf32, #tpu.memory_space<vmem>> -> memref<32x1024xf32, #tpu.memory_space<vmem>>
    tpu.enqueue_dma source(%dma_start3A_300 : memref<32x1024xf32, #tpu.memory_space<vmem>>) target(%dma_start3A_296 : memref<32x1024xf32, #tpu.memory_space<hbm>>) target_semaphore(%dma_start3A_293 : memref<!tpu.dma_semaphore, #tpu.memory_space<semaphore_mem>>)
    %add3A_301 = arith.constant 32 : i32
    %add3A_302 = arith.addi %mul3A_2, %add3A_301 : i32
    %dma_start3A_303 = arith.constant 1 : i32
    %dma_start3A_304 = arith.constant 2 : i32
    %dma_start3A_305 = arith.constant 1 : i32
    %dma_start3A_306 = arith.constant 0 : i32
    %dma_start3A_307 = arith.constant 0 : i32
    %dma_start3A_308 = tpu.memref_slice %arg4[%dma_start3A_303, %dma_start3A_306, %dma_start3A_307] : memref<2x32x1024xf32, #tpu.memory_space<vmem>> -> memref<1x32x1024xf32, #tpu.memory_space<vmem>>
    %dma_start3A_309 = tpu.memref_squeeze %dma_start3A_308 : memref<1x32x1024xf32, #tpu.memory_space<vmem>> -> memref<32x1024xf32, #tpu.memory_space<vmem>>
    %dma_start3A_310 = arith.constant 0 : i32
    %dma_start3A_311 = tpu.memref_slice %arg3[%dma_start3A_304, %add3A_302, %dma_start3A_310] : memref<4x8192x1024xf32, #tpu.memory_space<hbm>> -> memref<1x32x1024xf32, #tpu.memory_space<hbm>>
    %dma_start3A_312 = tpu.memref_squeeze %dma_start3A_311 : memref<1x32x1024xf32, #tpu.memory_space<hbm>> -> memref<32x1024xf32, #tpu.memory_space<hbm>>
    %dma_start3A_313 = tpu.memref_slice %arg6[%dma_start3A_305] : memref<2x!tpu.dma_semaphore, #tpu.memory_space<semaphore_mem>> -> memref<1x!tpu.dma_semaphore, #tpu.memory_space<semaphore_mem>>
    %dma_start3A_314 = tpu.memref_squeeze %dma_start3A_313 : memref<1x!tpu.dma_semaphore, #tpu.memory_space<semaphore_mem>> -> memref<!tpu.dma_semaphore, #tpu.memory_space<semaphore_mem>>
    %dma_start3A_315 = arith.constant 0 : i32
    %dma_start3A_316 = tpu.memref_slice %arg3[%dma_start3A_304, %add3A_302, %dma_start3A_315] : memref<4x8192x1024xf32, #tpu.memory_space<hbm>> -> memref<1x32x1024xf32, #tpu.memory_space<hbm>>
    %dma_start3A_317 = tpu.memref_squeeze %dma_start3A_316 : memref<1x32x1024xf32, #tpu.memory_space<hbm>> -> memref<32x1024xf32, #tpu.memory_space<hbm>>
    %dma_start3A_318 = arith.constant 0 : i32
    %dma_start3A_319 = arith.constant 0 : i32
    %dma_start3A_320 = tpu.memref_slice %arg4[%dma_start3A_303, %dma_start3A_318, %dma_start3A_319] : memref<2x32x1024xf32, #tpu.memory_space<vmem>> -> memref<1x32x1024xf32, #tpu.memory_space<vmem>>
    %dma_start3A_321 = tpu.memref_squeeze %dma_start3A_320 : memref<1x32x1024xf32, #tpu.memory_space<vmem>> -> memref<32x1024xf32, #tpu.memory_space<vmem>>
    tpu.enqueue_dma source(%dma_start3A_321 : memref<32x1024xf32, #tpu.memory_space<vmem>>) target(%dma_start3A_317 : memref<32x1024xf32, #tpu.memory_space<hbm>>) target_semaphore(%dma_start3A_314 : memref<!tpu.dma_semaphore, #tpu.memory_space<semaphore_mem>>)
    %add3A_322 = arith.constant 32 : i32
    %add3A_323 = arith.addi %mul3A_2, %add3A_322 : i32
    %dma_start3A_324 = arith.constant 1 : i32
    %dma_start3A_325 = arith.constant 3 : i32
    %dma_start3A_326 = arith.constant 1 : i32
    %dma_start3A_327 = arith.constant 0 : i32
    %dma_start3A_328 = arith.constant 0 : i32
    %dma_start3A_329 = tpu.memref_slice %arg4[%dma_start3A_324, %dma_start3A_327, %dma_start3A_328] : memref<2x32x1024xf32, #tpu.memory_space<vmem>> -> memref<1x32x1024xf32, #tpu.memory_space<vmem>>
    %dma_start3A_330 = tpu.memref_squeeze %dma_start3A_329 : memref<1x32x1024xf32, #tpu.memory_space<vmem>> -> memref<32x1024xf32, #tpu.memory_space<vmem>>
    %dma_start3A_331 = arith.constant 0 : i32
    %dma_start3A_332 = tpu.memref_slice %arg3[%dma_start3A_325, %add3A_323, %dma_start3A_331] : memref<4x8192x1024xf32, #tpu.memory_space<hbm>> -> memref<1x32x1024xf32, #tpu.memory_space<hbm>>
    %dma_start3A_333 = tpu.memref_squeeze %dma_start3A_332 : memref<1x32x1024xf32, #tpu.memory_space<hbm>> -> memref<32x1024xf32, #tpu.memory_space<hbm>>
    %dma_start3A_334 = tpu.memref_slice %arg6[%dma_start3A_326] : memref<2x!tpu.dma_semaphore, #tpu.memory_space<semaphore_mem>> -> memref<1x!tpu.dma_semaphore, #tpu.memory_space<semaphore_mem>>
    %dma_start3A_335 = tpu.memref_squeeze %dma_start3A_334 : memref<1x!tpu.dma_semaphore, #tpu.memory_space<semaphore_mem>> -> memref<!tpu.dma_semaphore, #tpu.memory_space<semaphore_mem>>
    %dma_start3A_336 = arith.constant 0 : i32
    %dma_start3A_337 = tpu.memref_slice %arg3[%dma_start3A_325, %add3A_323, %dma_start3A_336] : memref<4x8192x1024xf32, #tpu.memory_space<hbm>> -> memref<1x32x1024xf32, #tpu.memory_space<hbm>>
    %dma_start3A_338 = tpu.memref_squeeze %dma_start3A_337 : memref<1x32x1024xf32, #tpu.memory_space<hbm>> -> memref<32x1024xf32, #tpu.memory_space<hbm>>
    %dma_start3A_339 = arith.constant 0 : i32
    %dma_start3A_340 = arith.constant 0 : i32
    %dma_start3A_341 = tpu.memref_slice %arg4[%dma_start3A_324, %dma_start3A_339, %dma_start3A_340] : memref<2x32x1024xf32, #tpu.memory_space<vmem>> -> memref<1x32x1024xf32, #tpu.memory_space<vmem>>
    %dma_start3A_342 = tpu.memref_squeeze %dma_start3A_341 : memref<1x32x1024xf32, #tpu.memory_space<vmem>> -> memref<32x1024xf32, #tpu.memory_space<vmem>>
    tpu.enqueue_dma source(%dma_start3A_342 : memref<32x1024xf32, #tpu.memory_space<vmem>>) target(%dma_start3A_338 : memref<32x1024xf32, #tpu.memory_space<hbm>>) target_semaphore(%dma_start3A_335 : memref<!tpu.dma_semaphore, #tpu.memory_space<semaphore_mem>>)
    %add3A_343 = arith.constant 32 : i32
    %add3A_344 = arith.addi %mul3A_2, %add3A_343 : i32
    %dma_wait3A_345 = arith.constant 1 : i32
    %dma_wait3A_346 = arith.constant 0 : i32
    %dma_wait3A_347 = arith.constant 1 : i32
    %dma_wait3A_348 = arith.constant 0 : i32
    %dma_wait3A_349 = arith.constant 0 : i32
    %dma_wait3A_350 = tpu.memref_slice %arg4[%dma_wait3A_345, %dma_wait3A_348, %dma_wait3A_349] : memref<2x32x1024xf32, #tpu.memory_space<vmem>> -> memref<1x32x1024xf32, #tpu.memory_space<vmem>>
    %dma_wait3A_351 = tpu.memref_squeeze %dma_wait3A_350 : memref<1x32x1024xf32, #tpu.memory_space<vmem>> -> memref<32x1024xf32, #tpu.memory_space<vmem>>
    %dma_wait3A_352 = arith.constant 0 : i32
    %dma_wait3A_353 = tpu.memref_slice %arg3[%dma_wait3A_346, %add3A_344, %dma_wait3A_352] : memref<4x8192x1024xf32, #tpu.memory_space<hbm>> -> memref<1x32x1024xf32, #tpu.memory_space<hbm>>
    %dma_wait3A_354 = tpu.memref_squeeze %dma_wait3A_353 : memref<1x32x1024xf32, #tpu.memory_space<hbm>> -> memref<32x1024xf32, #tpu.memory_space<hbm>>
    %dma_wait3A_355 = tpu.memref_slice %arg6[%dma_wait3A_347] : memref<2x!tpu.dma_semaphore, #tpu.memory_space<semaphore_mem>> -> memref<1x!tpu.dma_semaphore, #tpu.memory_space<semaphore_mem>>
    %dma_wait3A_356 = tpu.memref_squeeze %dma_wait3A_355 : memref<1x!tpu.dma_semaphore, #tpu.memory_space<semaphore_mem>> -> memref<!tpu.dma_semaphore, #tpu.memory_space<semaphore_mem>>
    %dma_wait3A_357 = arith.constant 0 : i32
    %dma_wait3A_358 = tpu.memref_slice %arg3[%dma_wait3A_346, %add3A_344, %dma_wait3A_357] : memref<4x8192x1024xf32, #tpu.memory_space<hbm>> -> memref<1x32x1024xf32, #tpu.memory_space<hbm>>
    %dma_wait3A_359 = tpu.memref_squeeze %dma_wait3A_358 : memref<1x32x1024xf32, #tpu.memory_space<hbm>> -> memref<32x1024xf32, #tpu.memory_space<hbm>>
    %dma_wait3A_360 = arith.constant 0 : i32
    %dma_wait3A_361 = arith.constant 0 : i32
    %dma_wait3A_362 = tpu.memref_slice %arg4[%dma_wait3A_345, %dma_wait3A_360, %dma_wait3A_361] : memref<2x32x1024xf32, #tpu.memory_space<vmem>> -> memref<1x32x1024xf32, #tpu.memory_space<vmem>>
    %dma_wait3A_363 = tpu.memref_squeeze %dma_wait3A_362 : memref<1x32x1024xf32, #tpu.memory_space<vmem>> -> memref<32x1024xf32, #tpu.memory_space<vmem>>
    tpu.wait_dma2 semaphore(%dma_wait3A_356 : memref<!tpu.dma_semaphore, #tpu.memory_space<semaphore_mem>>) src(%dma_wait3A_363 : memref<32x1024xf32, #tpu.memory_space<vmem>>) dst(%dma_wait3A_359 : memref<32x1024xf32, #tpu.memory_space<hbm>>)
    %add3A_364 = arith.constant 32 : i32
    %add3A_365 = arith.addi %mul3A_2, %add3A_364 : i32
    %dma_wait3A_366 = arith.constant 1 : i32
    %dma_wait3A_367 = arith.constant 1 : i32
    %dma_wait3A_368 = arith.constant 1 : i32
    %dma_wait3A_369 = arith.constant 0 : i32
    %dma_wait3A_370 = arith.constant 0 : i32
    %dma_wait3A_371 = tpu.memref_slice %arg4[%dma_wait3A_366, %dma_wait3A_369, %dma_wait3A_370] : memref<2x32x1024xf32, #tpu.memory_space<vmem>> -> memref<1x32x1024xf32, #tpu.memory_space<vmem>>
    %dma_wait3A_372 = tpu.memref_squeeze %dma_wait3A_371 : memref<1x32x1024xf32, #tpu.memory_space<vmem>> -> memref<32x1024xf32, #tpu.memory_space<vmem>>
    %dma_wait3A_373 = arith.constant 0 : i32
    %dma_wait3A_374 = tpu.memref_slice %arg3[%dma_wait3A_367, %add3A_365, %dma_wait3A_373] : memref<4x8192x1024xf32, #tpu.memory_space<hbm>> -> memref<1x32x1024xf32, #tpu.memory_space<hbm>>
    %dma_wait3A_375 = tpu.memref_squeeze %dma_wait3A_374 : memref<1x32x1024xf32, #tpu.memory_space<hbm>> -> memref<32x1024xf32, #tpu.memory_space<hbm>>
    %dma_wait3A_376 = tpu.memref_slice %arg6[%dma_wait3A_368] : memref<2x!tpu.dma_semaphore, #tpu.memory_space<semaphore_mem>> -> memref<1x!tpu.dma_semaphore, #tpu.memory_space<semaphore_mem>>
    %dma_wait3A_377 = tpu.memref_squeeze %dma_wait3A_376 : memref<1x!tpu.dma_semaphore, #tpu.memory_space<semaphore_mem>> -> memref<!tpu.dma_semaphore, #tpu.memory_space<semaphore_mem>>
    %dma_wait3A_378 = arith.constant 0 : i32
    %dma_wait3A_379 = tpu.memref_slice %arg3[%dma_wait3A_367, %add3A_365, %dma_wait3A_378] : memref<4x8192x1024xf32, #tpu.memory_space<hbm>> -> memref<1x32x1024xf32, #tpu.memory_space<hbm>>
    %dma_wait3A_380 = tpu.memref_squeeze %dma_wait3A_379 : memref<1x32x1024xf32, #tpu.memory_space<hbm>> -> memref<32x1024xf32, #tpu.memory_space<hbm>>
    %dma_wait3A_381 = arith.constant 0 : i32
    %dma_wait3A_382 = arith.constant 0 : i32
    %dma_wait3A_383 = tpu.memref_slice %arg4[%dma_wait3A_366, %dma_wait3A_381, %dma_wait3A_382] : memref<2x32x1024xf32, #tpu.memory_space<vmem>> -> memref<1x32x1024xf32, #tpu.memory_space<vmem>>
    %dma_wait3A_384 = tpu.memref_squeeze %dma_wait3A_383 : memref<1x32x1024xf32, #tpu.memory_space<vmem>> -> memref<32x1024xf32, #tpu.memory_space<vmem>>
    tpu.wait_dma2 semaphore(%dma_wait3A_377 : memref<!tpu.dma_semaphore, #tpu.memory_space<semaphore_mem>>) src(%dma_wait3A_384 : memref<32x1024xf32, #tpu.memory_space<vmem>>) dst(%dma_wait3A_380 : memref<32x1024xf32, #tpu.memory_space<hbm>>)
    %add3A_385 = arith.constant 32 : i32
    %add3A_386 = arith.addi %mul3A_2, %add3A_385 : i32
    %dma_wait3A_387 = arith.constant 1 : i32
    %dma_wait3A_388 = arith.constant 2 : i32
    %dma_wait3A_389 = arith.constant 1 : i32
    %dma_wait3A_390 = arith.constant 0 : i32
    %dma_wait3A_391 = arith.constant 0 : i32
    %dma_wait3A_392 = tpu.memref_slice %arg4[%dma_wait3A_387, %dma_wait3A_390, %dma_wait3A_391] : memref<2x32x1024xf32, #tpu.memory_space<vmem>> -> memref<1x32x1024xf32, #tpu.memory_space<vmem>>
    %dma_wait3A_393 = tpu.memref_squeeze %dma_wait3A_392 : memref<1x32x1024xf32, #tpu.memory_space<vmem>> -> memref<32x1024xf32, #tpu.memory_space<vmem>>
    %dma_wait3A_394 = arith.constant 0 : i32
    %dma_wait3A_395 = tpu.memref_slice %arg3[%dma_wait3A_388, %add3A_386, %dma_wait3A_394] : memref<4x8192x1024xf32, #tpu.memory_space<hbm>> -> memref<1x32x1024xf32, #tpu.memory_space<hbm>>
    %dma_wait3A_396 = tpu.memref_squeeze %dma_wait3A_395 : memref<1x32x1024xf32, #tpu.memory_space<hbm>> -> memref<32x1024xf32, #tpu.memory_space<hbm>>
    %dma_wait3A_397 = tpu.memref_slice %arg6[%dma_wait3A_389] : memref<2x!tpu.dma_semaphore, #tpu.memory_space<semaphore_mem>> -> memref<1x!tpu.dma_semaphore, #tpu.memory_space<semaphore_mem>>
    %dma_wait3A_398 = tpu.memref_squeeze %dma_wait3A_397 : memref<1x!tpu.dma_semaphore, #tpu.memory_space<semaphore_mem>> -> memref<!tpu.dma_semaphore, #tpu.memory_space<semaphore_mem>>
    %dma_wait3A_399 = arith.constant 0 : i32
    %dma_wait3A_400 = tpu.memref_slice %arg3[%dma_wait3A_388, %add3A_386, %dma_wait3A_399] : memref<4x8192x1024xf32, #tpu.memory_space<hbm>> -> memref<1x32x1024xf32, #tpu.memory_space<hbm>>
    %dma_wait3A_401 = tpu.memref_squeeze %dma_wait3A_400 : memref<1x32x1024xf32, #tpu.memory_space<hbm>> -> memref<32x1024xf32, #tpu.memory_space<hbm>>
    %dma_wait3A_402 = arith.constant 0 : i32
    %dma_wait3A_403 = arith.constant 0 : i32
    %dma_wait3A_404 = tpu.memref_slice %arg4[%dma_wait3A_387, %dma_wait3A_402, %dma_wait3A_403] : memref<2x32x1024xf32, #tpu.memory_space<vmem>> -> memref<1x32x1024xf32, #tpu.memory_space<vmem>>
    %dma_wait3A_405 = tpu.memref_squeeze %dma_wait3A_404 : memref<1x32x1024xf32, #tpu.memory_space<vmem>> -> memref<32x1024xf32, #tpu.memory_space<vmem>>
    tpu.wait_dma2 semaphore(%dma_wait3A_398 : memref<!tpu.dma_semaphore, #tpu.memory_space<semaphore_mem>>) src(%dma_wait3A_405 : memref<32x1024xf32, #tpu.memory_space<vmem>>) dst(%dma_wait3A_401 : memref<32x1024xf32, #tpu.memory_space<hbm>>)
    %add3A_406 = arith.constant 32 : i32
    %add3A_407 = arith.addi %mul3A_2, %add3A_406 : i32
    %dma_wait3A_408 = arith.constant 1 : i32
    %dma_wait3A_409 = arith.constant 3 : i32
    %dma_wait3A_410 = arith.constant 1 : i32
    %dma_wait3A_411 = arith.constant 0 : i32
    %dma_wait3A_412 = arith.constant 0 : i32
    %dma_wait3A_413 = tpu.memref_slice %arg4[%dma_wait3A_408, %dma_wait3A_411, %dma_wait3A_412] : memref<2x32x1024xf32, #tpu.memory_space<vmem>> -> memref<1x32x1024xf32, #tpu.memory_space<vmem>>
    %dma_wait3A_414 = tpu.memref_squeeze %dma_wait3A_413 : memref<1x32x1024xf32, #tpu.memory_space<vmem>> -> memref<32x1024xf32, #tpu.memory_space<vmem>>
    %dma_wait3A_415 = arith.constant 0 : i32
    %dma_wait3A_416 = tpu.memref_slice %arg3[%dma_wait3A_409, %add3A_407, %dma_wait3A_415] : memref<4x8192x1024xf32, #tpu.memory_space<hbm>> -> memref<1x32x1024xf32, #tpu.memory_space<hbm>>
    %dma_wait3A_417 = tpu.memref_squeeze %dma_wait3A_416 : memref<1x32x1024xf32, #tpu.memory_space<hbm>> -> memref<32x1024xf32, #tpu.memory_space<hbm>>
    %dma_wait3A_418 = tpu.memref_slice %arg6[%dma_wait3A_410] : memref<2x!tpu.dma_semaphore, #tpu.memory_space<semaphore_mem>> -> memref<1x!tpu.dma_semaphore, #tpu.memory_space<semaphore_mem>>
    %dma_wait3A_419 = tpu.memref_squeeze %dma_wait3A_418 : memref<1x!tpu.dma_semaphore, #tpu.memory_space<semaphore_mem>> -> memref<!tpu.dma_semaphore, #tpu.memory_space<semaphore_mem>>
    %dma_wait3A_420 = arith.constant 0 : i32
    %dma_wait3A_421 = tpu.memref_slice %arg3[%dma_wait3A_409, %add3A_407, %dma_wait3A_420] : memref<4x8192x1024xf32, #tpu.memory_space<hbm>> -> memref<1x32x1024xf32, #tpu.memory_space<hbm>>
    %dma_wait3A_422 = tpu.memref_squeeze %dma_wait3A_421 : memref<1x32x1024xf32, #tpu.memory_space<hbm>> -> memref<32x1024xf32, #tpu.memory_space<hbm>>
    %dma_wait3A_423 = arith.constant 0 : i32
    %dma_wait3A_424 = arith.constant 0 : i32
    %dma_wait3A_425 = tpu.memref_slice %arg4[%dma_wait3A_408, %dma_wait3A_423, %dma_wait3A_424] : memref<2x32x1024xf32, #tpu.memory_space<vmem>> -> memref<1x32x1024xf32, #tpu.memory_space<vmem>>
    %dma_wait3A_426 = tpu.memref_squeeze %dma_wait3A_425 : memref<1x32x1024xf32, #tpu.memory_space<vmem>> -> memref<32x1024xf32, #tpu.memory_space<vmem>>
    tpu.wait_dma2 semaphore(%dma_wait3A_419 : memref<!tpu.dma_semaphore, #tpu.memory_space<semaphore_mem>>) src(%dma_wait3A_426 : memref<32x1024xf32, #tpu.memory_space<vmem>>) dst(%dma_wait3A_422 : memref<32x1024xf32, #tpu.memory_space<hbm>>)
    %add3A_427 = arith.constant 96 : i32
    %add3A_428 = arith.addi %mul3A_2, %add3A_427 : i32
    %dma_start3A_429 = arith.constant 1 : i32
    %dma_start3A_430 = arith.constant 1 : i32
    %dma_start3A_431 = arith.constant 0 : i32
    %dma_start3A_432 = arith.constant 0 : i32
    %dma_start3A_433 = tpu.memref_slice %arg4[%dma_start3A_429, %dma_start3A_431, %dma_start3A_432] : memref<2x32x1024xf32, #tpu.memory_space<vmem>> -> memref<1x32x1024xf32, #tpu.memory_space<vmem>>
    %dma_start3A_434 = tpu.memref_squeeze %dma_start3A_433 : memref<1x32x1024xf32, #tpu.memory_space<vmem>> -> memref<32x1024xf32, #tpu.memory_space<vmem>>
    %dma_start3A_435 = arith.constant 0 : i32
    %dma_start3A_436 = tpu.memref_slice %arg2[%add3A_428, %dma_start3A_435] : memref<8192x1024xf32, #tpu.memory_space<hbm>> -> memref<32x1024xf32, #tpu.memory_space<hbm>>
    %dma_start3A_437 = tpu.memref_slice %arg5[%dma_start3A_430] : memref<2x!tpu.dma_semaphore, #tpu.memory_space<semaphore_mem>> -> memref<1x!tpu.dma_semaphore, #tpu.memory_space<semaphore_mem>>
    %dma_start3A_438 = tpu.memref_squeeze %dma_start3A_437 : memref<1x!tpu.dma_semaphore, #tpu.memory_space<semaphore_mem>> -> memref<!tpu.dma_semaphore, #tpu.memory_space<semaphore_mem>>
    %dma_start3A_439 = arith.constant 0 : i32
    %dma_start3A_440 = arith.constant 0 : i32
    %dma_start3A_441 = tpu.memref_slice %arg4[%dma_start3A_429, %dma_start3A_439, %dma_start3A_440] : memref<2x32x1024xf32, #tpu.memory_space<vmem>> -> memref<1x32x1024xf32, #tpu.memory_space<vmem>>
    %dma_start3A_442 = tpu.memref_squeeze %dma_start3A_441 : memref<1x32x1024xf32, #tpu.memory_space<vmem>> -> memref<32x1024xf32, #tpu.memory_space<vmem>>
    %dma_start3A_443 = arith.constant 0 : i32
    %dma_start3A_444 = tpu.memref_slice %arg2[%add3A_428, %dma_start3A_443] : memref<8192x1024xf32, #tpu.memory_space<hbm>> -> memref<32x1024xf32, #tpu.memory_space<hbm>>
    tpu.enqueue_dma source(%dma_start3A_444 : memref<32x1024xf32, #tpu.memory_space<hbm>>) target(%dma_start3A_442 : memref<32x1024xf32, #tpu.memory_space<vmem>>) target_semaphore(%dma_start3A_438 : memref<!tpu.dma_semaphore, #tpu.memory_space<semaphore_mem>>)
    %add3A_445 = arith.constant 64 : i32
    %add3A_446 = arith.addi %mul3A_2, %add3A_445 : i32
    %dma_wait3A_447 = arith.constant 0 : i32
    %dma_wait3A_448 = arith.constant 0 : i32
    %dma_wait3A_449 = arith.constant 0 : i32
    %dma_wait3A_450 = arith.constant 0 : i32
    %dma_wait3A_451 = tpu.memref_slice %arg4[%dma_wait3A_447, %dma_wait3A_449, %dma_wait3A_450] : memref<2x32x1024xf32, #tpu.memory_space<vmem>> -> memref<1x32x1024xf32, #tpu.memory_space<vmem>>
    %dma_wait3A_452 = tpu.memref_squeeze %dma_wait3A_451 : memref<1x32x1024xf32, #tpu.memory_space<vmem>> -> memref<32x1024xf32, #tpu.memory_space<vmem>>
    %dma_wait3A_453 = arith.constant 0 : i32
    %dma_wait3A_454 = tpu.memref_slice %arg2[%add3A_446, %dma_wait3A_453] : memref<8192x1024xf32, #tpu.memory_space<hbm>> -> memref<32x1024xf32, #tpu.memory_space<hbm>>
    %dma_wait3A_455 = tpu.memref_slice %arg5[%dma_wait3A_448] : memref<2x!tpu.dma_semaphore, #tpu.memory_space<semaphore_mem>> -> memref<1x!tpu.dma_semaphore, #tpu.memory_space<semaphore_mem>>
    %dma_wait3A_456 = tpu.memref_squeeze %dma_wait3A_455 : memref<1x!tpu.dma_semaphore, #tpu.memory_space<semaphore_mem>> -> memref<!tpu.dma_semaphore, #tpu.memory_space<semaphore_mem>>
    %dma_wait3A_457 = arith.constant 0 : i32
    %dma_wait3A_458 = arith.constant 0 : i32
    %dma_wait3A_459 = tpu.memref_slice %arg4[%dma_wait3A_447, %dma_wait3A_457, %dma_wait3A_458] : memref<2x32x1024xf32, #tpu.memory_space<vmem>> -> memref<1x32x1024xf32, #tpu.memory_space<vmem>>
    %dma_wait3A_460 = tpu.memref_squeeze %dma_wait3A_459 : memref<1x32x1024xf32, #tpu.memory_space<vmem>> -> memref<32x1024xf32, #tpu.memory_space<vmem>>
    %dma_wait3A_461 = arith.constant 0 : i32
    %dma_wait3A_462 = tpu.memref_slice %arg2[%add3A_446, %dma_wait3A_461] : memref<8192x1024xf32, #tpu.memory_space<hbm>> -> memref<32x1024xf32, #tpu.memory_space<hbm>>
    tpu.wait_dma2 semaphore(%dma_wait3A_456 : memref<!tpu.dma_semaphore, #tpu.memory_space<semaphore_mem>>) src(%dma_wait3A_462 : memref<32x1024xf32, #tpu.memory_space<hbm>>) dst(%dma_wait3A_460 : memref<32x1024xf32, #tpu.memory_space<vmem>>)
    %add3A_463 = arith.constant 64 : i32
    %add3A_464 = arith.addi %mul3A_2, %add3A_463 : i32
    %dma_start3A_465 = arith.constant 0 : i32
    %dma_start3A_466 = arith.constant 0 : i32
    %dma_start3A_467 = arith.constant 0 : i32
    %dma_start3A_468 = arith.constant 0 : i32
    %dma_start3A_469 = arith.constant 0 : i32
    %dma_start3A_470 = tpu.memref_slice %arg4[%dma_start3A_465, %dma_start3A_468, %dma_start3A_469] : memref<2x32x1024xf32, #tpu.memory_space<vmem>> -> memref<1x32x1024xf32, #tpu.memory_space<vmem>>
    %dma_start3A_471 = tpu.memref_squeeze %dma_start3A_470 : memref<1x32x1024xf32, #tpu.memory_space<vmem>> -> memref<32x1024xf32, #tpu.memory_space<vmem>>
    %dma_start3A_472 = arith.constant 0 : i32
    %dma_start3A_473 = tpu.memref_slice %arg3[%dma_start3A_466, %add3A_464, %dma_start3A_472] : memref<4x8192x1024xf32, #tpu.memory_space<hbm>> -> memref<1x32x1024xf32, #tpu.memory_space<hbm>>
    %dma_start3A_474 = tpu.memref_squeeze %dma_start3A_473 : memref<1x32x1024xf32, #tpu.memory_space<hbm>> -> memref<32x1024xf32, #tpu.memory_space<hbm>>
    %dma_start3A_475 = tpu.memref_slice %arg6[%dma_start3A_467] : memref<2x!tpu.dma_semaphore, #tpu.memory_space<semaphore_mem>> -> memref<1x!tpu.dma_semaphore, #tpu.memory_space<semaphore_mem>>
    %dma_start3A_476 = tpu.memref_squeeze %dma_start3A_475 : memref<1x!tpu.dma_semaphore, #tpu.memory_space<semaphore_mem>> -> memref<!tpu.dma_semaphore, #tpu.memory_space<semaphore_mem>>
    %dma_start3A_477 = arith.constant 0 : i32
    %dma_start3A_478 = tpu.memref_slice %arg3[%dma_start3A_466, %add3A_464, %dma_start3A_477] : memref<4x8192x1024xf32, #tpu.memory_space<hbm>> -> memref<1x32x1024xf32, #tpu.memory_space<hbm>>
    %dma_start3A_479 = tpu.memref_squeeze %dma_start3A_478 : memref<1x32x1024xf32, #tpu.memory_space<hbm>> -> memref<32x1024xf32, #tpu.memory_space<hbm>>
    %dma_start3A_480 = arith.constant 0 : i32
    %dma_start3A_481 = arith.constant 0 : i32
    %dma_start3A_482 = tpu.memref_slice %arg4[%dma_start3A_465, %dma_start3A_480, %dma_start3A_481] : memref<2x32x1024xf32, #tpu.memory_space<vmem>> -> memref<1x32x1024xf32, #tpu.memory_space<vmem>>
    %dma_start3A_483 = tpu.memref_squeeze %dma_start3A_482 : memref<1x32x1024xf32, #tpu.memory_space<vmem>> -> memref<32x1024xf32, #tpu.memory_space<vmem>>
    tpu.enqueue_dma source(%dma_start3A_483 : memref<32x1024xf32, #tpu.memory_space<vmem>>) target(%dma_start3A_479 : memref<32x1024xf32, #tpu.memory_space<hbm>>) target_semaphore(%dma_start3A_476 : memref<!tpu.dma_semaphore, #tpu.memory_space<semaphore_mem>>)
    %add3A_484 = arith.constant 64 : i32
    %add3A_485 = arith.addi %mul3A_2, %add3A_484 : i32
    %dma_start3A_486 = arith.constant 0 : i32
    %dma_start3A_487 = arith.constant 1 : i32
    %dma_start3A_488 = arith.constant 0 : i32
    %dma_start3A_489 = arith.constant 0 : i32
    %dma_start3A_490 = arith.constant 0 : i32
    %dma_start3A_491 = tpu.memref_slice %arg4[%dma_start3A_486, %dma_start3A_489, %dma_start3A_490] : memref<2x32x1024xf32, #tpu.memory_space<vmem>> -> memref<1x32x1024xf32, #tpu.memory_space<vmem>>
    %dma_start3A_492 = tpu.memref_squeeze %dma_start3A_491 : memref<1x32x1024xf32, #tpu.memory_space<vmem>> -> memref<32x1024xf32, #tpu.memory_space<vmem>>
    %dma_start3A_493 = arith.constant 0 : i32
    %dma_start3A_494 = tpu.memref_slice %arg3[%dma_start3A_487, %add3A_485, %dma_start3A_493] : memref<4x8192x1024xf32, #tpu.memory_space<hbm>> -> memref<1x32x1024xf32, #tpu.memory_space<hbm>>
    %dma_start3A_495 = tpu.memref_squeeze %dma_start3A_494 : memref<1x32x1024xf32, #tpu.memory_space<hbm>> -> memref<32x1024xf32, #tpu.memory_space<hbm>>
    %dma_start3A_496 = tpu.memref_slice %arg6[%dma_start3A_488] : memref<2x!tpu.dma_semaphore, #tpu.memory_space<semaphore_mem>> -> memref<1x!tpu.dma_semaphore, #tpu.memory_space<semaphore_mem>>
    %dma_start3A_497 = tpu.memref_squeeze %dma_start3A_496 : memref<1x!tpu.dma_semaphore, #tpu.memory_space<semaphore_mem>> -> memref<!tpu.dma_semaphore, #tpu.memory_space<semaphore_mem>>
    %dma_start3A_498 = arith.constant 0 : i32
    %dma_start3A_499 = tpu.memref_slice %arg3[%dma_start3A_487, %add3A_485, %dma_start3A_498] : memref<4x8192x1024xf32, #tpu.memory_space<hbm>> -> memref<1x32x1024xf32, #tpu.memory_space<hbm>>
    %dma_start3A_500 = tpu.memref_squeeze %dma_start3A_499 : memref<1x32x1024xf32, #tpu.memory_space<hbm>> -> memref<32x1024xf32, #tpu.memory_space<hbm>>
    %dma_start3A_501 = arith.constant 0 : i32
    %dma_start3A_502 = arith.constant 0 : i32
    %dma_start3A_503 = tpu.memref_slice %arg4[%dma_start3A_486, %dma_start3A_501, %dma_start3A_502] : memref<2x32x1024xf32, #tpu.memory_space<vmem>> -> memref<1x32x1024xf32, #tpu.memory_space<vmem>>
    %dma_start3A_504 = tpu.memref_squeeze %dma_start3A_503 : memref<1x32x1024xf32, #tpu.memory_space<vmem>> -> memref<32x1024xf32, #tpu.memory_space<vmem>>
    tpu.enqueue_dma source(%dma_start3A_504 : memref<32x1024xf32, #tpu.memory_space<vmem>>) target(%dma_start3A_500 : memref<32x1024xf32, #tpu.memory_space<hbm>>) target_semaphore(%dma_start3A_497 : memref<!tpu.dma_semaphore, #tpu.memory_space<semaphore_mem>>)
    %add3A_505 = arith.constant 64 : i32
    %add3A_506 = arith.addi %mul3A_2, %add3A_505 : i32
    %dma_start3A_507 = arith.constant 0 : i32
    %dma_start3A_508 = arith.constant 2 : i32
    %dma_start3A_509 = arith.constant 0 : i32
    %dma_start3A_510 = arith.constant 0 : i32
    %dma_start3A_511 = arith.constant 0 : i32
    %dma_start3A_512 = tpu.memref_slice %arg4[%dma_start3A_507, %dma_start3A_510, %dma_start3A_511] : memref<2x32x1024xf32, #tpu.memory_space<vmem>> -> memref<1x32x1024xf32, #tpu.memory_space<vmem>>
    %dma_start3A_513 = tpu.memref_squeeze %dma_start3A_512 : memref<1x32x1024xf32, #tpu.memory_space<vmem>> -> memref<32x1024xf32, #tpu.memory_space<vmem>>
    %dma_start3A_514 = arith.constant 0 : i32
    %dma_start3A_515 = tpu.memref_slice %arg3[%dma_start3A_508, %add3A_506, %dma_start3A_514] : memref<4x8192x1024xf32, #tpu.memory_space<hbm>> -> memref<1x32x1024xf32, #tpu.memory_space<hbm>>
    %dma_start3A_516 = tpu.memref_squeeze %dma_start3A_515 : memref<1x32x1024xf32, #tpu.memory_space<hbm>> -> memref<32x1024xf32, #tpu.memory_space<hbm>>
    %dma_start3A_517 = tpu.memref_slice %arg6[%dma_start3A_509] : memref<2x!tpu.dma_semaphore, #tpu.memory_space<semaphore_mem>> -> memref<1x!tpu.dma_semaphore, #tpu.memory_space<semaphore_mem>>
    %dma_start3A_518 = tpu.memref_squeeze %dma_start3A_517 : memref<1x!tpu.dma_semaphore, #tpu.memory_space<semaphore_mem>> -> memref<!tpu.dma_semaphore, #tpu.memory_space<semaphore_mem>>
    %dma_start3A_519 = arith.constant 0 : i32
    %dma_start3A_520 = tpu.memref_slice %arg3[%dma_start3A_508, %add3A_506, %dma_start3A_519] : memref<4x8192x1024xf32, #tpu.memory_space<hbm>> -> memref<1x32x1024xf32, #tpu.memory_space<hbm>>
    %dma_start3A_521 = tpu.memref_squeeze %dma_start3A_520 : memref<1x32x1024xf32, #tpu.memory_space<hbm>> -> memref<32x1024xf32, #tpu.memory_space<hbm>>
    %dma_start3A_522 = arith.constant 0 : i32
    %dma_start3A_523 = arith.constant 0 : i32
    %dma_start3A_524 = tpu.memref_slice %arg4[%dma_start3A_507, %dma_start3A_522, %dma_start3A_523] : memref<2x32x1024xf32, #tpu.memory_space<vmem>> -> memref<1x32x1024xf32, #tpu.memory_space<vmem>>
    %dma_start3A_525 = tpu.memref_squeeze %dma_start3A_524 : memref<1x32x1024xf32, #tpu.memory_space<vmem>> -> memref<32x1024xf32, #tpu.memory_space<vmem>>
    tpu.enqueue_dma source(%dma_start3A_525 : memref<32x1024xf32, #tpu.memory_space<vmem>>) target(%dma_start3A_521 : memref<32x1024xf32, #tpu.memory_space<hbm>>) target_semaphore(%dma_start3A_518 : memref<!tpu.dma_semaphore, #tpu.memory_space<semaphore_mem>>)
    %add3A_526 = arith.constant 64 : i32
    %add3A_527 = arith.addi %mul3A_2, %add3A_526 : i32
    %dma_start3A_528 = arith.constant 0 : i32
    %dma_start3A_529 = arith.constant 3 : i32
    %dma_start3A_530 = arith.constant 0 : i32
    %dma_start3A_531 = arith.constant 0 : i32
    %dma_start3A_532 = arith.constant 0 : i32
    %dma_start3A_533 = tpu.memref_slice %arg4[%dma_start3A_528, %dma_start3A_531, %dma_start3A_532] : memref<2x32x1024xf32, #tpu.memory_space<vmem>> -> memref<1x32x1024xf32, #tpu.memory_space<vmem>>
    %dma_start3A_534 = tpu.memref_squeeze %dma_start3A_533 : memref<1x32x1024xf32, #tpu.memory_space<vmem>> -> memref<32x1024xf32, #tpu.memory_space<vmem>>
    %dma_start3A_535 = arith.constant 0 : i32
    %dma_start3A_536 = tpu.memref_slice %arg3[%dma_start3A_529, %add3A_527, %dma_start3A_535] : memref<4x8192x1024xf32, #tpu.memory_space<hbm>> -> memref<1x32x1024xf32, #tpu.memory_space<hbm>>
    %dma_start3A_537 = tpu.memref_squeeze %dma_start3A_536 : memref<1x32x1024xf32, #tpu.memory_space<hbm>> -> memref<32x1024xf32, #tpu.memory_space<hbm>>
    %dma_start3A_538 = tpu.memref_slice %arg6[%dma_start3A_530] : memref<2x!tpu.dma_semaphore, #tpu.memory_space<semaphore_mem>> -> memref<1x!tpu.dma_semaphore, #tpu.memory_space<semaphore_mem>>
    %dma_start3A_539 = tpu.memref_squeeze %dma_start3A_538 : memref<1x!tpu.dma_semaphore, #tpu.memory_space<semaphore_mem>> -> memref<!tpu.dma_semaphore, #tpu.memory_space<semaphore_mem>>
    %dma_start3A_540 = arith.constant 0 : i32
    %dma_start3A_541 = tpu.memref_slice %arg3[%dma_start3A_529, %add3A_527, %dma_start3A_540] : memref<4x8192x1024xf32, #tpu.memory_space<hbm>> -> memref<1x32x1024xf32, #tpu.memory_space<hbm>>
    %dma_start3A_542 = tpu.memref_squeeze %dma_start3A_541 : memref<1x32x1024xf32, #tpu.memory_space<hbm>> -> memref<32x1024xf32, #tpu.memory_space<hbm>>
    %dma_start3A_543 = arith.constant 0 : i32
    %dma_start3A_544 = arith.constant 0 : i32
    %dma_start3A_545 = tpu.memref_slice %arg4[%dma_start3A_528, %dma_start3A_543, %dma_start3A_544] : memref<2x32x1024xf32, #tpu.memory_space<vmem>> -> memref<1x32x1024xf32, #tpu.memory_space<vmem>>
    %dma_start3A_546 = tpu.memref_squeeze %dma_start3A_545 : memref<1x32x1024xf32, #tpu.memory_space<vmem>> -> memref<32x1024xf32, #tpu.memory_space<vmem>>
    tpu.enqueue_dma source(%dma_start3A_546 : memref<32x1024xf32, #tpu.memory_space<vmem>>) target(%dma_start3A_542 : memref<32x1024xf32, #tpu.memory_space<hbm>>) target_semaphore(%dma_start3A_539 : memref<!tpu.dma_semaphore, #tpu.memory_space<semaphore_mem>>)
    %add3A_547 = arith.constant 64 : i32
    %add3A_548 = arith.addi %mul3A_2, %add3A_547 : i32
    %dma_wait3A_549 = arith.constant 0 : i32
    %dma_wait3A_550 = arith.constant 0 : i32
    %dma_wait3A_551 = arith.constant 0 : i32
    %dma_wait3A_552 = arith.constant 0 : i32
    %dma_wait3A_553 = arith.constant 0 : i32
    %dma_wait3A_554 = tpu.memref_slice %arg4[%dma_wait3A_549, %dma_wait3A_552, %dma_wait3A_553] : memref<2x32x1024xf32, #tpu.memory_space<vmem>> -> memref<1x32x1024xf32, #tpu.memory_space<vmem>>
    %dma_wait3A_555 = tpu.memref_squeeze %dma_wait3A_554 : memref<1x32x1024xf32, #tpu.memory_space<vmem>> -> memref<32x1024xf32, #tpu.memory_space<vmem>>
    %dma_wait3A_556 = arith.constant 0 : i32
    %dma_wait3A_557 = tpu.memref_slice %arg3[%dma_wait3A_550, %add3A_548, %dma_wait3A_556] : memref<4x8192x1024xf32, #tpu.memory_space<hbm>> -> memref<1x32x1024xf32, #tpu.memory_space<hbm>>
    %dma_wait3A_558 = tpu.memref_squeeze %dma_wait3A_557 : memref<1x32x1024xf32, #tpu.memory_space<hbm>> -> memref<32x1024xf32, #tpu.memory_space<hbm>>
    %dma_wait3A_559 = tpu.memref_slice %arg6[%dma_wait3A_551] : memref<2x!tpu.dma_semaphore, #tpu.memory_space<semaphore_mem>> -> memref<1x!tpu.dma_semaphore, #tpu.memory_space<semaphore_mem>>
    %dma_wait3A_560 = tpu.memref_squeeze %dma_wait3A_559 : memref<1x!tpu.dma_semaphore, #tpu.memory_space<semaphore_mem>> -> memref<!tpu.dma_semaphore, #tpu.memory_space<semaphore_mem>>
    %dma_wait3A_561 = arith.constant 0 : i32
    %dma_wait3A_562 = tpu.memref_slice %arg3[%dma_wait3A_550, %add3A_548, %dma_wait3A_561] : memref<4x8192x1024xf32, #tpu.memory_space<hbm>> -> memref<1x32x1024xf32, #tpu.memory_space<hbm>>
    %dma_wait3A_563 = tpu.memref_squeeze %dma_wait3A_562 : memref<1x32x1024xf32, #tpu.memory_space<hbm>> -> memref<32x1024xf32, #tpu.memory_space<hbm>>
    %dma_wait3A_564 = arith.constant 0 : i32
    %dma_wait3A_565 = arith.constant 0 : i32
    %dma_wait3A_566 = tpu.memref_slice %arg4[%dma_wait3A_549, %dma_wait3A_564, %dma_wait3A_565] : memref<2x32x1024xf32, #tpu.memory_space<vmem>> -> memref<1x32x1024xf32, #tpu.memory_space<vmem>>
    %dma_wait3A_567 = tpu.memref_squeeze %dma_wait3A_566 : memref<1x32x1024xf32, #tpu.memory_space<vmem>> -> memref<32x1024xf32, #tpu.memory_space<vmem>>
    tpu.wait_dma2 semaphore(%dma_wait3A_560 : memref<!tpu.dma_semaphore, #tpu.memory_space<semaphore_mem>>) src(%dma_wait3A_567 : memref<32x1024xf32, #tpu.memory_space<vmem>>) dst(%dma_wait3A_563 : memref<32x1024xf32, #tpu.memory_space<hbm>>)
    %add3A_568 = arith.constant 64 : i32
    %add3A_569 = arith.addi %mul3A_2, %add3A_568 : i32
    %dma_wait3A_570 = arith.constant 0 : i32
    %dma_wait3A_571 = arith.constant 1 : i32
    %dma_wait3A_572 = arith.constant 0 : i32
    %dma_wait3A_573 = arith.constant 0 : i32
    %dma_wait3A_574 = arith.constant 0 : i32
    %dma_wait3A_575 = tpu.memref_slice %arg4[%dma_wait3A_570, %dma_wait3A_573, %dma_wait3A_574] : memref<2x32x1024xf32, #tpu.memory_space<vmem>> -> memref<1x32x1024xf32, #tpu.memory_space<vmem>>
    %dma_wait3A_576 = tpu.memref_squeeze %dma_wait3A_575 : memref<1x32x1024xf32, #tpu.memory_space<vmem>> -> memref<32x1024xf32, #tpu.memory_space<vmem>>
    %dma_wait3A_577 = arith.constant 0 : i32
    %dma_wait3A_578 = tpu.memref_slice %arg3[%dma_wait3A_571, %add3A_569, %dma_wait3A_577] : memref<4x8192x1024xf32, #tpu.memory_space<hbm>> -> memref<1x32x1024xf32, #tpu.memory_space<hbm>>
    %dma_wait3A_579 = tpu.memref_squeeze %dma_wait3A_578 : memref<1x32x1024xf32, #tpu.memory_space<hbm>> -> memref<32x1024xf32, #tpu.memory_space<hbm>>
    %dma_wait3A_580 = tpu.memref_slice %arg6[%dma_wait3A_572] : memref<2x!tpu.dma_semaphore, #tpu.memory_space<semaphore_mem>> -> memref<1x!tpu.dma_semaphore, #tpu.memory_space<semaphore_mem>>
    %dma_wait3A_581 = tpu.memref_squeeze %dma_wait3A_580 : memref<1x!tpu.dma_semaphore, #tpu.memory_space<semaphore_mem>> -> memref<!tpu.dma_semaphore, #tpu.memory_space<semaphore_mem>>
    %dma_wait3A_582 = arith.constant 0 : i32
    %dma_wait3A_583 = tpu.memref_slice %arg3[%dma_wait3A_571, %add3A_569, %dma_wait3A_582] : memref<4x8192x1024xf32, #tpu.memory_space<hbm>> -> memref<1x32x1024xf32, #tpu.memory_space<hbm>>
    %dma_wait3A_584 = tpu.memref_squeeze %dma_wait3A_583 : memref<1x32x1024xf32, #tpu.memory_space<hbm>> -> memref<32x1024xf32, #tpu.memory_space<hbm>>
    %dma_wait3A_585 = arith.constant 0 : i32
    %dma_wait3A_586 = arith.constant 0 : i32
    %dma_wait3A_587 = tpu.memref_slice %arg4[%dma_wait3A_570, %dma_wait3A_585, %dma_wait3A_586] : memref<2x32x1024xf32, #tpu.memory_space<vmem>> -> memref<1x32x1024xf32, #tpu.memory_space<vmem>>
    %dma_wait3A_588 = tpu.memref_squeeze %dma_wait3A_587 : memref<1x32x1024xf32, #tpu.memory_space<vmem>> -> memref<32x1024xf32, #tpu.memory_space<vmem>>
    tpu.wait_dma2 semaphore(%dma_wait3A_581 : memref<!tpu.dma_semaphore, #tpu.memory_space<semaphore_mem>>) src(%dma_wait3A_588 : memref<32x1024xf32, #tpu.memory_space<vmem>>) dst(%dma_wait3A_584 : memref<32x1024xf32, #tpu.memory_space<hbm>>)
    %add3A_589 = arith.constant 64 : i32
    %add3A_590 = arith.addi %mul3A_2, %add3A_589 : i32
    %dma_wait3A_591 = arith.constant 0 : i32
    %dma_wait3A_592 = arith.constant 2 : i32
    %dma_wait3A_593 = arith.constant 0 : i32
    %dma_wait3A_594 = arith.constant 0 : i32
    %dma_wait3A_595 = arith.constant 0 : i32
    %dma_wait3A_596 = tpu.memref_slice %arg4[%dma_wait3A_591, %dma_wait3A_594, %dma_wait3A_595] : memref<2x32x1024xf32, #tpu.memory_space<vmem>> -> memref<1x32x1024xf32, #tpu.memory_space<vmem>>
    %dma_wait3A_597 = tpu.memref_squeeze %dma_wait3A_596 : memref<1x32x1024xf32, #tpu.memory_space<vmem>> -> memref<32x1024xf32, #tpu.memory_space<vmem>>
    %dma_wait3A_598 = arith.constant 0 : i32
    %dma_wait3A_599 = tpu.memref_slice %arg3[%dma_wait3A_592, %add3A_590, %dma_wait3A_598] : memref<4x8192x1024xf32, #tpu.memory_space<hbm>> -> memref<1x32x1024xf32, #tpu.memory_space<hbm>>
    %dma_wait3A_600 = tpu.memref_squeeze %dma_wait3A_599 : memref<1x32x1024xf32, #tpu.memory_space<hbm>> -> memref<32x1024xf32, #tpu.memory_space<hbm>>
    %dma_wait3A_601 = tpu.memref_slice %arg6[%dma_wait3A_593] : memref<2x!tpu.dma_semaphore, #tpu.memory_space<semaphore_mem>> -> memref<1x!tpu.dma_semaphore, #tpu.memory_space<semaphore_mem>>
    %dma_wait3A_602 = tpu.memref_squeeze %dma_wait3A_601 : memref<1x!tpu.dma_semaphore, #tpu.memory_space<semaphore_mem>> -> memref<!tpu.dma_semaphore, #tpu.memory_space<semaphore_mem>>
    %dma_wait3A_603 = arith.constant 0 : i32
    %dma_wait3A_604 = tpu.memref_slice %arg3[%dma_wait3A_592, %add3A_590, %dma_wait3A_603] : memref<4x8192x1024xf32, #tpu.memory_space<hbm>> -> memref<1x32x1024xf32, #tpu.memory_space<hbm>>
    %dma_wait3A_605 = tpu.memref_squeeze %dma_wait3A_604 : memref<1x32x1024xf32, #tpu.memory_space<hbm>> -> memref<32x1024xf32, #tpu.memory_space<hbm>>
    %dma_wait3A_606 = arith.constant 0 : i32
    %dma_wait3A_607 = arith.constant 0 : i32
    %dma_wait3A_608 = tpu.memref_slice %arg4[%dma_wait3A_591, %dma_wait3A_606, %dma_wait3A_607] : memref<2x32x1024xf32, #tpu.memory_space<vmem>> -> memref<1x32x1024xf32, #tpu.memory_space<vmem>>
    %dma_wait3A_609 = tpu.memref_squeeze %dma_wait3A_608 : memref<1x32x1024xf32, #tpu.memory_space<vmem>> -> memref<32x1024xf32, #tpu.memory_space<vmem>>
    tpu.wait_dma2 semaphore(%dma_wait3A_602 : memref<!tpu.dma_semaphore, #tpu.memory_space<semaphore_mem>>) src(%dma_wait3A_609 : memref<32x1024xf32, #tpu.memory_space<vmem>>) dst(%dma_wait3A_605 : memref<32x1024xf32, #tpu.memory_space<hbm>>)
    %add3A_610 = arith.constant 64 : i32
    %add3A_611 = arith.addi %mul3A_2, %add3A_610 : i32
    %dma_wait3A_612 = arith.constant 0 : i32
    %dma_wait3A_613 = arith.constant 3 : i32
    %dma_wait3A_614 = arith.constant 0 : i32
    %dma_wait3A_615 = arith.constant 0 : i32
    %dma_wait3A_616 = arith.constant 0 : i32
    %dma_wait3A_617 = tpu.memref_slice %arg4[%dma_wait3A_612, %dma_wait3A_615, %dma_wait3A_616] : memref<2x32x1024xf32, #tpu.memory_space<vmem>> -> memref<1x32x1024xf32, #tpu.memory_space<vmem>>
    %dma_wait3A_618 = tpu.memref_squeeze %dma_wait3A_617 : memref<1x32x1024xf32, #tpu.memory_space<vmem>> -> memref<32x1024xf32, #tpu.memory_space<vmem>>
    %dma_wait3A_619 = arith.constant 0 : i32
    %dma_wait3A_620 = tpu.memref_slice %arg3[%dma_wait3A_613, %add3A_611, %dma_wait3A_619] : memref<4x8192x1024xf32, #tpu.memory_space<hbm>> -> memref<1x32x1024xf32, #tpu.memory_space<hbm>>
    %dma_wait3A_621 = tpu.memref_squeeze %dma_wait3A_620 : memref<1x32x1024xf32, #tpu.memory_space<hbm>> -> memref<32x1024xf32, #tpu.memory_space<hbm>>
    %dma_wait3A_622 = tpu.memref_slice %arg6[%dma_wait3A_614] : memref<2x!tpu.dma_semaphore, #tpu.memory_space<semaphore_mem>> -> memref<1x!tpu.dma_semaphore, #tpu.memory_space<semaphore_mem>>
    %dma_wait3A_623 = tpu.memref_squeeze %dma_wait3A_622 : memref<1x!tpu.dma_semaphore, #tpu.memory_space<semaphore_mem>> -> memref<!tpu.dma_semaphore, #tpu.memory_space<semaphore_mem>>
    %dma_wait3A_624 = arith.constant 0 : i32
    %dma_wait3A_625 = tpu.memref_slice %arg3[%dma_wait3A_613, %add3A_611, %dma_wait3A_624] : memref<4x8192x1024xf32, #tpu.memory_space<hbm>> -> memref<1x32x1024xf32, #tpu.memory_space<hbm>>
    %dma_wait3A_626 = tpu.memref_squeeze %dma_wait3A_625 : memref<1x32x1024xf32, #tpu.memory_space<hbm>> -> memref<32x1024xf32, #tpu.memory_space<hbm>>
    %dma_wait3A_627 = arith.constant 0 : i32
    %dma_wait3A_628 = arith.constant 0 : i32
    %dma_wait3A_629 = tpu.memref_slice %arg4[%dma_wait3A_612, %dma_wait3A_627, %dma_wait3A_628] : memref<2x32x1024xf32, #tpu.memory_space<vmem>> -> memref<1x32x1024xf32, #tpu.memory_space<vmem>>
    %dma_wait3A_630 = tpu.memref_squeeze %dma_wait3A_629 : memref<1x32x1024xf32, #tpu.memory_space<vmem>> -> memref<32x1024xf32, #tpu.memory_space<vmem>>
    tpu.wait_dma2 semaphore(%dma_wait3A_623 : memref<!tpu.dma_semaphore, #tpu.memory_space<semaphore_mem>>) src(%dma_wait3A_630 : memref<32x1024xf32, #tpu.memory_space<vmem>>) dst(%dma_wait3A_626 : memref<32x1024xf32, #tpu.memory_space<hbm>>)
    %add3A_631 = arith.constant 128 : i32
    %add3A_632 = arith.addi %mul3A_2, %add3A_631 : i32
    %dma_start3A_633 = arith.constant 0 : i32
    %dma_start3A_634 = arith.constant 0 : i32
    %dma_start3A_635 = arith.constant 0 : i32
    %dma_start3A_636 = arith.constant 0 : i32
    %dma_start3A_637 = tpu.memref_slice %arg4[%dma_start3A_633, %dma_start3A_635, %dma_start3A_636] : memref<2x32x1024xf32, #tpu.memory_space<vmem>> -> memref<1x32x1024xf32, #tpu.memory_space<vmem>>
    %dma_start3A_638 = tpu.memref_squeeze %dma_start3A_637 : memref<1x32x1024xf32, #tpu.memory_space<vmem>> -> memref<32x1024xf32, #tpu.memory_space<vmem>>
    %dma_start3A_639 = arith.constant 0 : i32
    %dma_start3A_640 = tpu.memref_slice %arg2[%add3A_632, %dma_start3A_639] : memref<8192x1024xf32, #tpu.memory_space<hbm>> -> memref<32x1024xf32, #tpu.memory_space<hbm>>
    %dma_start3A_641 = tpu.memref_slice %arg5[%dma_start3A_634] : memref<2x!tpu.dma_semaphore, #tpu.memory_space<semaphore_mem>> -> memref<1x!tpu.dma_semaphore, #tpu.memory_space<semaphore_mem>>
    %dma_start3A_642 = tpu.memref_squeeze %dma_start3A_641 : memref<1x!tpu.dma_semaphore, #tpu.memory_space<semaphore_mem>> -> memref<!tpu.dma_semaphore, #tpu.memory_space<semaphore_mem>>
    %dma_start3A_643 = arith.constant 0 : i32
    %dma_start3A_644 = arith.constant 0 : i32
    %dma_start3A_645 = tpu.memref_slice %arg4[%dma_start3A_633, %dma_start3A_643, %dma_start3A_644] : memref<2x32x1024xf32, #tpu.memory_space<vmem>> -> memref<1x32x1024xf32, #tpu.memory_space<vmem>>
    %dma_start3A_646 = tpu.memref_squeeze %dma_start3A_645 : memref<1x32x1024xf32, #tpu.memory_space<vmem>> -> memref<32x1024xf32, #tpu.memory_space<vmem>>
    %dma_start3A_647 = arith.constant 0 : i32
    %dma_start3A_648 = tpu.memref_slice %arg2[%add3A_632, %dma_start3A_647] : memref<8192x1024xf32, #tpu.memory_space<hbm>> -> memref<32x1024xf32, #tpu.memory_space<hbm>>
    tpu.enqueue_dma source(%dma_start3A_648 : memref<32x1024xf32, #tpu.memory_space<hbm>>) target(%dma_start3A_646 : memref<32x1024xf32, #tpu.memory_space<vmem>>) target_semaphore(%dma_start3A_642 : memref<!tpu.dma_semaphore, #tpu.memory_space<semaphore_mem>>)
    %add3A_649 = arith.constant 96 : i32
    %add3A_650 = arith.addi %mul3A_2, %add3A_649 : i32
    %dma_wait3A_651 = arith.constant 1 : i32
    %dma_wait3A_652 = arith.constant 1 : i32
    %dma_wait3A_653 = arith.constant 0 : i32
    %dma_wait3A_654 = arith.constant 0 : i32
    %dma_wait3A_655 = tpu.memref_slice %arg4[%dma_wait3A_651, %dma_wait3A_653, %dma_wait3A_654] : memref<2x32x1024xf32, #tpu.memory_space<vmem>> -> memref<1x32x1024xf32, #tpu.memory_space<vmem>>
    %dma_wait3A_656 = tpu.memref_squeeze %dma_wait3A_655 : memref<1x32x1024xf32, #tpu.memory_space<vmem>> -> memref<32x1024xf32, #tpu.memory_space<vmem>>
    %dma_wait3A_657 = arith.constant 0 : i32
    %dma_wait3A_658 = tpu.memref_slice %arg2[%add3A_650, %dma_wait3A_657] : memref<8192x1024xf32, #tpu.memory_space<hbm>> -> memref<32x1024xf32, #tpu.memory_space<hbm>>
    %dma_wait3A_659 = tpu.memref_slice %arg5[%dma_wait3A_652] : memref<2x!tpu.dma_semaphore, #tpu.memory_space<semaphore_mem>> -> memref<1x!tpu.dma_semaphore, #tpu.memory_space<semaphore_mem>>
    %dma_wait3A_660 = tpu.memref_squeeze %dma_wait3A_659 : memref<1x!tpu.dma_semaphore, #tpu.memory_space<semaphore_mem>> -> memref<!tpu.dma_semaphore, #tpu.memory_space<semaphore_mem>>
    %dma_wait3A_661 = arith.constant 0 : i32
    %dma_wait3A_662 = arith.constant 0 : i32
    %dma_wait3A_663 = tpu.memref_slice %arg4[%dma_wait3A_651, %dma_wait3A_661, %dma_wait3A_662] : memref<2x32x1024xf32, #tpu.memory_space<vmem>> -> memref<1x32x1024xf32, #tpu.memory_space<vmem>>
    %dma_wait3A_664 = tpu.memref_squeeze %dma_wait3A_663 : memref<1x32x1024xf32, #tpu.memory_space<vmem>> -> memref<32x1024xf32, #tpu.memory_space<vmem>>
    %dma_wait3A_665 = arith.constant 0 : i32
    %dma_wait3A_666 = tpu.memref_slice %arg2[%add3A_650, %dma_wait3A_665] : memref<8192x1024xf32, #tpu.memory_space<hbm>> -> memref<32x1024xf32, #tpu.memory_space<hbm>>
    tpu.wait_dma2 semaphore(%dma_wait3A_660 : memref<!tpu.dma_semaphore, #tpu.memory_space<semaphore_mem>>) src(%dma_wait3A_666 : memref<32x1024xf32, #tpu.memory_space<hbm>>) dst(%dma_wait3A_664 : memref<32x1024xf32, #tpu.memory_space<vmem>>)
    %add3A_667 = arith.constant 96 : i32
    %add3A_668 = arith.addi %mul3A_2, %add3A_667 : i32
    %dma_start3A_669 = arith.constant 1 : i32
    %dma_start3A_670 = arith.constant 0 : i32
    %dma_start3A_671 = arith.constant 1 : i32
    %dma_start3A_672 = arith.constant 0 : i32
    %dma_start3A_673 = arith.constant 0 : i32
    %dma_start3A_674 = tpu.memref_slice %arg4[%dma_start3A_669, %dma_start3A_672, %dma_start3A_673] : memref<2x32x1024xf32, #tpu.memory_space<vmem>> -> memref<1x32x1024xf32, #tpu.memory_space<vmem>>
    %dma_start3A_675 = tpu.memref_squeeze %dma_start3A_674 : memref<1x32x1024xf32, #tpu.memory_space<vmem>> -> memref<32x1024xf32, #tpu.memory_space<vmem>>
    %dma_start3A_676 = arith.constant 0 : i32
    %dma_start3A_677 = tpu.memref_slice %arg3[%dma_start3A_670, %add3A_668, %dma_start3A_676] : memref<4x8192x1024xf32, #tpu.memory_space<hbm>> -> memref<1x32x1024xf32, #tpu.memory_space<hbm>>
    %dma_start3A_678 = tpu.memref_squeeze %dma_start3A_677 : memref<1x32x1024xf32, #tpu.memory_space<hbm>> -> memref<32x1024xf32, #tpu.memory_space<hbm>>
    %dma_start3A_679 = tpu.memref_slice %arg6[%dma_start3A_671] : memref<2x!tpu.dma_semaphore, #tpu.memory_space<semaphore_mem>> -> memref<1x!tpu.dma_semaphore, #tpu.memory_space<semaphore_mem>>
    %dma_start3A_680 = tpu.memref_squeeze %dma_start3A_679 : memref<1x!tpu.dma_semaphore, #tpu.memory_space<semaphore_mem>> -> memref<!tpu.dma_semaphore, #tpu.memory_space<semaphore_mem>>
    %dma_start3A_681 = arith.constant 0 : i32
    %dma_start3A_682 = tpu.memref_slice %arg3[%dma_start3A_670, %add3A_668, %dma_start3A_681] : memref<4x8192x1024xf32, #tpu.memory_space<hbm>> -> memref<1x32x1024xf32, #tpu.memory_space<hbm>>
    %dma_start3A_683 = tpu.memref_squeeze %dma_start3A_682 : memref<1x32x1024xf32, #tpu.memory_space<hbm>> -> memref<32x1024xf32, #tpu.memory_space<hbm>>
    %dma_start3A_684 = arith.constant 0 : i32
    %dma_start3A_685 = arith.constant 0 : i32
    %dma_start3A_686 = tpu.memref_slice %arg4[%dma_start3A_669, %dma_start3A_684, %dma_start3A_685] : memref<2x32x1024xf32, #tpu.memory_space<vmem>> -> memref<1x32x1024xf32, #tpu.memory_space<vmem>>
    %dma_start3A_687 = tpu.memref_squeeze %dma_start3A_686 : memref<1x32x1024xf32, #tpu.memory_space<vmem>> -> memref<32x1024xf32, #tpu.memory_space<vmem>>
    tpu.enqueue_dma source(%dma_start3A_687 : memref<32x1024xf32, #tpu.memory_space<vmem>>) target(%dma_start3A_683 : memref<32x1024xf32, #tpu.memory_space<hbm>>) target_semaphore(%dma_start3A_680 : memref<!tpu.dma_semaphore, #tpu.memory_space<semaphore_mem>>)
    %add3A_688 = arith.constant 96 : i32
    %add3A_689 = arith.addi %mul3A_2, %add3A_688 : i32
    %dma_start3A_690 = arith.constant 1 : i32
    %dma_start3A_691 = arith.constant 1 : i32
    %dma_start3A_692 = arith.constant 1 : i32
    %dma_start3A_693 = arith.constant 0 : i32
    %dma_start3A_694 = arith.constant 0 : i32
    %dma_start3A_695 = tpu.memref_slice %arg4[%dma_start3A_690, %dma_start3A_693, %dma_start3A_694] : memref<2x32x1024xf32, #tpu.memory_space<vmem>> -> memref<1x32x1024xf32, #tpu.memory_space<vmem>>
    %dma_start3A_696 = tpu.memref_squeeze %dma_start3A_695 : memref<1x32x1024xf32, #tpu.memory_space<vmem>> -> memref<32x1024xf32, #tpu.memory_space<vmem>>
    %dma_start3A_697 = arith.constant 0 : i32
    %dma_start3A_698 = tpu.memref_slice %arg3[%dma_start3A_691, %add3A_689, %dma_start3A_697] : memref<4x8192x1024xf32, #tpu.memory_space<hbm>> -> memref<1x32x1024xf32, #tpu.memory_space<hbm>>
    %dma_start3A_699 = tpu.memref_squeeze %dma_start3A_698 : memref<1x32x1024xf32, #tpu.memory_space<hbm>> -> memref<32x1024xf32, #tpu.memory_space<hbm>>
    %dma_start3A_700 = tpu.memref_slice %arg6[%dma_start3A_692] : memref<2x!tpu.dma_semaphore, #tpu.memory_space<semaphore_mem>> -> memref<1x!tpu.dma_semaphore, #tpu.memory_space<semaphore_mem>>
    %dma_start3A_701 = tpu.memref_squeeze %dma_start3A_700 : memref<1x!tpu.dma_semaphore, #tpu.memory_space<semaphore_mem>> -> memref<!tpu.dma_semaphore, #tpu.memory_space<semaphore_mem>>
    %dma_start3A_702 = arith.constant 0 : i32
    %dma_start3A_703 = tpu.memref_slice %arg3[%dma_start3A_691, %add3A_689, %dma_start3A_702] : memref<4x8192x1024xf32, #tpu.memory_space<hbm>> -> memref<1x32x1024xf32, #tpu.memory_space<hbm>>
    %dma_start3A_704 = tpu.memref_squeeze %dma_start3A_703 : memref<1x32x1024xf32, #tpu.memory_space<hbm>> -> memref<32x1024xf32, #tpu.memory_space<hbm>>
    %dma_start3A_705 = arith.constant 0 : i32
    %dma_start3A_706 = arith.constant 0 : i32
    %dma_start3A_707 = tpu.memref_slice %arg4[%dma_start3A_690, %dma_start3A_705, %dma_start3A_706] : memref<2x32x1024xf32, #tpu.memory_space<vmem>> -> memref<1x32x1024xf32, #tpu.memory_space<vmem>>
    %dma_start3A_708 = tpu.memref_squeeze %dma_start3A_707 : memref<1x32x1024xf32, #tpu.memory_space<vmem>> -> memref<32x1024xf32, #tpu.memory_space<vmem>>
    tpu.enqueue_dma source(%dma_start3A_708 : memref<32x1024xf32, #tpu.memory_space<vmem>>) target(%dma_start3A_704 : memref<32x1024xf32, #tpu.memory_space<hbm>>) target_semaphore(%dma_start3A_701 : memref<!tpu.dma_semaphore, #tpu.memory_space<semaphore_mem>>)
    %add3A_709 = arith.constant 96 : i32
    %add3A_710 = arith.addi %mul3A_2, %add3A_709 : i32
    %dma_start3A_711 = arith.constant 1 : i32
    %dma_start3A_712 = arith.constant 2 : i32
    %dma_start3A_713 = arith.constant 1 : i32
    %dma_start3A_714 = arith.constant 0 : i32
    %dma_start3A_715 = arith.constant 0 : i32
    %dma_start3A_716 = tpu.memref_slice %arg4[%dma_start3A_711, %dma_start3A_714, %dma_start3A_715] : memref<2x32x1024xf32, #tpu.memory_space<vmem>> -> memref<1x32x1024xf32, #tpu.memory_space<vmem>>
    %dma_start3A_717 = tpu.memref_squeeze %dma_start3A_716 : memref<1x32x1024xf32, #tpu.memory_space<vmem>> -> memref<32x1024xf32, #tpu.memory_space<vmem>>
    %dma_start3A_718 = arith.constant 0 : i32
    %dma_start3A_719 = tpu.memref_slice %arg3[%dma_start3A_712, %add3A_710, %dma_start3A_718] : memref<4x8192x1024xf32, #tpu.memory_space<hbm>> -> memref<1x32x1024xf32, #tpu.memory_space<hbm>>
    %dma_start3A_720 = tpu.memref_squeeze %dma_start3A_719 : memref<1x32x1024xf32, #tpu.memory_space<hbm>> -> memref<32x1024xf32, #tpu.memory_space<hbm>>
    %dma_start3A_721 = tpu.memref_slice %arg6[%dma_start3A_713] : memref<2x!tpu.dma_semaphore, #tpu.memory_space<semaphore_mem>> -> memref<1x!tpu.dma_semaphore, #tpu.memory_space<semaphore_mem>>
    %dma_start3A_722 = tpu.memref_squeeze %dma_start3A_721 : memref<1x!tpu.dma_semaphore, #tpu.memory_space<semaphore_mem>> -> memref<!tpu.dma_semaphore, #tpu.memory_space<semaphore_mem>>
    %dma_start3A_723 = arith.constant 0 : i32
    %dma_start3A_724 = tpu.memref_slice %arg3[%dma_start3A_712, %add3A_710, %dma_start3A_723] : memref<4x8192x1024xf32, #tpu.memory_space<hbm>> -> memref<1x32x1024xf32, #tpu.memory_space<hbm>>
    %dma_start3A_725 = tpu.memref_squeeze %dma_start3A_724 : memref<1x32x1024xf32, #tpu.memory_space<hbm>> -> memref<32x1024xf32, #tpu.memory_space<hbm>>
    %dma_start3A_726 = arith.constant 0 : i32
    %dma_start3A_727 = arith.constant 0 : i32
    %dma_start3A_728 = tpu.memref_slice %arg4[%dma_start3A_711, %dma_start3A_726, %dma_start3A_727] : memref<2x32x1024xf32, #tpu.memory_space<vmem>> -> memref<1x32x1024xf32, #tpu.memory_space<vmem>>
    %dma_start3A_729 = tpu.memref_squeeze %dma_start3A_728 : memref<1x32x1024xf32, #tpu.memory_space<vmem>> -> memref<32x1024xf32, #tpu.memory_space<vmem>>
    tpu.enqueue_dma source(%dma_start3A_729 : memref<32x1024xf32, #tpu.memory_space<vmem>>) target(%dma_start3A_725 : memref<32x1024xf32, #tpu.memory_space<hbm>>) target_semaphore(%dma_start3A_722 : memref<!tpu.dma_semaphore, #tpu.memory_space<semaphore_mem>>)
    %add3A_730 = arith.constant 96 : i32
    %add3A_731 = arith.addi %mul3A_2, %add3A_730 : i32
    %dma_start3A_732 = arith.constant 1 : i32
    %dma_start3A_733 = arith.constant 3 : i32
    %dma_start3A_734 = arith.constant 1 : i32
    %dma_start3A_735 = arith.constant 0 : i32
    %dma_start3A_736 = arith.constant 0 : i32
    %dma_start3A_737 = tpu.memref_slice %arg4[%dma_start3A_732, %dma_start3A_735, %dma_start3A_736] : memref<2x32x1024xf32, #tpu.memory_space<vmem>> -> memref<1x32x1024xf32, #tpu.memory_space<vmem>>
    %dma_start3A_738 = tpu.memref_squeeze %dma_start3A_737 : memref<1x32x1024xf32, #tpu.memory_space<vmem>> -> memref<32x1024xf32, #tpu.memory_space<vmem>>
    %dma_start3A_739 = arith.constant 0 : i32
    %dma_start3A_740 = tpu.memref_slice %arg3[%dma_start3A_733, %add3A_731, %dma_start3A_739] : memref<4x8192x1024xf32, #tpu.memory_space<hbm>> -> memref<1x32x1024xf32, #tpu.memory_space<hbm>>
    %dma_start3A_741 = tpu.memref_squeeze %dma_start3A_740 : memref<1x32x1024xf32, #tpu.memory_space<hbm>> -> memref<32x1024xf32, #tpu.memory_space<hbm>>
    %dma_start3A_742 = tpu.memref_slice %arg6[%dma_start3A_734] : memref<2x!tpu.dma_semaphore, #tpu.memory_space<semaphore_mem>> -> memref<1x!tpu.dma_semaphore, #tpu.memory_space<semaphore_mem>>
    %dma_start3A_743 = tpu.memref_squeeze %dma_start3A_742 : memref<1x!tpu.dma_semaphore, #tpu.memory_space<semaphore_mem>> -> memref<!tpu.dma_semaphore, #tpu.memory_space<semaphore_mem>>
    %dma_start3A_744 = arith.constant 0 : i32
    %dma_start3A_745 = tpu.memref_slice %arg3[%dma_start3A_733, %add3A_731, %dma_start3A_744] : memref<4x8192x1024xf32, #tpu.memory_space<hbm>> -> memref<1x32x1024xf32, #tpu.memory_space<hbm>>
    %dma_start3A_746 = tpu.memref_squeeze %dma_start3A_745 : memref<1x32x1024xf32, #tpu.memory_space<hbm>> -> memref<32x1024xf32, #tpu.memory_space<hbm>>
    %dma_start3A_747 = arith.constant 0 : i32
    %dma_start3A_748 = arith.constant 0 : i32
    %dma_start3A_749 = tpu.memref_slice %arg4[%dma_start3A_732, %dma_start3A_747, %dma_start3A_748] : memref<2x32x1024xf32, #tpu.memory_space<vmem>> -> memref<1x32x1024xf32, #tpu.memory_space<vmem>>
    %dma_start3A_750 = tpu.memref_squeeze %dma_start3A_749 : memref<1x32x1024xf32, #tpu.memory_space<vmem>> -> memref<32x1024xf32, #tpu.memory_space<vmem>>
    tpu.enqueue_dma source(%dma_start3A_750 : memref<32x1024xf32, #tpu.memory_space<vmem>>) target(%dma_start3A_746 : memref<32x1024xf32, #tpu.memory_space<hbm>>) target_semaphore(%dma_start3A_743 : memref<!tpu.dma_semaphore, #tpu.memory_space<semaphore_mem>>)
    %add3A_751 = arith.constant 96 : i32
    %add3A_752 = arith.addi %mul3A_2, %add3A_751 : i32
    %dma_wait3A_753 = arith.constant 1 : i32
    %dma_wait3A_754 = arith.constant 0 : i32
    %dma_wait3A_755 = arith.constant 1 : i32
    %dma_wait3A_756 = arith.constant 0 : i32
    %dma_wait3A_757 = arith.constant 0 : i32
    %dma_wait3A_758 = tpu.memref_slice %arg4[%dma_wait3A_753, %dma_wait3A_756, %dma_wait3A_757] : memref<2x32x1024xf32, #tpu.memory_space<vmem>> -> memref<1x32x1024xf32, #tpu.memory_space<vmem>>
    %dma_wait3A_759 = tpu.memref_squeeze %dma_wait3A_758 : memref<1x32x1024xf32, #tpu.memory_space<vmem>> -> memref<32x1024xf32, #tpu.memory_space<vmem>>
    %dma_wait3A_760 = arith.constant 0 : i32
    %dma_wait3A_761 = tpu.memref_slice %arg3[%dma_wait3A_754, %add3A_752, %dma_wait3A_760] : memref<4x8192x1024xf32, #tpu.memory_space<hbm>> -> memref<1x32x1024xf32, #tpu.memory_space<hbm>>
    %dma_wait3A_762 = tpu.memref_squeeze %dma_wait3A_761 : memref<1x32x1024xf32, #tpu.memory_space<hbm>> -> memref<32x1024xf32, #tpu.memory_space<hbm>>
    %dma_wait3A_763 = tpu.memref_slice %arg6[%dma_wait3A_755] : memref<2x!tpu.dma_semaphore, #tpu.memory_space<semaphore_mem>> -> memref<1x!tpu.dma_semaphore, #tpu.memory_space<semaphore_mem>>
    %dma_wait3A_764 = tpu.memref_squeeze %dma_wait3A_763 : memref<1x!tpu.dma_semaphore, #tpu.memory_space<semaphore_mem>> -> memref<!tpu.dma_semaphore, #tpu.memory_space<semaphore_mem>>
    %dma_wait3A_765 = arith.constant 0 : i32
    %dma_wait3A_766 = tpu.memref_slice %arg3[%dma_wait3A_754, %add3A_752, %dma_wait3A_765] : memref<4x8192x1024xf32, #tpu.memory_space<hbm>> -> memref<1x32x1024xf32, #tpu.memory_space<hbm>>
    %dma_wait3A_767 = tpu.memref_squeeze %dma_wait3A_766 : memref<1x32x1024xf32, #tpu.memory_space<hbm>> -> memref<32x1024xf32, #tpu.memory_space<hbm>>
    %dma_wait3A_768 = arith.constant 0 : i32
    %dma_wait3A_769 = arith.constant 0 : i32
    %dma_wait3A_770 = tpu.memref_slice %arg4[%dma_wait3A_753, %dma_wait3A_768, %dma_wait3A_769] : memref<2x32x1024xf32, #tpu.memory_space<vmem>> -> memref<1x32x1024xf32, #tpu.memory_space<vmem>>
    %dma_wait3A_771 = tpu.memref_squeeze %dma_wait3A_770 : memref<1x32x1024xf32, #tpu.memory_space<vmem>> -> memref<32x1024xf32, #tpu.memory_space<vmem>>
    tpu.wait_dma2 semaphore(%dma_wait3A_764 : memref<!tpu.dma_semaphore, #tpu.memory_space<semaphore_mem>>) src(%dma_wait3A_771 : memref<32x1024xf32, #tpu.memory_space<vmem>>) dst(%dma_wait3A_767 : memref<32x1024xf32, #tpu.memory_space<hbm>>)
    %add3A_772 = arith.constant 96 : i32
    %add3A_773 = arith.addi %mul3A_2, %add3A_772 : i32
    %dma_wait3A_774 = arith.constant 1 : i32
    %dma_wait3A_775 = arith.constant 1 : i32
    %dma_wait3A_776 = arith.constant 1 : i32
    %dma_wait3A_777 = arith.constant 0 : i32
    %dma_wait3A_778 = arith.constant 0 : i32
    %dma_wait3A_779 = tpu.memref_slice %arg4[%dma_wait3A_774, %dma_wait3A_777, %dma_wait3A_778] : memref<2x32x1024xf32, #tpu.memory_space<vmem>> -> memref<1x32x1024xf32, #tpu.memory_space<vmem>>
    %dma_wait3A_780 = tpu.memref_squeeze %dma_wait3A_779 : memref<1x32x1024xf32, #tpu.memory_space<vmem>> -> memref<32x1024xf32, #tpu.memory_space<vmem>>
    %dma_wait3A_781 = arith.constant 0 : i32
    %dma_wait3A_782 = tpu.memref_slice %arg3[%dma_wait3A_775, %add3A_773, %dma_wait3A_781] : memref<4x8192x1024xf32, #tpu.memory_space<hbm>> -> memref<1x32x1024xf32, #tpu.memory_space<hbm>>
    %dma_wait3A_783 = tpu.memref_squeeze %dma_wait3A_782 : memref<1x32x1024xf32, #tpu.memory_space<hbm>> -> memref<32x1024xf32, #tpu.memory_space<hbm>>
    %dma_wait3A_784 = tpu.memref_slice %arg6[%dma_wait3A_776] : memref<2x!tpu.dma_semaphore, #tpu.memory_space<semaphore_mem>> -> memref<1x!tpu.dma_semaphore, #tpu.memory_space<semaphore_mem>>
    %dma_wait3A_785 = tpu.memref_squeeze %dma_wait3A_784 : memref<1x!tpu.dma_semaphore, #tpu.memory_space<semaphore_mem>> -> memref<!tpu.dma_semaphore, #tpu.memory_space<semaphore_mem>>
    %dma_wait3A_786 = arith.constant 0 : i32
    %dma_wait3A_787 = tpu.memref_slice %arg3[%dma_wait3A_775, %add3A_773, %dma_wait3A_786] : memref<4x8192x1024xf32, #tpu.memory_space<hbm>> -> memref<1x32x1024xf32, #tpu.memory_space<hbm>>
    %dma_wait3A_788 = tpu.memref_squeeze %dma_wait3A_787 : memref<1x32x1024xf32, #tpu.memory_space<hbm>> -> memref<32x1024xf32, #tpu.memory_space<hbm>>
    %dma_wait3A_789 = arith.constant 0 : i32
    %dma_wait3A_790 = arith.constant 0 : i32
    %dma_wait3A_791 = tpu.memref_slice %arg4[%dma_wait3A_774, %dma_wait3A_789, %dma_wait3A_790] : memref<2x32x1024xf32, #tpu.memory_space<vmem>> -> memref<1x32x1024xf32, #tpu.memory_space<vmem>>
    %dma_wait3A_792 = tpu.memref_squeeze %dma_wait3A_791 : memref<1x32x1024xf32, #tpu.memory_space<vmem>> -> memref<32x1024xf32, #tpu.memory_space<vmem>>
    tpu.wait_dma2 semaphore(%dma_wait3A_785 : memref<!tpu.dma_semaphore, #tpu.memory_space<semaphore_mem>>) src(%dma_wait3A_792 : memref<32x1024xf32, #tpu.memory_space<vmem>>) dst(%dma_wait3A_788 : memref<32x1024xf32, #tpu.memory_space<hbm>>)
    %add3A_793 = arith.constant 96 : i32
    %add3A_794 = arith.addi %mul3A_2, %add3A_793 : i32
    %dma_wait3A_795 = arith.constant 1 : i32
    %dma_wait3A_796 = arith.constant 2 : i32
    %dma_wait3A_797 = arith.constant 1 : i32
    %dma_wait3A_798 = arith.constant 0 : i32
    %dma_wait3A_799 = arith.constant 0 : i32
    %dma_wait3A_800 = tpu.memref_slice %arg4[%dma_wait3A_795, %dma_wait3A_798, %dma_wait3A_799] : memref<2x32x1024xf32, #tpu.memory_space<vmem>> -> memref<1x32x1024xf32, #tpu.memory_space<vmem>>
    %dma_wait3A_801 = tpu.memref_squeeze %dma_wait3A_800 : memref<1x32x1024xf32, #tpu.memory_space<vmem>> -> memref<32x1024xf32, #tpu.memory_space<vmem>>
    %dma_wait3A_802 = arith.constant 0 : i32
    %dma_wait3A_803 = tpu.memref_slice %arg3[%dma_wait3A_796, %add3A_794, %dma_wait3A_802] : memref<4x8192x1024xf32, #tpu.memory_space<hbm>> -> memref<1x32x1024xf32, #tpu.memory_space<hbm>>
    %dma_wait3A_804 = tpu.memref_squeeze %dma_wait3A_803 : memref<1x32x1024xf32, #tpu.memory_space<hbm>> -> memref<32x1024xf32, #tpu.memory_space<hbm>>
    %dma_wait3A_805 = tpu.memref_slice %arg6[%dma_wait3A_797] : memref<2x!tpu.dma_semaphore, #tpu.memory_space<semaphore_mem>> -> memref<1x!tpu.dma_semaphore, #tpu.memory_space<semaphore_mem>>
    %dma_wait3A_806 = tpu.memref_squeeze %dma_wait3A_805 : memref<1x!tpu.dma_semaphore, #tpu.memory_space<semaphore_mem>> -> memref<!tpu.dma_semaphore, #tpu.memory_space<semaphore_mem>>
    %dma_wait3A_807 = arith.constant 0 : i32
    %dma_wait3A_808 = tpu.memref_slice %arg3[%dma_wait3A_796, %add3A_794, %dma_wait3A_807] : memref<4x8192x1024xf32, #tpu.memory_space<hbm>> -> memref<1x32x1024xf32, #tpu.memory_space<hbm>>
    %dma_wait3A_809 = tpu.memref_squeeze %dma_wait3A_808 : memref<1x32x1024xf32, #tpu.memory_space<hbm>> -> memref<32x1024xf32, #tpu.memory_space<hbm>>
    %dma_wait3A_810 = arith.constant 0 : i32
    %dma_wait3A_811 = arith.constant 0 : i32
    %dma_wait3A_812 = tpu.memref_slice %arg4[%dma_wait3A_795, %dma_wait3A_810, %dma_wait3A_811] : memref<2x32x1024xf32, #tpu.memory_space<vmem>> -> memref<1x32x1024xf32, #tpu.memory_space<vmem>>
    %dma_wait3A_813 = tpu.memref_squeeze %dma_wait3A_812 : memref<1x32x1024xf32, #tpu.memory_space<vmem>> -> memref<32x1024xf32, #tpu.memory_space<vmem>>
    tpu.wait_dma2 semaphore(%dma_wait3A_806 : memref<!tpu.dma_semaphore, #tpu.memory_space<semaphore_mem>>) src(%dma_wait3A_813 : memref<32x1024xf32, #tpu.memory_space<vmem>>) dst(%dma_wait3A_809 : memref<32x1024xf32, #tpu.memory_space<hbm>>)
    %add3A_814 = arith.constant 96 : i32
    %add3A_815 = arith.addi %mul3A_2, %add3A_814 : i32
    %dma_wait3A_816 = arith.constant 1 : i32
    %dma_wait3A_817 = arith.constant 3 : i32
    %dma_wait3A_818 = arith.constant 1 : i32
    %dma_wait3A_819 = arith.constant 0 : i32
    %dma_wait3A_820 = arith.constant 0 : i32
    %dma_wait3A_821 = tpu.memref_slice %arg4[%dma_wait3A_816, %dma_wait3A_819, %dma_wait3A_820] : memref<2x32x1024xf32, #tpu.memory_space<vmem>> -> memref<1x32x1024xf32, #tpu.memory_space<vmem>>
    %dma_wait3A_822 = tpu.memref_squeeze %dma_wait3A_821 : memref<1x32x1024xf32, #tpu.memory_space<vmem>> -> memref<32x1024xf32, #tpu.memory_space<vmem>>
    %dma_wait3A_823 = arith.constant 0 : i32
    %dma_wait3A_824 = tpu.memref_slice %arg3[%dma_wait3A_817, %add3A_815, %dma_wait3A_823] : memref<4x8192x1024xf32, #tpu.memory_space<hbm>> -> memref<1x32x1024xf32, #tpu.memory_space<hbm>>
    %dma_wait3A_825 = tpu.memref_squeeze %dma_wait3A_824 : memref<1x32x1024xf32, #tpu.memory_space<hbm>> -> memref<32x1024xf32, #tpu.memory_space<hbm>>
    %dma_wait3A_826 = tpu.memref_slice %arg6[%dma_wait3A_818] : memref<2x!tpu.dma_semaphore, #tpu.memory_space<semaphore_mem>> -> memref<1x!tpu.dma_semaphore, #tpu.memory_space<semaphore_mem>>
    %dma_wait3A_827 = tpu.memref_squeeze %dma_wait3A_826 : memref<1x!tpu.dma_semaphore, #tpu.memory_space<semaphore_mem>> -> memref<!tpu.dma_semaphore, #tpu.memory_space<semaphore_mem>>
    %dma_wait3A_828 = arith.constant 0 : i32
    %dma_wait3A_829 = tpu.memref_slice %arg3[%dma_wait3A_817, %add3A_815, %dma_wait3A_828] : memref<4x8192x1024xf32, #tpu.memory_space<hbm>> -> memref<1x32x1024xf32, #tpu.memory_space<hbm>>
    %dma_wait3A_830 = tpu.memref_squeeze %dma_wait3A_829 : memref<1x32x1024xf32, #tpu.memory_space<hbm>> -> memref<32x1024xf32, #tpu.memory_space<hbm>>
    %dma_wait3A_831 = arith.constant 0 : i32
    %dma_wait3A_832 = arith.constant 0 : i32
    %dma_wait3A_833 = tpu.memref_slice %arg4[%dma_wait3A_816, %dma_wait3A_831, %dma_wait3A_832] : memref<2x32x1024xf32, #tpu.memory_space<vmem>> -> memref<1x32x1024xf32, #tpu.memory_space<vmem>>
    %dma_wait3A_834 = tpu.memref_squeeze %dma_wait3A_833 : memref<1x32x1024xf32, #tpu.memory_space<vmem>> -> memref<32x1024xf32, #tpu.memory_space<vmem>>
    tpu.wait_dma2 semaphore(%dma_wait3A_827 : memref<!tpu.dma_semaphore, #tpu.memory_space<semaphore_mem>>) src(%dma_wait3A_834 : memref<32x1024xf32, #tpu.memory_space<vmem>>) dst(%dma_wait3A_830 : memref<32x1024xf32, #tpu.memory_space<hbm>>)
    %add3A_835 = arith.constant 160 : i32
    %add3A_836 = arith.addi %mul3A_2, %add3A_835 : i32
    %dma_start3A_837 = arith.constant 1 : i32
    %dma_start3A_838 = arith.constant 1 : i32
    %dma_start3A_839 = arith.constant 0 : i32
    %dma_start3A_840 = arith.constant 0 : i32
    %dma_start3A_841 = tpu.memref_slice %arg4[%dma_start3A_837, %dma_start3A_839, %dma_start3A_840] : memref<2x32x1024xf32, #tpu.memory_space<vmem>> -> memref<1x32x1024xf32, #tpu.memory_space<vmem>>
    %dma_start3A_842 = tpu.memref_squeeze %dma_start3A_841 : memref<1x32x1024xf32, #tpu.memory_space<vmem>> -> memref<32x1024xf32, #tpu.memory_space<vmem>>
    %dma_start3A_843 = arith.constant 0 : i32
    %dma_start3A_844 = tpu.memref_slice %arg2[%add3A_836, %dma_start3A_843] : memref<8192x1024xf32, #tpu.memory_space<hbm>> -> memref<32x1024xf32, #tpu.memory_space<hbm>>
    %dma_start3A_845 = tpu.memref_slice %arg5[%dma_start3A_838] : memref<2x!tpu.dma_semaphore, #tpu.memory_space<semaphore_mem>> -> memref<1x!tpu.dma_semaphore, #tpu.memory_space<semaphore_mem>>
    %dma_start3A_846 = tpu.memref_squeeze %dma_start3A_845 : memref<1x!tpu.dma_semaphore, #tpu.memory_space<semaphore_mem>> -> memref<!tpu.dma_semaphore, #tpu.memory_space<semaphore_mem>>
    %dma_start3A_847 = arith.constant 0 : i32
    %dma_start3A_848 = arith.constant 0 : i32
    %dma_start3A_849 = tpu.memref_slice %arg4[%dma_start3A_837, %dma_start3A_847, %dma_start3A_848] : memref<2x32x1024xf32, #tpu.memory_space<vmem>> -> memref<1x32x1024xf32, #tpu.memory_space<vmem>>
    %dma_start3A_850 = tpu.memref_squeeze %dma_start3A_849 : memref<1x32x1024xf32, #tpu.memory_space<vmem>> -> memref<32x1024xf32, #tpu.memory_space<vmem>>
    %dma_start3A_851 = arith.constant 0 : i32
    %dma_start3A_852 = tpu.memref_slice %arg2[%add3A_836, %dma_start3A_851] : memref<8192x1024xf32, #tpu.memory_space<hbm>> -> memref<32x1024xf32, #tpu.memory_space<hbm>>
    tpu.enqueue_dma source(%dma_start3A_852 : memref<32x1024xf32, #tpu.memory_space<hbm>>) target(%dma_start3A_850 : memref<32x1024xf32, #tpu.memory_space<vmem>>) target_semaphore(%dma_start3A_846 : memref<!tpu.dma_semaphore, #tpu.memory_space<semaphore_mem>>)
    %add3A_853 = arith.constant 128 : i32
    %add3A_854 = arith.addi %mul3A_2, %add3A_853 : i32
    %dma_wait3A_855 = arith.constant 0 : i32
    %dma_wait3A_856 = arith.constant 0 : i32
    %dma_wait3A_857 = arith.constant 0 : i32
    %dma_wait3A_858 = arith.constant 0 : i32
    %dma_wait3A_859 = tpu.memref_slice %arg4[%dma_wait3A_855, %dma_wait3A_857, %dma_wait3A_858] : memref<2x32x1024xf32, #tpu.memory_space<vmem>> -> memref<1x32x1024xf32, #tpu.memory_space<vmem>>
    %dma_wait3A_860 = tpu.memref_squeeze %dma_wait3A_859 : memref<1x32x1024xf32, #tpu.memory_space<vmem>> -> memref<32x1024xf32, #tpu.memory_space<vmem>>
    %dma_wait3A_861 = arith.constant 0 : i32
    %dma_wait3A_862 = tpu.memref_slice %arg2[%add3A_854, %dma_wait3A_861] : memref<8192x1024xf32, #tpu.memory_space<hbm>> -> memref<32x1024xf32, #tpu.memory_space<hbm>>
    %dma_wait3A_863 = tpu.memref_slice %arg5[%dma_wait3A_856] : memref<2x!tpu.dma_semaphore, #tpu.memory_space<semaphore_mem>> -> memref<1x!tpu.dma_semaphore, #tpu.memory_space<semaphore_mem>>
    %dma_wait3A_864 = tpu.memref_squeeze %dma_wait3A_863 : memref<1x!tpu.dma_semaphore, #tpu.memory_space<semaphore_mem>> -> memref<!tpu.dma_semaphore, #tpu.memory_space<semaphore_mem>>
    %dma_wait3A_865 = arith.constant 0 : i32
    %dma_wait3A_866 = arith.constant 0 : i32
    %dma_wait3A_867 = tpu.memref_slice %arg4[%dma_wait3A_855, %dma_wait3A_865, %dma_wait3A_866] : memref<2x32x1024xf32, #tpu.memory_space<vmem>> -> memref<1x32x1024xf32, #tpu.memory_space<vmem>>
    %dma_wait3A_868 = tpu.memref_squeeze %dma_wait3A_867 : memref<1x32x1024xf32, #tpu.memory_space<vmem>> -> memref<32x1024xf32, #tpu.memory_space<vmem>>
    %dma_wait3A_869 = arith.constant 0 : i32
    %dma_wait3A_870 = tpu.memref_slice %arg2[%add3A_854, %dma_wait3A_869] : memref<8192x1024xf32, #tpu.memory_space<hbm>> -> memref<32x1024xf32, #tpu.memory_space<hbm>>
    tpu.wait_dma2 semaphore(%dma_wait3A_864 : memref<!tpu.dma_semaphore, #tpu.memory_space<semaphore_mem>>) src(%dma_wait3A_870 : memref<32x1024xf32, #tpu.memory_space<hbm>>) dst(%dma_wait3A_868 : memref<32x1024xf32, #tpu.memory_space<vmem>>)
    %add3A_871 = arith.constant 128 : i32
    %add3A_872 = arith.addi %mul3A_2, %add3A_871 : i32
    %dma_start3A_873 = arith.constant 0 : i32
    %dma_start3A_874 = arith.constant 0 : i32
    %dma_start3A_875 = arith.constant 0 : i32
    %dma_start3A_876 = arith.constant 0 : i32
    %dma_start3A_877 = arith.constant 0 : i32
    %dma_start3A_878 = tpu.memref_slice %arg4[%dma_start3A_873, %dma_start3A_876, %dma_start3A_877] : memref<2x32x1024xf32, #tpu.memory_space<vmem>> -> memref<1x32x1024xf32, #tpu.memory_space<vmem>>
    %dma_start3A_879 = tpu.memref_squeeze %dma_start3A_878 : memref<1x32x1024xf32, #tpu.memory_space<vmem>> -> memref<32x1024xf32, #tpu.memory_space<vmem>>
    %dma_start3A_880 = arith.constant 0 : i32
    %dma_start3A_881 = tpu.memref_slice %arg3[%dma_start3A_874, %add3A_872, %dma_start3A_880] : memref<4x8192x1024xf32, #tpu.memory_space<hbm>> -> memref<1x32x1024xf32, #tpu.memory_space<hbm>>
    %dma_start3A_882 = tpu.memref_squeeze %dma_start3A_881 : memref<1x32x1024xf32, #tpu.memory_space<hbm>> -> memref<32x1024xf32, #tpu.memory_space<hbm>>
    %dma_start3A_883 = tpu.memref_slice %arg6[%dma_start3A_875] : memref<2x!tpu.dma_semaphore, #tpu.memory_space<semaphore_mem>> -> memref<1x!tpu.dma_semaphore, #tpu.memory_space<semaphore_mem>>
    %dma_start3A_884 = tpu.memref_squeeze %dma_start3A_883 : memref<1x!tpu.dma_semaphore, #tpu.memory_space<semaphore_mem>> -> memref<!tpu.dma_semaphore, #tpu.memory_space<semaphore_mem>>
    %dma_start3A_885 = arith.constant 0 : i32
    %dma_start3A_886 = tpu.memref_slice %arg3[%dma_start3A_874, %add3A_872, %dma_start3A_885] : memref<4x8192x1024xf32, #tpu.memory_space<hbm>> -> memref<1x32x1024xf32, #tpu.memory_space<hbm>>
    %dma_start3A_887 = tpu.memref_squeeze %dma_start3A_886 : memref<1x32x1024xf32, #tpu.memory_space<hbm>> -> memref<32x1024xf32, #tpu.memory_space<hbm>>
    %dma_start3A_888 = arith.constant 0 : i32
    %dma_start3A_889 = arith.constant 0 : i32
    %dma_start3A_890 = tpu.memref_slice %arg4[%dma_start3A_873, %dma_start3A_888, %dma_start3A_889] : memref<2x32x1024xf32, #tpu.memory_space<vmem>> -> memref<1x32x1024xf32, #tpu.memory_space<vmem>>
    %dma_start3A_891 = tpu.memref_squeeze %dma_start3A_890 : memref<1x32x1024xf32, #tpu.memory_space<vmem>> -> memref<32x1024xf32, #tpu.memory_space<vmem>>
    tpu.enqueue_dma source(%dma_start3A_891 : memref<32x1024xf32, #tpu.memory_space<vmem>>) target(%dma_start3A_887 : memref<32x1024xf32, #tpu.memory_space<hbm>>) target_semaphore(%dma_start3A_884 : memref<!tpu.dma_semaphore, #tpu.memory_space<semaphore_mem>>)
    %add3A_892 = arith.constant 128 : i32
    %add3A_893 = arith.addi %mul3A_2, %add3A_892 : i32
    %dma_start3A_894 = arith.constant 0 : i32
    %dma_start3A_895 = arith.constant 1 : i32
    %dma_start3A_896 = arith.constant 0 : i32
    %dma_start3A_897 = arith.constant 0 : i32
    %dma_start3A_898 = arith.constant 0 : i32
    %dma_start3A_899 = tpu.memref_slice %arg4[%dma_start3A_894, %dma_start3A_897, %dma_start3A_898] : memref<2x32x1024xf32, #tpu.memory_space<vmem>> -> memref<1x32x1024xf32, #tpu.memory_space<vmem>>
    %dma_start3A_900 = tpu.memref_squeeze %dma_start3A_899 : memref<1x32x1024xf32, #tpu.memory_space<vmem>> -> memref<32x1024xf32, #tpu.memory_space<vmem>>
    %dma_start3A_901 = arith.constant 0 : i32
    %dma_start3A_902 = tpu.memref_slice %arg3[%dma_start3A_895, %add3A_893, %dma_start3A_901] : memref<4x8192x1024xf32, #tpu.memory_space<hbm>> -> memref<1x32x1024xf32, #tpu.memory_space<hbm>>
    %dma_start3A_903 = tpu.memref_squeeze %dma_start3A_902 : memref<1x32x1024xf32, #tpu.memory_space<hbm>> -> memref<32x1024xf32, #tpu.memory_space<hbm>>
    %dma_start3A_904 = tpu.memref_slice %arg6[%dma_start3A_896] : memref<2x!tpu.dma_semaphore, #tpu.memory_space<semaphore_mem>> -> memref<1x!tpu.dma_semaphore, #tpu.memory_space<semaphore_mem>>
    %dma_start3A_905 = tpu.memref_squeeze %dma_start3A_904 : memref<1x!tpu.dma_semaphore, #tpu.memory_space<semaphore_mem>> -> memref<!tpu.dma_semaphore, #tpu.memory_space<semaphore_mem>>
    %dma_start3A_906 = arith.constant 0 : i32
    %dma_start3A_907 = tpu.memref_slice %arg3[%dma_start3A_895, %add3A_893, %dma_start3A_906] : memref<4x8192x1024xf32, #tpu.memory_space<hbm>> -> memref<1x32x1024xf32, #tpu.memory_space<hbm>>
    %dma_start3A_908 = tpu.memref_squeeze %dma_start3A_907 : memref<1x32x1024xf32, #tpu.memory_space<hbm>> -> memref<32x1024xf32, #tpu.memory_space<hbm>>
    %dma_start3A_909 = arith.constant 0 : i32
    %dma_start3A_910 = arith.constant 0 : i32
    %dma_start3A_911 = tpu.memref_slice %arg4[%dma_start3A_894, %dma_start3A_909, %dma_start3A_910] : memref<2x32x1024xf32, #tpu.memory_space<vmem>> -> memref<1x32x1024xf32, #tpu.memory_space<vmem>>
    %dma_start3A_912 = tpu.memref_squeeze %dma_start3A_911 : memref<1x32x1024xf32, #tpu.memory_space<vmem>> -> memref<32x1024xf32, #tpu.memory_space<vmem>>
    tpu.enqueue_dma source(%dma_start3A_912 : memref<32x1024xf32, #tpu.memory_space<vmem>>) target(%dma_start3A_908 : memref<32x1024xf32, #tpu.memory_space<hbm>>) target_semaphore(%dma_start3A_905 : memref<!tpu.dma_semaphore, #tpu.memory_space<semaphore_mem>>)
    %add3A_913 = arith.constant 128 : i32
    %add3A_914 = arith.addi %mul3A_2, %add3A_913 : i32
    %dma_start3A_915 = arith.constant 0 : i32
    %dma_start3A_916 = arith.constant 2 : i32
    %dma_start3A_917 = arith.constant 0 : i32
    %dma_start3A_918 = arith.constant 0 : i32
    %dma_start3A_919 = arith.constant 0 : i32
    %dma_start3A_920 = tpu.memref_slice %arg4[%dma_start3A_915, %dma_start3A_918, %dma_start3A_919] : memref<2x32x1024xf32, #tpu.memory_space<vmem>> -> memref<1x32x1024xf32, #tpu.memory_space<vmem>>
    %dma_start3A_921 = tpu.memref_squeeze %dma_start3A_920 : memref<1x32x1024xf32, #tpu.memory_space<vmem>> -> memref<32x1024xf32, #tpu.memory_space<vmem>>
    %dma_start3A_922 = arith.constant 0 : i32
    %dma_start3A_923 = tpu.memref_slice %arg3[%dma_start3A_916, %add3A_914, %dma_start3A_922] : memref<4x8192x1024xf32, #tpu.memory_space<hbm>> -> memref<1x32x1024xf32, #tpu.memory_space<hbm>>
    %dma_start3A_924 = tpu.memref_squeeze %dma_start3A_923 : memref<1x32x1024xf32, #tpu.memory_space<hbm>> -> memref<32x1024xf32, #tpu.memory_space<hbm>>
    %dma_start3A_925 = tpu.memref_slice %arg6[%dma_start3A_917] : memref<2x!tpu.dma_semaphore, #tpu.memory_space<semaphore_mem>> -> memref<1x!tpu.dma_semaphore, #tpu.memory_space<semaphore_mem>>
    %dma_start3A_926 = tpu.memref_squeeze %dma_start3A_925 : memref<1x!tpu.dma_semaphore, #tpu.memory_space<semaphore_mem>> -> memref<!tpu.dma_semaphore, #tpu.memory_space<semaphore_mem>>
    %dma_start3A_927 = arith.constant 0 : i32
    %dma_start3A_928 = tpu.memref_slice %arg3[%dma_start3A_916, %add3A_914, %dma_start3A_927] : memref<4x8192x1024xf32, #tpu.memory_space<hbm>> -> memref<1x32x1024xf32, #tpu.memory_space<hbm>>
    %dma_start3A_929 = tpu.memref_squeeze %dma_start3A_928 : memref<1x32x1024xf32, #tpu.memory_space<hbm>> -> memref<32x1024xf32, #tpu.memory_space<hbm>>
    %dma_start3A_930 = arith.constant 0 : i32
    %dma_start3A_931 = arith.constant 0 : i32
    %dma_start3A_932 = tpu.memref_slice %arg4[%dma_start3A_915, %dma_start3A_930, %dma_start3A_931] : memref<2x32x1024xf32, #tpu.memory_space<vmem>> -> memref<1x32x1024xf32, #tpu.memory_space<vmem>>
    %dma_start3A_933 = tpu.memref_squeeze %dma_start3A_932 : memref<1x32x1024xf32, #tpu.memory_space<vmem>> -> memref<32x1024xf32, #tpu.memory_space<vmem>>
    tpu.enqueue_dma source(%dma_start3A_933 : memref<32x1024xf32, #tpu.memory_space<vmem>>) target(%dma_start3A_929 : memref<32x1024xf32, #tpu.memory_space<hbm>>) target_semaphore(%dma_start3A_926 : memref<!tpu.dma_semaphore, #tpu.memory_space<semaphore_mem>>)
    %add3A_934 = arith.constant 128 : i32
    %add3A_935 = arith.addi %mul3A_2, %add3A_934 : i32
    %dma_start3A_936 = arith.constant 0 : i32
    %dma_start3A_937 = arith.constant 3 : i32
    %dma_start3A_938 = arith.constant 0 : i32
    %dma_start3A_939 = arith.constant 0 : i32
    %dma_start3A_940 = arith.constant 0 : i32
    %dma_start3A_941 = tpu.memref_slice %arg4[%dma_start3A_936, %dma_start3A_939, %dma_start3A_940] : memref<2x32x1024xf32, #tpu.memory_space<vmem>> -> memref<1x32x1024xf32, #tpu.memory_space<vmem>>
    %dma_start3A_942 = tpu.memref_squeeze %dma_start3A_941 : memref<1x32x1024xf32, #tpu.memory_space<vmem>> -> memref<32x1024xf32, #tpu.memory_space<vmem>>
    %dma_start3A_943 = arith.constant 0 : i32
    %dma_start3A_944 = tpu.memref_slice %arg3[%dma_start3A_937, %add3A_935, %dma_start3A_943] : memref<4x8192x1024xf32, #tpu.memory_space<hbm>> -> memref<1x32x1024xf32, #tpu.memory_space<hbm>>
    %dma_start3A_945 = tpu.memref_squeeze %dma_start3A_944 : memref<1x32x1024xf32, #tpu.memory_space<hbm>> -> memref<32x1024xf32, #tpu.memory_space<hbm>>
    %dma_start3A_946 = tpu.memref_slice %arg6[%dma_start3A_938] : memref<2x!tpu.dma_semaphore, #tpu.memory_space<semaphore_mem>> -> memref<1x!tpu.dma_semaphore, #tpu.memory_space<semaphore_mem>>
    %dma_start3A_947 = tpu.memref_squeeze %dma_start3A_946 : memref<1x!tpu.dma_semaphore, #tpu.memory_space<semaphore_mem>> -> memref<!tpu.dma_semaphore, #tpu.memory_space<semaphore_mem>>
    %dma_start3A_948 = arith.constant 0 : i32
    %dma_start3A_949 = tpu.memref_slice %arg3[%dma_start3A_937, %add3A_935, %dma_start3A_948] : memref<4x8192x1024xf32, #tpu.memory_space<hbm>> -> memref<1x32x1024xf32, #tpu.memory_space<hbm>>
    %dma_start3A_950 = tpu.memref_squeeze %dma_start3A_949 : memref<1x32x1024xf32, #tpu.memory_space<hbm>> -> memref<32x1024xf32, #tpu.memory_space<hbm>>
    %dma_start3A_951 = arith.constant 0 : i32
    %dma_start3A_952 = arith.constant 0 : i32
    %dma_start3A_953 = tpu.memref_slice %arg4[%dma_start3A_936, %dma_start3A_951, %dma_start3A_952] : memref<2x32x1024xf32, #tpu.memory_space<vmem>> -> memref<1x32x1024xf32, #tpu.memory_space<vmem>>
    %dma_start3A_954 = tpu.memref_squeeze %dma_start3A_953 : memref<1x32x1024xf32, #tpu.memory_space<vmem>> -> memref<32x1024xf32, #tpu.memory_space<vmem>>
    tpu.enqueue_dma source(%dma_start3A_954 : memref<32x1024xf32, #tpu.memory_space<vmem>>) target(%dma_start3A_950 : memref<32x1024xf32, #tpu.memory_space<hbm>>) target_semaphore(%dma_start3A_947 : memref<!tpu.dma_semaphore, #tpu.memory_space<semaphore_mem>>)
    %add3A_955 = arith.constant 128 : i32
    %add3A_956 = arith.addi %mul3A_2, %add3A_955 : i32
    %dma_wait3A_957 = arith.constant 0 : i32
    %dma_wait3A_958 = arith.constant 0 : i32
    %dma_wait3A_959 = arith.constant 0 : i32
    %dma_wait3A_960 = arith.constant 0 : i32
    %dma_wait3A_961 = arith.constant 0 : i32
    %dma_wait3A_962 = tpu.memref_slice %arg4[%dma_wait3A_957, %dma_wait3A_960, %dma_wait3A_961] : memref<2x32x1024xf32, #tpu.memory_space<vmem>> -> memref<1x32x1024xf32, #tpu.memory_space<vmem>>
    %dma_wait3A_963 = tpu.memref_squeeze %dma_wait3A_962 : memref<1x32x1024xf32, #tpu.memory_space<vmem>> -> memref<32x1024xf32, #tpu.memory_space<vmem>>
    %dma_wait3A_964 = arith.constant 0 : i32
    %dma_wait3A_965 = tpu.memref_slice %arg3[%dma_wait3A_958, %add3A_956, %dma_wait3A_964] : memref<4x8192x1024xf32, #tpu.memory_space<hbm>> -> memref<1x32x1024xf32, #tpu.memory_space<hbm>>
    %dma_wait3A_966 = tpu.memref_squeeze %dma_wait3A_965 : memref<1x32x1024xf32, #tpu.memory_space<hbm>> -> memref<32x1024xf32, #tpu.memory_space<hbm>>
    %dma_wait3A_967 = tpu.memref_slice %arg6[%dma_wait3A_959] : memref<2x!tpu.dma_semaphore, #tpu.memory_space<semaphore_mem>> -> memref<1x!tpu.dma_semaphore, #tpu.memory_space<semaphore_mem>>
    %dma_wait3A_968 = tpu.memref_squeeze %dma_wait3A_967 : memref<1x!tpu.dma_semaphore, #tpu.memory_space<semaphore_mem>> -> memref<!tpu.dma_semaphore, #tpu.memory_space<semaphore_mem>>
    %dma_wait3A_969 = arith.constant 0 : i32
    %dma_wait3A_970 = tpu.memref_slice %arg3[%dma_wait3A_958, %add3A_956, %dma_wait3A_969] : memref<4x8192x1024xf32, #tpu.memory_space<hbm>> -> memref<1x32x1024xf32, #tpu.memory_space<hbm>>
    %dma_wait3A_971 = tpu.memref_squeeze %dma_wait3A_970 : memref<1x32x1024xf32, #tpu.memory_space<hbm>> -> memref<32x1024xf32, #tpu.memory_space<hbm>>
    %dma_wait3A_972 = arith.constant 0 : i32
    %dma_wait3A_973 = arith.constant 0 : i32
    %dma_wait3A_974 = tpu.memref_slice %arg4[%dma_wait3A_957, %dma_wait3A_972, %dma_wait3A_973] : memref<2x32x1024xf32, #tpu.memory_space<vmem>> -> memref<1x32x1024xf32, #tpu.memory_space<vmem>>
    %dma_wait3A_975 = tpu.memref_squeeze %dma_wait3A_974 : memref<1x32x1024xf32, #tpu.memory_space<vmem>> -> memref<32x1024xf32, #tpu.memory_space<vmem>>
    tpu.wait_dma2 semaphore(%dma_wait3A_968 : memref<!tpu.dma_semaphore, #tpu.memory_space<semaphore_mem>>) src(%dma_wait3A_975 : memref<32x1024xf32, #tpu.memory_space<vmem>>) dst(%dma_wait3A_971 : memref<32x1024xf32, #tpu.memory_space<hbm>>)
    %add3A_976 = arith.constant 128 : i32
    %add3A_977 = arith.addi %mul3A_2, %add3A_976 : i32
    %dma_wait3A_978 = arith.constant 0 : i32
    %dma_wait3A_979 = arith.constant 1 : i32
    %dma_wait3A_980 = arith.constant 0 : i32
    %dma_wait3A_981 = arith.constant 0 : i32
    %dma_wait3A_982 = arith.constant 0 : i32
    %dma_wait3A_983 = tpu.memref_slice %arg4[%dma_wait3A_978, %dma_wait3A_981, %dma_wait3A_982] : memref<2x32x1024xf32, #tpu.memory_space<vmem>> -> memref<1x32x1024xf32, #tpu.memory_space<vmem>>
    %dma_wait3A_984 = tpu.memref_squeeze %dma_wait3A_983 : memref<1x32x1024xf32, #tpu.memory_space<vmem>> -> memref<32x1024xf32, #tpu.memory_space<vmem>>
    %dma_wait3A_985 = arith.constant 0 : i32
    %dma_wait3A_986 = tpu.memref_slice %arg3[%dma_wait3A_979, %add3A_977, %dma_wait3A_985] : memref<4x8192x1024xf32, #tpu.memory_space<hbm>> -> memref<1x32x1024xf32, #tpu.memory_space<hbm>>
    %dma_wait3A_987 = tpu.memref_squeeze %dma_wait3A_986 : memref<1x32x1024xf32, #tpu.memory_space<hbm>> -> memref<32x1024xf32, #tpu.memory_space<hbm>>
    %dma_wait3A_988 = tpu.memref_slice %arg6[%dma_wait3A_980] : memref<2x!tpu.dma_semaphore, #tpu.memory_space<semaphore_mem>> -> memref<1x!tpu.dma_semaphore, #tpu.memory_space<semaphore_mem>>
    %dma_wait3A_989 = tpu.memref_squeeze %dma_wait3A_988 : memref<1x!tpu.dma_semaphore, #tpu.memory_space<semaphore_mem>> -> memref<!tpu.dma_semaphore, #tpu.memory_space<semaphore_mem>>
    %dma_wait3A_990 = arith.constant 0 : i32
    %dma_wait3A_991 = tpu.memref_slice %arg3[%dma_wait3A_979, %add3A_977, %dma_wait3A_990] : memref<4x8192x1024xf32, #tpu.memory_space<hbm>> -> memref<1x32x1024xf32, #tpu.memory_space<hbm>>
    %dma_wait3A_992 = tpu.memref_squeeze %dma_wait3A_991 : memref<1x32x1024xf32, #tpu.memory_space<hbm>> -> memref<32x1024xf32, #tpu.memory_space<hbm>>
    %dma_wait3A_993 = arith.constant 0 : i32
    %dma_wait3A_994 = arith.constant 0 : i32
    %dma_wait3A_995 = tpu.memref_slice %arg4[%dma_wait3A_978, %dma_wait3A_993, %dma_wait3A_994] : memref<2x32x1024xf32, #tpu.memory_space<vmem>> -> memref<1x32x1024xf32, #tpu.memory_space<vmem>>
    %dma_wait3A_996 = tpu.memref_squeeze %dma_wait3A_995 : memref<1x32x1024xf32, #tpu.memory_space<vmem>> -> memref<32x1024xf32, #tpu.memory_space<vmem>>
    tpu.wait_dma2 semaphore(%dma_wait3A_989 : memref<!tpu.dma_semaphore, #tpu.memory_space<semaphore_mem>>) src(%dma_wait3A_996 : memref<32x1024xf32, #tpu.memory_space<vmem>>) dst(%dma_wait3A_992 : memref<32x1024xf32, #tpu.memory_space<hbm>>)
    %add3A_997 = arith.constant 128 : i32
    %add3A_998 = arith.addi %mul3A_2, %add3A_997 : i32
    %dma_wait3A_999 = arith.constant 0 : i32
    %dma_wait3A_1000 = arith.constant 2 : i32
    %dma_wait3A_1001 = arith.constant 0 : i32
    %dma_wait3A_1002 = arith.constant 0 : i32
    %dma_wait3A_1003 = arith.constant 0 : i32
    %dma_wait3A_1004 = tpu.memref_slice %arg4[%dma_wait3A_999, %dma_wait3A_1002, %dma_wait3A_1003] : memref<2x32x1024xf32, #tpu.memory_space<vmem>> -> memref<1x32x1024xf32, #tpu.memory_space<vmem>>
    %dma_wait3A_1005 = tpu.memref_squeeze %dma_wait3A_1004 : memref<1x32x1024xf32, #tpu.memory_space<vmem>> -> memref<32x1024xf32, #tpu.memory_space<vmem>>
    %dma_wait3A_1006 = arith.constant 0 : i32
    %dma_wait3A_1007 = tpu.memref_slice %arg3[%dma_wait3A_1000, %add3A_998, %dma_wait3A_1006] : memref<4x8192x1024xf32, #tpu.memory_space<hbm>> -> memref<1x32x1024xf32, #tpu.memory_space<hbm>>
    %dma_wait3A_1008 = tpu.memref_squeeze %dma_wait3A_1007 : memref<1x32x1024xf32, #tpu.memory_space<hbm>> -> memref<32x1024xf32, #tpu.memory_space<hbm>>
    %dma_wait3A_1009 = tpu.memref_slice %arg6[%dma_wait3A_1001] : memref<2x!tpu.dma_semaphore, #tpu.memory_space<semaphore_mem>> -> memref<1x!tpu.dma_semaphore, #tpu.memory_space<semaphore_mem>>
    %dma_wait3A_1010 = tpu.memref_squeeze %dma_wait3A_1009 : memref<1x!tpu.dma_semaphore, #tpu.memory_space<semaphore_mem>> -> memref<!tpu.dma_semaphore, #tpu.memory_space<semaphore_mem>>
    %dma_wait3A_1011 = arith.constant 0 : i32
    %dma_wait3A_1012 = tpu.memref_slice %arg3[%dma_wait3A_1000, %add3A_998, %dma_wait3A_1011] : memref<4x8192x1024xf32, #tpu.memory_space<hbm>> -> memref<1x32x1024xf32, #tpu.memory_space<hbm>>
    %dma_wait3A_1013 = tpu.memref_squeeze %dma_wait3A_1012 : memref<1x32x1024xf32, #tpu.memory_space<hbm>> -> memref<32x1024xf32, #tpu.memory_space<hbm>>
    %dma_wait3A_1014 = arith.constant 0 : i32
    %dma_wait3A_1015 = arith.constant 0 : i32
    %dma_wait3A_1016 = tpu.memref_slice %arg4[%dma_wait3A_999, %dma_wait3A_1014, %dma_wait3A_1015] : memref<2x32x1024xf32, #tpu.memory_space<vmem>> -> memref<1x32x1024xf32, #tpu.memory_space<vmem>>
    %dma_wait3A_1017 = tpu.memref_squeeze %dma_wait3A_1016 : memref<1x32x1024xf32, #tpu.memory_space<vmem>> -> memref<32x1024xf32, #tpu.memory_space<vmem>>
    tpu.wait_dma2 semaphore(%dma_wait3A_1010 : memref<!tpu.dma_semaphore, #tpu.memory_space<semaphore_mem>>) src(%dma_wait3A_1017 : memref<32x1024xf32, #tpu.memory_space<vmem>>) dst(%dma_wait3A_1013 : memref<32x1024xf32, #tpu.memory_space<hbm>>)
    %add3A_1018 = arith.constant 128 : i32
    %add3A_1019 = arith.addi %mul3A_2, %add3A_1018 : i32
    %dma_wait3A_1020 = arith.constant 0 : i32
    %dma_wait3A_1021 = arith.constant 3 : i32
    %dma_wait3A_1022 = arith.constant 0 : i32
    %dma_wait3A_1023 = arith.constant 0 : i32
    %dma_wait3A_1024 = arith.constant 0 : i32
    %dma_wait3A_1025 = tpu.memref_slice %arg4[%dma_wait3A_1020, %dma_wait3A_1023, %dma_wait3A_1024] : memref<2x32x1024xf32, #tpu.memory_space<vmem>> -> memref<1x32x1024xf32, #tpu.memory_space<vmem>>
    %dma_wait3A_1026 = tpu.memref_squeeze %dma_wait3A_1025 : memref<1x32x1024xf32, #tpu.memory_space<vmem>> -> memref<32x1024xf32, #tpu.memory_space<vmem>>
    %dma_wait3A_1027 = arith.constant 0 : i32
    %dma_wait3A_1028 = tpu.memref_slice %arg3[%dma_wait3A_1021, %add3A_1019, %dma_wait3A_1027] : memref<4x8192x1024xf32, #tpu.memory_space<hbm>> -> memref<1x32x1024xf32, #tpu.memory_space<hbm>>
    %dma_wait3A_1029 = tpu.memref_squeeze %dma_wait3A_1028 : memref<1x32x1024xf32, #tpu.memory_space<hbm>> -> memref<32x1024xf32, #tpu.memory_space<hbm>>
    %dma_wait3A_1030 = tpu.memref_slice %arg6[%dma_wait3A_1022] : memref<2x!tpu.dma_semaphore, #tpu.memory_space<semaphore_mem>> -> memref<1x!tpu.dma_semaphore, #tpu.memory_space<semaphore_mem>>
    %dma_wait3A_1031 = tpu.memref_squeeze %dma_wait3A_1030 : memref<1x!tpu.dma_semaphore, #tpu.memory_space<semaphore_mem>> -> memref<!tpu.dma_semaphore, #tpu.memory_space<semaphore_mem>>
    %dma_wait3A_1032 = arith.constant 0 : i32
    %dma_wait3A_1033 = tpu.memref_slice %arg3[%dma_wait3A_1021, %add3A_1019, %dma_wait3A_1032] : memref<4x8192x1024xf32, #tpu.memory_space<hbm>> -> memref<1x32x1024xf32, #tpu.memory_space<hbm>>
    %dma_wait3A_1034 = tpu.memref_squeeze %dma_wait3A_1033 : memref<1x32x1024xf32, #tpu.memory_space<hbm>> -> memref<32x1024xf32, #tpu.memory_space<hbm>>
    %dma_wait3A_1035 = arith.constant 0 : i32
    %dma_wait3A_1036 = arith.constant 0 : i32
    %dma_wait3A_1037 = tpu.memref_slice %arg4[%dma_wait3A_1020, %dma_wait3A_1035, %dma_wait3A_1036] : memref<2x32x1024xf32, #tpu.memory_space<vmem>> -> memref<1x32x1024xf32, #tpu.memory_space<vmem>>
    %dma_wait3A_1038 = tpu.memref_squeeze %dma_wait3A_1037 : memref<1x32x1024xf32, #tpu.memory_space<vmem>> -> memref<32x1024xf32, #tpu.memory_space<vmem>>
    tpu.wait_dma2 semaphore(%dma_wait3A_1031 : memref<!tpu.dma_semaphore, #tpu.memory_space<semaphore_mem>>) src(%dma_wait3A_1038 : memref<32x1024xf32, #tpu.memory_space<vmem>>) dst(%dma_wait3A_1034 : memref<32x1024xf32, #tpu.memory_space<hbm>>)
    %add3A_1039 = arith.constant 192 : i32
    %add3A_1040 = arith.addi %mul3A_2, %add3A_1039 : i32
    %dma_start3A_1041 = arith.constant 0 : i32
    %dma_start3A_1042 = arith.constant 0 : i32
    %dma_start3A_1043 = arith.constant 0 : i32
    %dma_start3A_1044 = arith.constant 0 : i32
    %dma_start3A_1045 = tpu.memref_slice %arg4[%dma_start3A_1041, %dma_start3A_1043, %dma_start3A_1044] : memref<2x32x1024xf32, #tpu.memory_space<vmem>> -> memref<1x32x1024xf32, #tpu.memory_space<vmem>>
    %dma_start3A_1046 = tpu.memref_squeeze %dma_start3A_1045 : memref<1x32x1024xf32, #tpu.memory_space<vmem>> -> memref<32x1024xf32, #tpu.memory_space<vmem>>
    %dma_start3A_1047 = arith.constant 0 : i32
    %dma_start3A_1048 = tpu.memref_slice %arg2[%add3A_1040, %dma_start3A_1047] : memref<8192x1024xf32, #tpu.memory_space<hbm>> -> memref<32x1024xf32, #tpu.memory_space<hbm>>
    %dma_start3A_1049 = tpu.memref_slice %arg5[%dma_start3A_1042] : memref<2x!tpu.dma_semaphore, #tpu.memory_space<semaphore_mem>> -> memref<1x!tpu.dma_semaphore, #tpu.memory_space<semaphore_mem>>
    %dma_start3A_1050 = tpu.memref_squeeze %dma_start3A_1049 : memref<1x!tpu.dma_semaphore, #tpu.memory_space<semaphore_mem>> -> memref<!tpu.dma_semaphore, #tpu.memory_space<semaphore_mem>>
    %dma_start3A_1051 = arith.constant 0 : i32
    %dma_start3A_1052 = arith.constant 0 : i32
    %dma_start3A_1053 = tpu.memref_slice %arg4[%dma_start3A_1041, %dma_start3A_1051, %dma_start3A_1052] : memref<2x32x1024xf32, #tpu.memory_space<vmem>> -> memref<1x32x1024xf32, #tpu.memory_space<vmem>>
    %dma_start3A_1054 = tpu.memref_squeeze %dma_start3A_1053 : memref<1x32x1024xf32, #tpu.memory_space<vmem>> -> memref<32x1024xf32, #tpu.memory_space<vmem>>
    %dma_start3A_1055 = arith.constant 0 : i32
    %dma_start3A_1056 = tpu.memref_slice %arg2[%add3A_1040, %dma_start3A_1055] : memref<8192x1024xf32, #tpu.memory_space<hbm>> -> memref<32x1024xf32, #tpu.memory_space<hbm>>
    tpu.enqueue_dma source(%dma_start3A_1056 : memref<32x1024xf32, #tpu.memory_space<hbm>>) target(%dma_start3A_1054 : memref<32x1024xf32, #tpu.memory_space<vmem>>) target_semaphore(%dma_start3A_1050 : memref<!tpu.dma_semaphore, #tpu.memory_space<semaphore_mem>>)
    %add3A_1057 = arith.constant 160 : i32
    %add3A_1058 = arith.addi %mul3A_2, %add3A_1057 : i32
    %dma_wait3A_1059 = arith.constant 1 : i32
    %dma_wait3A_1060 = arith.constant 1 : i32
    %dma_wait3A_1061 = arith.constant 0 : i32
    %dma_wait3A_1062 = arith.constant 0 : i32
    %dma_wait3A_1063 = tpu.memref_slice %arg4[%dma_wait3A_1059, %dma_wait3A_1061, %dma_wait3A_1062] : memref<2x32x1024xf32, #tpu.memory_space<vmem>> -> memref<1x32x1024xf32, #tpu.memory_space<vmem>>
    %dma_wait3A_1064 = tpu.memref_squeeze %dma_wait3A_1063 : memref<1x32x1024xf32, #tpu.memory_space<vmem>> -> memref<32x1024xf32, #tpu.memory_space<vmem>>
    %dma_wait3A_1065 = arith.constant 0 : i32
    %dma_wait3A_1066 = tpu.memref_slice %arg2[%add3A_1058, %dma_wait3A_1065] : memref<8192x1024xf32, #tpu.memory_space<hbm>> -> memref<32x1024xf32, #tpu.memory_space<hbm>>
    %dma_wait3A_1067 = tpu.memref_slice %arg5[%dma_wait3A_1060] : memref<2x!tpu.dma_semaphore, #tpu.memory_space<semaphore_mem>> -> memref<1x!tpu.dma_semaphore, #tpu.memory_space<semaphore_mem>>
    %dma_wait3A_1068 = tpu.memref_squeeze %dma_wait3A_1067 : memref<1x!tpu.dma_semaphore, #tpu.memory_space<semaphore_mem>> -> memref<!tpu.dma_semaphore, #tpu.memory_space<semaphore_mem>>
    %dma_wait3A_1069 = arith.constant 0 : i32
    %dma_wait3A_1070 = arith.constant 0 : i32
    %dma_wait3A_1071 = tpu.memref_slice %arg4[%dma_wait3A_1059, %dma_wait3A_1069, %dma_wait3A_1070] : memref<2x32x1024xf32, #tpu.memory_space<vmem>> -> memref<1x32x1024xf32, #tpu.memory_space<vmem>>
    %dma_wait3A_1072 = tpu.memref_squeeze %dma_wait3A_1071 : memref<1x32x1024xf32, #tpu.memory_space<vmem>> -> memref<32x1024xf32, #tpu.memory_space<vmem>>
    %dma_wait3A_1073 = arith.constant 0 : i32
    %dma_wait3A_1074 = tpu.memref_slice %arg2[%add3A_1058, %dma_wait3A_1073] : memref<8192x1024xf32, #tpu.memory_space<hbm>> -> memref<32x1024xf32, #tpu.memory_space<hbm>>
    tpu.wait_dma2 semaphore(%dma_wait3A_1068 : memref<!tpu.dma_semaphore, #tpu.memory_space<semaphore_mem>>) src(%dma_wait3A_1074 : memref<32x1024xf32, #tpu.memory_space<hbm>>) dst(%dma_wait3A_1072 : memref<32x1024xf32, #tpu.memory_space<vmem>>)
    %add3A_1075 = arith.constant 160 : i32
    %add3A_1076 = arith.addi %mul3A_2, %add3A_1075 : i32
    %dma_start3A_1077 = arith.constant 1 : i32
    %dma_start3A_1078 = arith.constant 0 : i32
    %dma_start3A_1079 = arith.constant 1 : i32
    %dma_start3A_1080 = arith.constant 0 : i32
    %dma_start3A_1081 = arith.constant 0 : i32
    %dma_start3A_1082 = tpu.memref_slice %arg4[%dma_start3A_1077, %dma_start3A_1080, %dma_start3A_1081] : memref<2x32x1024xf32, #tpu.memory_space<vmem>> -> memref<1x32x1024xf32, #tpu.memory_space<vmem>>
    %dma_start3A_1083 = tpu.memref_squeeze %dma_start3A_1082 : memref<1x32x1024xf32, #tpu.memory_space<vmem>> -> memref<32x1024xf32, #tpu.memory_space<vmem>>
    %dma_start3A_1084 = arith.constant 0 : i32
    %dma_start3A_1085 = tpu.memref_slice %arg3[%dma_start3A_1078, %add3A_1076, %dma_start3A_1084] : memref<4x8192x1024xf32, #tpu.memory_space<hbm>> -> memref<1x32x1024xf32, #tpu.memory_space<hbm>>
    %dma_start3A_1086 = tpu.memref_squeeze %dma_start3A_1085 : memref<1x32x1024xf32, #tpu.memory_space<hbm>> -> memref<32x1024xf32, #tpu.memory_space<hbm>>
    %dma_start3A_1087 = tpu.memref_slice %arg6[%dma_start3A_1079] : memref<2x!tpu.dma_semaphore, #tpu.memory_space<semaphore_mem>> -> memref<1x!tpu.dma_semaphore, #tpu.memory_space<semaphore_mem>>
    %dma_start3A_1088 = tpu.memref_squeeze %dma_start3A_1087 : memref<1x!tpu.dma_semaphore, #tpu.memory_space<semaphore_mem>> -> memref<!tpu.dma_semaphore, #tpu.memory_space<semaphore_mem>>
    %dma_start3A_1089 = arith.constant 0 : i32
    %dma_start3A_1090 = tpu.memref_slice %arg3[%dma_start3A_1078, %add3A_1076, %dma_start3A_1089] : memref<4x8192x1024xf32, #tpu.memory_space<hbm>> -> memref<1x32x1024xf32, #tpu.memory_space<hbm>>
    %dma_start3A_1091 = tpu.memref_squeeze %dma_start3A_1090 : memref<1x32x1024xf32, #tpu.memory_space<hbm>> -> memref<32x1024xf32, #tpu.memory_space<hbm>>
    %dma_start3A_1092 = arith.constant 0 : i32
    %dma_start3A_1093 = arith.constant 0 : i32
    %dma_start3A_1094 = tpu.memref_slice %arg4[%dma_start3A_1077, %dma_start3A_1092, %dma_start3A_1093] : memref<2x32x1024xf32, #tpu.memory_space<vmem>> -> memref<1x32x1024xf32, #tpu.memory_space<vmem>>
    %dma_start3A_1095 = tpu.memref_squeeze %dma_start3A_1094 : memref<1x32x1024xf32, #tpu.memory_space<vmem>> -> memref<32x1024xf32, #tpu.memory_space<vmem>>
    tpu.enqueue_dma source(%dma_start3A_1095 : memref<32x1024xf32, #tpu.memory_space<vmem>>) target(%dma_start3A_1091 : memref<32x1024xf32, #tpu.memory_space<hbm>>) target_semaphore(%dma_start3A_1088 : memref<!tpu.dma_semaphore, #tpu.memory_space<semaphore_mem>>)
    %add3A_1096 = arith.constant 160 : i32
    %add3A_1097 = arith.addi %mul3A_2, %add3A_1096 : i32
    %dma_start3A_1098 = arith.constant 1 : i32
    %dma_start3A_1099 = arith.constant 1 : i32
    %dma_start3A_1100 = arith.constant 1 : i32
    %dma_start3A_1101 = arith.constant 0 : i32
    %dma_start3A_1102 = arith.constant 0 : i32
    %dma_start3A_1103 = tpu.memref_slice %arg4[%dma_start3A_1098, %dma_start3A_1101, %dma_start3A_1102] : memref<2x32x1024xf32, #tpu.memory_space<vmem>> -> memref<1x32x1024xf32, #tpu.memory_space<vmem>>
    %dma_start3A_1104 = tpu.memref_squeeze %dma_start3A_1103 : memref<1x32x1024xf32, #tpu.memory_space<vmem>> -> memref<32x1024xf32, #tpu.memory_space<vmem>>
    %dma_start3A_1105 = arith.constant 0 : i32
    %dma_start3A_1106 = tpu.memref_slice %arg3[%dma_start3A_1099, %add3A_1097, %dma_start3A_1105] : memref<4x8192x1024xf32, #tpu.memory_space<hbm>> -> memref<1x32x1024xf32, #tpu.memory_space<hbm>>
    %dma_start3A_1107 = tpu.memref_squeeze %dma_start3A_1106 : memref<1x32x1024xf32, #tpu.memory_space<hbm>> -> memref<32x1024xf32, #tpu.memory_space<hbm>>
    %dma_start3A_1108 = tpu.memref_slice %arg6[%dma_start3A_1100] : memref<2x!tpu.dma_semaphore, #tpu.memory_space<semaphore_mem>> -> memref<1x!tpu.dma_semaphore, #tpu.memory_space<semaphore_mem>>
    %dma_start3A_1109 = tpu.memref_squeeze %dma_start3A_1108 : memref<1x!tpu.dma_semaphore, #tpu.memory_space<semaphore_mem>> -> memref<!tpu.dma_semaphore, #tpu.memory_space<semaphore_mem>>
    %dma_start3A_1110 = arith.constant 0 : i32
    %dma_start3A_1111 = tpu.memref_slice %arg3[%dma_start3A_1099, %add3A_1097, %dma_start3A_1110] : memref<4x8192x1024xf32, #tpu.memory_space<hbm>> -> memref<1x32x1024xf32, #tpu.memory_space<hbm>>
    %dma_start3A_1112 = tpu.memref_squeeze %dma_start3A_1111 : memref<1x32x1024xf32, #tpu.memory_space<hbm>> -> memref<32x1024xf32, #tpu.memory_space<hbm>>
    %dma_start3A_1113 = arith.constant 0 : i32
    %dma_start3A_1114 = arith.constant 0 : i32
    %dma_start3A_1115 = tpu.memref_slice %arg4[%dma_start3A_1098, %dma_start3A_1113, %dma_start3A_1114] : memref<2x32x1024xf32, #tpu.memory_space<vmem>> -> memref<1x32x1024xf32, #tpu.memory_space<vmem>>
    %dma_start3A_1116 = tpu.memref_squeeze %dma_start3A_1115 : memref<1x32x1024xf32, #tpu.memory_space<vmem>> -> memref<32x1024xf32, #tpu.memory_space<vmem>>
    tpu.enqueue_dma source(%dma_start3A_1116 : memref<32x1024xf32, #tpu.memory_space<vmem>>) target(%dma_start3A_1112 : memref<32x1024xf32, #tpu.memory_space<hbm>>) target_semaphore(%dma_start3A_1109 : memref<!tpu.dma_semaphore, #tpu.memory_space<semaphore_mem>>)
    %add3A_1117 = arith.constant 160 : i32
    %add3A_1118 = arith.addi %mul3A_2, %add3A_1117 : i32
    %dma_start3A_1119 = arith.constant 1 : i32
    %dma_start3A_1120 = arith.constant 2 : i32
    %dma_start3A_1121 = arith.constant 1 : i32
    %dma_start3A_1122 = arith.constant 0 : i32
    %dma_start3A_1123 = arith.constant 0 : i32
    %dma_start3A_1124 = tpu.memref_slice %arg4[%dma_start3A_1119, %dma_start3A_1122, %dma_start3A_1123] : memref<2x32x1024xf32, #tpu.memory_space<vmem>> -> memref<1x32x1024xf32, #tpu.memory_space<vmem>>
    %dma_start3A_1125 = tpu.memref_squeeze %dma_start3A_1124 : memref<1x32x1024xf32, #tpu.memory_space<vmem>> -> memref<32x1024xf32, #tpu.memory_space<vmem>>
    %dma_start3A_1126 = arith.constant 0 : i32
    %dma_start3A_1127 = tpu.memref_slice %arg3[%dma_start3A_1120, %add3A_1118, %dma_start3A_1126] : memref<4x8192x1024xf32, #tpu.memory_space<hbm>> -> memref<1x32x1024xf32, #tpu.memory_space<hbm>>
    %dma_start3A_1128 = tpu.memref_squeeze %dma_start3A_1127 : memref<1x32x1024xf32, #tpu.memory_space<hbm>> -> memref<32x1024xf32, #tpu.memory_space<hbm>>
    %dma_start3A_1129 = tpu.memref_slice %arg6[%dma_start3A_1121] : memref<2x!tpu.dma_semaphore, #tpu.memory_space<semaphore_mem>> -> memref<1x!tpu.dma_semaphore, #tpu.memory_space<semaphore_mem>>
    %dma_start3A_1130 = tpu.memref_squeeze %dma_start3A_1129 : memref<1x!tpu.dma_semaphore, #tpu.memory_space<semaphore_mem>> -> memref<!tpu.dma_semaphore, #tpu.memory_space<semaphore_mem>>
    %dma_start3A_1131 = arith.constant 0 : i32
    %dma_start3A_1132 = tpu.memref_slice %arg3[%dma_start3A_1120, %add3A_1118, %dma_start3A_1131] : memref<4x8192x1024xf32, #tpu.memory_space<hbm>> -> memref<1x32x1024xf32, #tpu.memory_space<hbm>>
    %dma_start3A_1133 = tpu.memref_squeeze %dma_start3A_1132 : memref<1x32x1024xf32, #tpu.memory_space<hbm>> -> memref<32x1024xf32, #tpu.memory_space<hbm>>
    %dma_start3A_1134 = arith.constant 0 : i32
    %dma_start3A_1135 = arith.constant 0 : i32
    %dma_start3A_1136 = tpu.memref_slice %arg4[%dma_start3A_1119, %dma_start3A_1134, %dma_start3A_1135] : memref<2x32x1024xf32, #tpu.memory_space<vmem>> -> memref<1x32x1024xf32, #tpu.memory_space<vmem>>
    %dma_start3A_1137 = tpu.memref_squeeze %dma_start3A_1136 : memref<1x32x1024xf32, #tpu.memory_space<vmem>> -> memref<32x1024xf32, #tpu.memory_space<vmem>>
    tpu.enqueue_dma source(%dma_start3A_1137 : memref<32x1024xf32, #tpu.memory_space<vmem>>) target(%dma_start3A_1133 : memref<32x1024xf32, #tpu.memory_space<hbm>>) target_semaphore(%dma_start3A_1130 : memref<!tpu.dma_semaphore, #tpu.memory_space<semaphore_mem>>)
    %add3A_1138 = arith.constant 160 : i32
    %add3A_1139 = arith.addi %mul3A_2, %add3A_1138 : i32
    %dma_start3A_1140 = arith.constant 1 : i32
    %dma_start3A_1141 = arith.constant 3 : i32
    %dma_start3A_1142 = arith.constant 1 : i32
    %dma_start3A_1143 = arith.constant 0 : i32
    %dma_start3A_1144 = arith.constant 0 : i32
    %dma_start3A_1145 = tpu.memref_slice %arg4[%dma_start3A_1140, %dma_start3A_1143, %dma_start3A_1144] : memref<2x32x1024xf32, #tpu.memory_space<vmem>> -> memref<1x32x1024xf32, #tpu.memory_space<vmem>>
    %dma_start3A_1146 = tpu.memref_squeeze %dma_start3A_1145 : memref<1x32x1024xf32, #tpu.memory_space<vmem>> -> memref<32x1024xf32, #tpu.memory_space<vmem>>
    %dma_start3A_1147 = arith.constant 0 : i32
    %dma_start3A_1148 = tpu.memref_slice %arg3[%dma_start3A_1141, %add3A_1139, %dma_start3A_1147] : memref<4x8192x1024xf32, #tpu.memory_space<hbm>> -> memref<1x32x1024xf32, #tpu.memory_space<hbm>>
    %dma_start3A_1149 = tpu.memref_squeeze %dma_start3A_1148 : memref<1x32x1024xf32, #tpu.memory_space<hbm>> -> memref<32x1024xf32, #tpu.memory_space<hbm>>
    %dma_start3A_1150 = tpu.memref_slice %arg6[%dma_start3A_1142] : memref<2x!tpu.dma_semaphore, #tpu.memory_space<semaphore_mem>> -> memref<1x!tpu.dma_semaphore, #tpu.memory_space<semaphore_mem>>
    %dma_start3A_1151 = tpu.memref_squeeze %dma_start3A_1150 : memref<1x!tpu.dma_semaphore, #tpu.memory_space<semaphore_mem>> -> memref<!tpu.dma_semaphore, #tpu.memory_space<semaphore_mem>>
    %dma_start3A_1152 = arith.constant 0 : i32
    %dma_start3A_1153 = tpu.memref_slice %arg3[%dma_start3A_1141, %add3A_1139, %dma_start3A_1152] : memref<4x8192x1024xf32, #tpu.memory_space<hbm>> -> memref<1x32x1024xf32, #tpu.memory_space<hbm>>
    %dma_start3A_1154 = tpu.memref_squeeze %dma_start3A_1153 : memref<1x32x1024xf32, #tpu.memory_space<hbm>> -> memref<32x1024xf32, #tpu.memory_space<hbm>>
    %dma_start3A_1155 = arith.constant 0 : i32
    %dma_start3A_1156 = arith.constant 0 : i32
    %dma_start3A_1157 = tpu.memref_slice %arg4[%dma_start3A_1140, %dma_start3A_1155, %dma_start3A_1156] : memref<2x32x1024xf32, #tpu.memory_space<vmem>> -> memref<1x32x1024xf32, #tpu.memory_space<vmem>>
    %dma_start3A_1158 = tpu.memref_squeeze %dma_start3A_1157 : memref<1x32x1024xf32, #tpu.memory_space<vmem>> -> memref<32x1024xf32, #tpu.memory_space<vmem>>
    tpu.enqueue_dma source(%dma_start3A_1158 : memref<32x1024xf32, #tpu.memory_space<vmem>>) target(%dma_start3A_1154 : memref<32x1024xf32, #tpu.memory_space<hbm>>) target_semaphore(%dma_start3A_1151 : memref<!tpu.dma_semaphore, #tpu.memory_space<semaphore_mem>>)
    %add3A_1159 = arith.constant 160 : i32
    %add3A_1160 = arith.addi %mul3A_2, %add3A_1159 : i32
    %dma_wait3A_1161 = arith.constant 1 : i32
    %dma_wait3A_1162 = arith.constant 0 : i32
    %dma_wait3A_1163 = arith.constant 1 : i32
    %dma_wait3A_1164 = arith.constant 0 : i32
    %dma_wait3A_1165 = arith.constant 0 : i32
    %dma_wait3A_1166 = tpu.memref_slice %arg4[%dma_wait3A_1161, %dma_wait3A_1164, %dma_wait3A_1165] : memref<2x32x1024xf32, #tpu.memory_space<vmem>> -> memref<1x32x1024xf32, #tpu.memory_space<vmem>>
    %dma_wait3A_1167 = tpu.memref_squeeze %dma_wait3A_1166 : memref<1x32x1024xf32, #tpu.memory_space<vmem>> -> memref<32x1024xf32, #tpu.memory_space<vmem>>
    %dma_wait3A_1168 = arith.constant 0 : i32
    %dma_wait3A_1169 = tpu.memref_slice %arg3[%dma_wait3A_1162, %add3A_1160, %dma_wait3A_1168] : memref<4x8192x1024xf32, #tpu.memory_space<hbm>> -> memref<1x32x1024xf32, #tpu.memory_space<hbm>>
    %dma_wait3A_1170 = tpu.memref_squeeze %dma_wait3A_1169 : memref<1x32x1024xf32, #tpu.memory_space<hbm>> -> memref<32x1024xf32, #tpu.memory_space<hbm>>
    %dma_wait3A_1171 = tpu.memref_slice %arg6[%dma_wait3A_1163] : memref<2x!tpu.dma_semaphore, #tpu.memory_space<semaphore_mem>> -> memref<1x!tpu.dma_semaphore, #tpu.memory_space<semaphore_mem>>
    %dma_wait3A_1172 = tpu.memref_squeeze %dma_wait3A_1171 : memref<1x!tpu.dma_semaphore, #tpu.memory_space<semaphore_mem>> -> memref<!tpu.dma_semaphore, #tpu.memory_space<semaphore_mem>>
    %dma_wait3A_1173 = arith.constant 0 : i32
    %dma_wait3A_1174 = tpu.memref_slice %arg3[%dma_wait3A_1162, %add3A_1160, %dma_wait3A_1173] : memref<4x8192x1024xf32, #tpu.memory_space<hbm>> -> memref<1x32x1024xf32, #tpu.memory_space<hbm>>
    %dma_wait3A_1175 = tpu.memref_squeeze %dma_wait3A_1174 : memref<1x32x1024xf32, #tpu.memory_space<hbm>> -> memref<32x1024xf32, #tpu.memory_space<hbm>>
    %dma_wait3A_1176 = arith.constant 0 : i32
    %dma_wait3A_1177 = arith.constant 0 : i32
    %dma_wait3A_1178 = tpu.memref_slice %arg4[%dma_wait3A_1161, %dma_wait3A_1176, %dma_wait3A_1177] : memref<2x32x1024xf32, #tpu.memory_space<vmem>> -> memref<1x32x1024xf32, #tpu.memory_space<vmem>>
    %dma_wait3A_1179 = tpu.memref_squeeze %dma_wait3A_1178 : memref<1x32x1024xf32, #tpu.memory_space<vmem>> -> memref<32x1024xf32, #tpu.memory_space<vmem>>
    tpu.wait_dma2 semaphore(%dma_wait3A_1172 : memref<!tpu.dma_semaphore, #tpu.memory_space<semaphore_mem>>) src(%dma_wait3A_1179 : memref<32x1024xf32, #tpu.memory_space<vmem>>) dst(%dma_wait3A_1175 : memref<32x1024xf32, #tpu.memory_space<hbm>>)
    %add3A_1180 = arith.constant 160 : i32
    %add3A_1181 = arith.addi %mul3A_2, %add3A_1180 : i32
    %dma_wait3A_1182 = arith.constant 1 : i32
    %dma_wait3A_1183 = arith.constant 1 : i32
    %dma_wait3A_1184 = arith.constant 1 : i32
    %dma_wait3A_1185 = arith.constant 0 : i32
    %dma_wait3A_1186 = arith.constant 0 : i32
    %dma_wait3A_1187 = tpu.memref_slice %arg4[%dma_wait3A_1182, %dma_wait3A_1185, %dma_wait3A_1186] : memref<2x32x1024xf32, #tpu.memory_space<vmem>> -> memref<1x32x1024xf32, #tpu.memory_space<vmem>>
    %dma_wait3A_1188 = tpu.memref_squeeze %dma_wait3A_1187 : memref<1x32x1024xf32, #tpu.memory_space<vmem>> -> memref<32x1024xf32, #tpu.memory_space<vmem>>
    %dma_wait3A_1189 = arith.constant 0 : i32
    %dma_wait3A_1190 = tpu.memref_slice %arg3[%dma_wait3A_1183, %add3A_1181, %dma_wait3A_1189] : memref<4x8192x1024xf32, #tpu.memory_space<hbm>> -> memref<1x32x1024xf32, #tpu.memory_space<hbm>>
    %dma_wait3A_1191 = tpu.memref_squeeze %dma_wait3A_1190 : memref<1x32x1024xf32, #tpu.memory_space<hbm>> -> memref<32x1024xf32, #tpu.memory_space<hbm>>
    %dma_wait3A_1192 = tpu.memref_slice %arg6[%dma_wait3A_1184] : memref<2x!tpu.dma_semaphore, #tpu.memory_space<semaphore_mem>> -> memref<1x!tpu.dma_semaphore, #tpu.memory_space<semaphore_mem>>
    %dma_wait3A_1193 = tpu.memref_squeeze %dma_wait3A_1192 : memref<1x!tpu.dma_semaphore, #tpu.memory_space<semaphore_mem>> -> memref<!tpu.dma_semaphore, #tpu.memory_space<semaphore_mem>>
    %dma_wait3A_1194 = arith.constant 0 : i32
    %dma_wait3A_1195 = tpu.memref_slice %arg3[%dma_wait3A_1183, %add3A_1181, %dma_wait3A_1194] : memref<4x8192x1024xf32, #tpu.memory_space<hbm>> -> memref<1x32x1024xf32, #tpu.memory_space<hbm>>
    %dma_wait3A_1196 = tpu.memref_squeeze %dma_wait3A_1195 : memref<1x32x1024xf32, #tpu.memory_space<hbm>> -> memref<32x1024xf32, #tpu.memory_space<hbm>>
    %dma_wait3A_1197 = arith.constant 0 : i32
    %dma_wait3A_1198 = arith.constant 0 : i32
    %dma_wait3A_1199 = tpu.memref_slice %arg4[%dma_wait3A_1182, %dma_wait3A_1197, %dma_wait3A_1198] : memref<2x32x1024xf32, #tpu.memory_space<vmem>> -> memref<1x32x1024xf32, #tpu.memory_space<vmem>>
    %dma_wait3A_1200 = tpu.memref_squeeze %dma_wait3A_1199 : memref<1x32x1024xf32, #tpu.memory_space<vmem>> -> memref<32x1024xf32, #tpu.memory_space<vmem>>
    tpu.wait_dma2 semaphore(%dma_wait3A_1193 : memref<!tpu.dma_semaphore, #tpu.memory_space<semaphore_mem>>) src(%dma_wait3A_1200 : memref<32x1024xf32, #tpu.memory_space<vmem>>) dst(%dma_wait3A_1196 : memref<32x1024xf32, #tpu.memory_space<hbm>>)
    %add3A_1201 = arith.constant 160 : i32
    %add3A_1202 = arith.addi %mul3A_2, %add3A_1201 : i32
    %dma_wait3A_1203 = arith.constant 1 : i32
    %dma_wait3A_1204 = arith.constant 2 : i32
    %dma_wait3A_1205 = arith.constant 1 : i32
    %dma_wait3A_1206 = arith.constant 0 : i32
    %dma_wait3A_1207 = arith.constant 0 : i32
    %dma_wait3A_1208 = tpu.memref_slice %arg4[%dma_wait3A_1203, %dma_wait3A_1206, %dma_wait3A_1207] : memref<2x32x1024xf32, #tpu.memory_space<vmem>> -> memref<1x32x1024xf32, #tpu.memory_space<vmem>>
    %dma_wait3A_1209 = tpu.memref_squeeze %dma_wait3A_1208 : memref<1x32x1024xf32, #tpu.memory_space<vmem>> -> memref<32x1024xf32, #tpu.memory_space<vmem>>
    %dma_wait3A_1210 = arith.constant 0 : i32
    %dma_wait3A_1211 = tpu.memref_slice %arg3[%dma_wait3A_1204, %add3A_1202, %dma_wait3A_1210] : memref<4x8192x1024xf32, #tpu.memory_space<hbm>> -> memref<1x32x1024xf32, #tpu.memory_space<hbm>>
    %dma_wait3A_1212 = tpu.memref_squeeze %dma_wait3A_1211 : memref<1x32x1024xf32, #tpu.memory_space<hbm>> -> memref<32x1024xf32, #tpu.memory_space<hbm>>
    %dma_wait3A_1213 = tpu.memref_slice %arg6[%dma_wait3A_1205] : memref<2x!tpu.dma_semaphore, #tpu.memory_space<semaphore_mem>> -> memref<1x!tpu.dma_semaphore, #tpu.memory_space<semaphore_mem>>
    %dma_wait3A_1214 = tpu.memref_squeeze %dma_wait3A_1213 : memref<1x!tpu.dma_semaphore, #tpu.memory_space<semaphore_mem>> -> memref<!tpu.dma_semaphore, #tpu.memory_space<semaphore_mem>>
    %dma_wait3A_1215 = arith.constant 0 : i32
    %dma_wait3A_1216 = tpu.memref_slice %arg3[%dma_wait3A_1204, %add3A_1202, %dma_wait3A_1215] : memref<4x8192x1024xf32, #tpu.memory_space<hbm>> -> memref<1x32x1024xf32, #tpu.memory_space<hbm>>
    %dma_wait3A_1217 = tpu.memref_squeeze %dma_wait3A_1216 : memref<1x32x1024xf32, #tpu.memory_space<hbm>> -> memref<32x1024xf32, #tpu.memory_space<hbm>>
    %dma_wait3A_1218 = arith.constant 0 : i32
    %dma_wait3A_1219 = arith.constant 0 : i32
    %dma_wait3A_1220 = tpu.memref_slice %arg4[%dma_wait3A_1203, %dma_wait3A_1218, %dma_wait3A_1219] : memref<2x32x1024xf32, #tpu.memory_space<vmem>> -> memref<1x32x1024xf32, #tpu.memory_space<vmem>>
    %dma_wait3A_1221 = tpu.memref_squeeze %dma_wait3A_1220 : memref<1x32x1024xf32, #tpu.memory_space<vmem>> -> memref<32x1024xf32, #tpu.memory_space<vmem>>
    tpu.wait_dma2 semaphore(%dma_wait3A_1214 : memref<!tpu.dma_semaphore, #tpu.memory_space<semaphore_mem>>) src(%dma_wait3A_1221 : memref<32x1024xf32, #tpu.memory_space<vmem>>) dst(%dma_wait3A_1217 : memref<32x1024xf32, #tpu.memory_space<hbm>>)
    %add3A_1222 = arith.constant 160 : i32
    %add3A_1223 = arith.addi %mul3A_2, %add3A_1222 : i32
    %dma_wait3A_1224 = arith.constant 1 : i32
    %dma_wait3A_1225 = arith.constant 3 : i32
    %dma_wait3A_1226 = arith.constant 1 : i32
    %dma_wait3A_1227 = arith.constant 0 : i32
    %dma_wait3A_1228 = arith.constant 0 : i32
    %dma_wait3A_1229 = tpu.memref_slice %arg4[%dma_wait3A_1224, %dma_wait3A_1227, %dma_wait3A_1228] : memref<2x32x1024xf32, #tpu.memory_space<vmem>> -> memref<1x32x1024xf32, #tpu.memory_space<vmem>>
    %dma_wait3A_1230 = tpu.memref_squeeze %dma_wait3A_1229 : memref<1x32x1024xf32, #tpu.memory_space<vmem>> -> memref<32x1024xf32, #tpu.memory_space<vmem>>
    %dma_wait3A_1231 = arith.constant 0 : i32
    %dma_wait3A_1232 = tpu.memref_slice %arg3[%dma_wait3A_1225, %add3A_1223, %dma_wait3A_1231] : memref<4x8192x1024xf32, #tpu.memory_space<hbm>> -> memref<1x32x1024xf32, #tpu.memory_space<hbm>>
    %dma_wait3A_1233 = tpu.memref_squeeze %dma_wait3A_1232 : memref<1x32x1024xf32, #tpu.memory_space<hbm>> -> memref<32x1024xf32, #tpu.memory_space<hbm>>
    %dma_wait3A_1234 = tpu.memref_slice %arg6[%dma_wait3A_1226] : memref<2x!tpu.dma_semaphore, #tpu.memory_space<semaphore_mem>> -> memref<1x!tpu.dma_semaphore, #tpu.memory_space<semaphore_mem>>
    %dma_wait3A_1235 = tpu.memref_squeeze %dma_wait3A_1234 : memref<1x!tpu.dma_semaphore, #tpu.memory_space<semaphore_mem>> -> memref<!tpu.dma_semaphore, #tpu.memory_space<semaphore_mem>>
    %dma_wait3A_1236 = arith.constant 0 : i32
    %dma_wait3A_1237 = tpu.memref_slice %arg3[%dma_wait3A_1225, %add3A_1223, %dma_wait3A_1236] : memref<4x8192x1024xf32, #tpu.memory_space<hbm>> -> memref<1x32x1024xf32, #tpu.memory_space<hbm>>
    %dma_wait3A_1238 = tpu.memref_squeeze %dma_wait3A_1237 : memref<1x32x1024xf32, #tpu.memory_space<hbm>> -> memref<32x1024xf32, #tpu.memory_space<hbm>>
    %dma_wait3A_1239 = arith.constant 0 : i32
    %dma_wait3A_1240 = arith.constant 0 : i32
    %dma_wait3A_1241 = tpu.memref_slice %arg4[%dma_wait3A_1224, %dma_wait3A_1239, %dma_wait3A_1240] : memref<2x32x1024xf32, #tpu.memory_space<vmem>> -> memref<1x32x1024xf32, #tpu.memory_space<vmem>>
    %dma_wait3A_1242 = tpu.memref_squeeze %dma_wait3A_1241 : memref<1x32x1024xf32, #tpu.memory_space<vmem>> -> memref<32x1024xf32, #tpu.memory_space<vmem>>
    tpu.wait_dma2 semaphore(%dma_wait3A_1235 : memref<!tpu.dma_semaphore, #tpu.memory_space<semaphore_mem>>) src(%dma_wait3A_1242 : memref<32x1024xf32, #tpu.memory_space<vmem>>) dst(%dma_wait3A_1238 : memref<32x1024xf32, #tpu.memory_space<hbm>>)
    %add3A_1243 = arith.constant 224 : i32
    %add3A_1244 = arith.addi %mul3A_2, %add3A_1243 : i32
    %dma_start3A_1245 = arith.constant 1 : i32
    %dma_start3A_1246 = arith.constant 1 : i32
    %dma_start3A_1247 = arith.constant 0 : i32
    %dma_start3A_1248 = arith.constant 0 : i32
    %dma_start3A_1249 = tpu.memref_slice %arg4[%dma_start3A_1245, %dma_start3A_1247, %dma_start3A_1248] : memref<2x32x1024xf32, #tpu.memory_space<vmem>> -> memref<1x32x1024xf32, #tpu.memory_space<vmem>>
    %dma_start3A_1250 = tpu.memref_squeeze %dma_start3A_1249 : memref<1x32x1024xf32, #tpu.memory_space<vmem>> -> memref<32x1024xf32, #tpu.memory_space<vmem>>
    %dma_start3A_1251 = arith.constant 0 : i32
    %dma_start3A_1252 = tpu.memref_slice %arg2[%add3A_1244, %dma_start3A_1251] : memref<8192x1024xf32, #tpu.memory_space<hbm>> -> memref<32x1024xf32, #tpu.memory_space<hbm>>
    %dma_start3A_1253 = tpu.memref_slice %arg5[%dma_start3A_1246] : memref<2x!tpu.dma_semaphore, #tpu.memory_space<semaphore_mem>> -> memref<1x!tpu.dma_semaphore, #tpu.memory_space<semaphore_mem>>
    %dma_start3A_1254 = tpu.memref_squeeze %dma_start3A_1253 : memref<1x!tpu.dma_semaphore, #tpu.memory_space<semaphore_mem>> -> memref<!tpu.dma_semaphore, #tpu.memory_space<semaphore_mem>>
    %dma_start3A_1255 = arith.constant 0 : i32
    %dma_start3A_1256 = arith.constant 0 : i32
    %dma_start3A_1257 = tpu.memref_slice %arg4[%dma_start3A_1245, %dma_start3A_1255, %dma_start3A_1256] : memref<2x32x1024xf32, #tpu.memory_space<vmem>> -> memref<1x32x1024xf32, #tpu.memory_space<vmem>>
    %dma_start3A_1258 = tpu.memref_squeeze %dma_start3A_1257 : memref<1x32x1024xf32, #tpu.memory_space<vmem>> -> memref<32x1024xf32, #tpu.memory_space<vmem>>
    %dma_start3A_1259 = arith.constant 0 : i32
    %dma_start3A_1260 = tpu.memref_slice %arg2[%add3A_1244, %dma_start3A_1259] : memref<8192x1024xf32, #tpu.memory_space<hbm>> -> memref<32x1024xf32, #tpu.memory_space<hbm>>
    tpu.enqueue_dma source(%dma_start3A_1260 : memref<32x1024xf32, #tpu.memory_space<hbm>>) target(%dma_start3A_1258 : memref<32x1024xf32, #tpu.memory_space<vmem>>) target_semaphore(%dma_start3A_1254 : memref<!tpu.dma_semaphore, #tpu.memory_space<semaphore_mem>>)
    %add3A_1261 = arith.constant 192 : i32
    %add3A_1262 = arith.addi %mul3A_2, %add3A_1261 : i32
    %dma_wait3A_1263 = arith.constant 0 : i32
    %dma_wait3A_1264 = arith.constant 0 : i32
    %dma_wait3A_1265 = arith.constant 0 : i32
    %dma_wait3A_1266 = arith.constant 0 : i32
    %dma_wait3A_1267 = tpu.memref_slice %arg4[%dma_wait3A_1263, %dma_wait3A_1265, %dma_wait3A_1266] : memref<2x32x1024xf32, #tpu.memory_space<vmem>> -> memref<1x32x1024xf32, #tpu.memory_space<vmem>>
    %dma_wait3A_1268 = tpu.memref_squeeze %dma_wait3A_1267 : memref<1x32x1024xf32, #tpu.memory_space<vmem>> -> memref<32x1024xf32, #tpu.memory_space<vmem>>
    %dma_wait3A_1269 = arith.constant 0 : i32
    %dma_wait3A_1270 = tpu.memref_slice %arg2[%add3A_1262, %dma_wait3A_1269] : memref<8192x1024xf32, #tpu.memory_space<hbm>> -> memref<32x1024xf32, #tpu.memory_space<hbm>>
    %dma_wait3A_1271 = tpu.memref_slice %arg5[%dma_wait3A_1264] : memref<2x!tpu.dma_semaphore, #tpu.memory_space<semaphore_mem>> -> memref<1x!tpu.dma_semaphore, #tpu.memory_space<semaphore_mem>>
    %dma_wait3A_1272 = tpu.memref_squeeze %dma_wait3A_1271 : memref<1x!tpu.dma_semaphore, #tpu.memory_space<semaphore_mem>> -> memref<!tpu.dma_semaphore, #tpu.memory_space<semaphore_mem>>
    %dma_wait3A_1273 = arith.constant 0 : i32
    %dma_wait3A_1274 = arith.constant 0 : i32
    %dma_wait3A_1275 = tpu.memref_slice %arg4[%dma_wait3A_1263, %dma_wait3A_1273, %dma_wait3A_1274] : memref<2x32x1024xf32, #tpu.memory_space<vmem>> -> memref<1x32x1024xf32, #tpu.memory_space<vmem>>
    %dma_wait3A_1276 = tpu.memref_squeeze %dma_wait3A_1275 : memref<1x32x1024xf32, #tpu.memory_space<vmem>> -> memref<32x1024xf32, #tpu.memory_space<vmem>>
    %dma_wait3A_1277 = arith.constant 0 : i32
    %dma_wait3A_1278 = tpu.memref_slice %arg2[%add3A_1262, %dma_wait3A_1277] : memref<8192x1024xf32, #tpu.memory_space<hbm>> -> memref<32x1024xf32, #tpu.memory_space<hbm>>
    tpu.wait_dma2 semaphore(%dma_wait3A_1272 : memref<!tpu.dma_semaphore, #tpu.memory_space<semaphore_mem>>) src(%dma_wait3A_1278 : memref<32x1024xf32, #tpu.memory_space<hbm>>) dst(%dma_wait3A_1276 : memref<32x1024xf32, #tpu.memory_space<vmem>>)
    %add3A_1279 = arith.constant 192 : i32
    %add3A_1280 = arith.addi %mul3A_2, %add3A_1279 : i32
    %dma_start3A_1281 = arith.constant 0 : i32
    %dma_start3A_1282 = arith.constant 0 : i32
    %dma_start3A_1283 = arith.constant 0 : i32
    %dma_start3A_1284 = arith.constant 0 : i32
    %dma_start3A_1285 = arith.constant 0 : i32
    %dma_start3A_1286 = tpu.memref_slice %arg4[%dma_start3A_1281, %dma_start3A_1284, %dma_start3A_1285] : memref<2x32x1024xf32, #tpu.memory_space<vmem>> -> memref<1x32x1024xf32, #tpu.memory_space<vmem>>
    %dma_start3A_1287 = tpu.memref_squeeze %dma_start3A_1286 : memref<1x32x1024xf32, #tpu.memory_space<vmem>> -> memref<32x1024xf32, #tpu.memory_space<vmem>>
    %dma_start3A_1288 = arith.constant 0 : i32
    %dma_start3A_1289 = tpu.memref_slice %arg3[%dma_start3A_1282, %add3A_1280, %dma_start3A_1288] : memref<4x8192x1024xf32, #tpu.memory_space<hbm>> -> memref<1x32x1024xf32, #tpu.memory_space<hbm>>
    %dma_start3A_1290 = tpu.memref_squeeze %dma_start3A_1289 : memref<1x32x1024xf32, #tpu.memory_space<hbm>> -> memref<32x1024xf32, #tpu.memory_space<hbm>>
    %dma_start3A_1291 = tpu.memref_slice %arg6[%dma_start3A_1283] : memref<2x!tpu.dma_semaphore, #tpu.memory_space<semaphore_mem>> -> memref<1x!tpu.dma_semaphore, #tpu.memory_space<semaphore_mem>>
    %dma_start3A_1292 = tpu.memref_squeeze %dma_start3A_1291 : memref<1x!tpu.dma_semaphore, #tpu.memory_space<semaphore_mem>> -> memref<!tpu.dma_semaphore, #tpu.memory_space<semaphore_mem>>
    %dma_start3A_1293 = arith.constant 0 : i32
    %dma_start3A_1294 = tpu.memref_slice %arg3[%dma_start3A_1282, %add3A_1280, %dma_start3A_1293] : memref<4x8192x1024xf32, #tpu.memory_space<hbm>> -> memref<1x32x1024xf32, #tpu.memory_space<hbm>>
    %dma_start3A_1295 = tpu.memref_squeeze %dma_start3A_1294 : memref<1x32x1024xf32, #tpu.memory_space<hbm>> -> memref<32x1024xf32, #tpu.memory_space<hbm>>
    %dma_start3A_1296 = arith.constant 0 : i32
    %dma_start3A_1297 = arith.constant 0 : i32
    %dma_start3A_1298 = tpu.memref_slice %arg4[%dma_start3A_1281, %dma_start3A_1296, %dma_start3A_1297] : memref<2x32x1024xf32, #tpu.memory_space<vmem>> -> memref<1x32x1024xf32, #tpu.memory_space<vmem>>
    %dma_start3A_1299 = tpu.memref_squeeze %dma_start3A_1298 : memref<1x32x1024xf32, #tpu.memory_space<vmem>> -> memref<32x1024xf32, #tpu.memory_space<vmem>>
    tpu.enqueue_dma source(%dma_start3A_1299 : memref<32x1024xf32, #tpu.memory_space<vmem>>) target(%dma_start3A_1295 : memref<32x1024xf32, #tpu.memory_space<hbm>>) target_semaphore(%dma_start3A_1292 : memref<!tpu.dma_semaphore, #tpu.memory_space<semaphore_mem>>)
    %add3A_1300 = arith.constant 192 : i32
    %add3A_1301 = arith.addi %mul3A_2, %add3A_1300 : i32
    %dma_start3A_1302 = arith.constant 0 : i32
    %dma_start3A_1303 = arith.constant 1 : i32
    %dma_start3A_1304 = arith.constant 0 : i32
    %dma_start3A_1305 = arith.constant 0 : i32
    %dma_start3A_1306 = arith.constant 0 : i32
    %dma_start3A_1307 = tpu.memref_slice %arg4[%dma_start3A_1302, %dma_start3A_1305, %dma_start3A_1306] : memref<2x32x1024xf32, #tpu.memory_space<vmem>> -> memref<1x32x1024xf32, #tpu.memory_space<vmem>>
    %dma_start3A_1308 = tpu.memref_squeeze %dma_start3A_1307 : memref<1x32x1024xf32, #tpu.memory_space<vmem>> -> memref<32x1024xf32, #tpu.memory_space<vmem>>
    %dma_start3A_1309 = arith.constant 0 : i32
    %dma_start3A_1310 = tpu.memref_slice %arg3[%dma_start3A_1303, %add3A_1301, %dma_start3A_1309] : memref<4x8192x1024xf32, #tpu.memory_space<hbm>> -> memref<1x32x1024xf32, #tpu.memory_space<hbm>>
    %dma_start3A_1311 = tpu.memref_squeeze %dma_start3A_1310 : memref<1x32x1024xf32, #tpu.memory_space<hbm>> -> memref<32x1024xf32, #tpu.memory_space<hbm>>
    %dma_start3A_1312 = tpu.memref_slice %arg6[%dma_start3A_1304] : memref<2x!tpu.dma_semaphore, #tpu.memory_space<semaphore_mem>> -> memref<1x!tpu.dma_semaphore, #tpu.memory_space<semaphore_mem>>
    %dma_start3A_1313 = tpu.memref_squeeze %dma_start3A_1312 : memref<1x!tpu.dma_semaphore, #tpu.memory_space<semaphore_mem>> -> memref<!tpu.dma_semaphore, #tpu.memory_space<semaphore_mem>>
    %dma_start3A_1314 = arith.constant 0 : i32
    %dma_start3A_1315 = tpu.memref_slice %arg3[%dma_start3A_1303, %add3A_1301, %dma_start3A_1314] : memref<4x8192x1024xf32, #tpu.memory_space<hbm>> -> memref<1x32x1024xf32, #tpu.memory_space<hbm>>
    %dma_start3A_1316 = tpu.memref_squeeze %dma_start3A_1315 : memref<1x32x1024xf32, #tpu.memory_space<hbm>> -> memref<32x1024xf32, #tpu.memory_space<hbm>>
    %dma_start3A_1317 = arith.constant 0 : i32
    %dma_start3A_1318 = arith.constant 0 : i32
    %dma_start3A_1319 = tpu.memref_slice %arg4[%dma_start3A_1302, %dma_start3A_1317, %dma_start3A_1318] : memref<2x32x1024xf32, #tpu.memory_space<vmem>> -> memref<1x32x1024xf32, #tpu.memory_space<vmem>>
    %dma_start3A_1320 = tpu.memref_squeeze %dma_start3A_1319 : memref<1x32x1024xf32, #tpu.memory_space<vmem>> -> memref<32x1024xf32, #tpu.memory_space<vmem>>
    tpu.enqueue_dma source(%dma_start3A_1320 : memref<32x1024xf32, #tpu.memory_space<vmem>>) target(%dma_start3A_1316 : memref<32x1024xf32, #tpu.memory_space<hbm>>) target_semaphore(%dma_start3A_1313 : memref<!tpu.dma_semaphore, #tpu.memory_space<semaphore_mem>>)
    %add3A_1321 = arith.constant 192 : i32
    %add3A_1322 = arith.addi %mul3A_2, %add3A_1321 : i32
    %dma_start3A_1323 = arith.constant 0 : i32
    %dma_start3A_1324 = arith.constant 2 : i32
    %dma_start3A_1325 = arith.constant 0 : i32
    %dma_start3A_1326 = arith.constant 0 : i32
    %dma_start3A_1327 = arith.constant 0 : i32
    %dma_start3A_1328 = tpu.memref_slice %arg4[%dma_start3A_1323, %dma_start3A_1326, %dma_start3A_1327] : memref<2x32x1024xf32, #tpu.memory_space<vmem>> -> memref<1x32x1024xf32, #tpu.memory_space<vmem>>
    %dma_start3A_1329 = tpu.memref_squeeze %dma_start3A_1328 : memref<1x32x1024xf32, #tpu.memory_space<vmem>> -> memref<32x1024xf32, #tpu.memory_space<vmem>>
    %dma_start3A_1330 = arith.constant 0 : i32
    %dma_start3A_1331 = tpu.memref_slice %arg3[%dma_start3A_1324, %add3A_1322, %dma_start3A_1330] : memref<4x8192x1024xf32, #tpu.memory_space<hbm>> -> memref<1x32x1024xf32, #tpu.memory_space<hbm>>
    %dma_start3A_1332 = tpu.memref_squeeze %dma_start3A_1331 : memref<1x32x1024xf32, #tpu.memory_space<hbm>> -> memref<32x1024xf32, #tpu.memory_space<hbm>>
    %dma_start3A_1333 = tpu.memref_slice %arg6[%dma_start3A_1325] : memref<2x!tpu.dma_semaphore, #tpu.memory_space<semaphore_mem>> -> memref<1x!tpu.dma_semaphore, #tpu.memory_space<semaphore_mem>>
    %dma_start3A_1334 = tpu.memref_squeeze %dma_start3A_1333 : memref<1x!tpu.dma_semaphore, #tpu.memory_space<semaphore_mem>> -> memref<!tpu.dma_semaphore, #tpu.memory_space<semaphore_mem>>
    %dma_start3A_1335 = arith.constant 0 : i32
    %dma_start3A_1336 = tpu.memref_slice %arg3[%dma_start3A_1324, %add3A_1322, %dma_start3A_1335] : memref<4x8192x1024xf32, #tpu.memory_space<hbm>> -> memref<1x32x1024xf32, #tpu.memory_space<hbm>>
    %dma_start3A_1337 = tpu.memref_squeeze %dma_start3A_1336 : memref<1x32x1024xf32, #tpu.memory_space<hbm>> -> memref<32x1024xf32, #tpu.memory_space<hbm>>
    %dma_start3A_1338 = arith.constant 0 : i32
    %dma_start3A_1339 = arith.constant 0 : i32
    %dma_start3A_1340 = tpu.memref_slice %arg4[%dma_start3A_1323, %dma_start3A_1338, %dma_start3A_1339] : memref<2x32x1024xf32, #tpu.memory_space<vmem>> -> memref<1x32x1024xf32, #tpu.memory_space<vmem>>
    %dma_start3A_1341 = tpu.memref_squeeze %dma_start3A_1340 : memref<1x32x1024xf32, #tpu.memory_space<vmem>> -> memref<32x1024xf32, #tpu.memory_space<vmem>>
    tpu.enqueue_dma source(%dma_start3A_1341 : memref<32x1024xf32, #tpu.memory_space<vmem>>) target(%dma_start3A_1337 : memref<32x1024xf32, #tpu.memory_space<hbm>>) target_semaphore(%dma_start3A_1334 : memref<!tpu.dma_semaphore, #tpu.memory_space<semaphore_mem>>)
    %add3A_1342 = arith.constant 192 : i32
    %add3A_1343 = arith.addi %mul3A_2, %add3A_1342 : i32
    %dma_start3A_1344 = arith.constant 0 : i32
    %dma_start3A_1345 = arith.constant 3 : i32
    %dma_start3A_1346 = arith.constant 0 : i32
    %dma_start3A_1347 = arith.constant 0 : i32
    %dma_start3A_1348 = arith.constant 0 : i32
    %dma_start3A_1349 = tpu.memref_slice %arg4[%dma_start3A_1344, %dma_start3A_1347, %dma_start3A_1348] : memref<2x32x1024xf32, #tpu.memory_space<vmem>> -> memref<1x32x1024xf32, #tpu.memory_space<vmem>>
    %dma_start3A_1350 = tpu.memref_squeeze %dma_start3A_1349 : memref<1x32x1024xf32, #tpu.memory_space<vmem>> -> memref<32x1024xf32, #tpu.memory_space<vmem>>
    %dma_start3A_1351 = arith.constant 0 : i32
    %dma_start3A_1352 = tpu.memref_slice %arg3[%dma_start3A_1345, %add3A_1343, %dma_start3A_1351] : memref<4x8192x1024xf32, #tpu.memory_space<hbm>> -> memref<1x32x1024xf32, #tpu.memory_space<hbm>>
    %dma_start3A_1353 = tpu.memref_squeeze %dma_start3A_1352 : memref<1x32x1024xf32, #tpu.memory_space<hbm>> -> memref<32x1024xf32, #tpu.memory_space<hbm>>
    %dma_start3A_1354 = tpu.memref_slice %arg6[%dma_start3A_1346] : memref<2x!tpu.dma_semaphore, #tpu.memory_space<semaphore_mem>> -> memref<1x!tpu.dma_semaphore, #tpu.memory_space<semaphore_mem>>
    %dma_start3A_1355 = tpu.memref_squeeze %dma_start3A_1354 : memref<1x!tpu.dma_semaphore, #tpu.memory_space<semaphore_mem>> -> memref<!tpu.dma_semaphore, #tpu.memory_space<semaphore_mem>>
    %dma_start3A_1356 = arith.constant 0 : i32
    %dma_start3A_1357 = tpu.memref_slice %arg3[%dma_start3A_1345, %add3A_1343, %dma_start3A_1356] : memref<4x8192x1024xf32, #tpu.memory_space<hbm>> -> memref<1x32x1024xf32, #tpu.memory_space<hbm>>
    %dma_start3A_1358 = tpu.memref_squeeze %dma_start3A_1357 : memref<1x32x1024xf32, #tpu.memory_space<hbm>> -> memref<32x1024xf32, #tpu.memory_space<hbm>>
    %dma_start3A_1359 = arith.constant 0 : i32
    %dma_start3A_1360 = arith.constant 0 : i32
    %dma_start3A_1361 = tpu.memref_slice %arg4[%dma_start3A_1344, %dma_start3A_1359, %dma_start3A_1360] : memref<2x32x1024xf32, #tpu.memory_space<vmem>> -> memref<1x32x1024xf32, #tpu.memory_space<vmem>>
    %dma_start3A_1362 = tpu.memref_squeeze %dma_start3A_1361 : memref<1x32x1024xf32, #tpu.memory_space<vmem>> -> memref<32x1024xf32, #tpu.memory_space<vmem>>
    tpu.enqueue_dma source(%dma_start3A_1362 : memref<32x1024xf32, #tpu.memory_space<vmem>>) target(%dma_start3A_1358 : memref<32x1024xf32, #tpu.memory_space<hbm>>) target_semaphore(%dma_start3A_1355 : memref<!tpu.dma_semaphore, #tpu.memory_space<semaphore_mem>>)
    %add3A_1363 = arith.constant 224 : i32
    %add3A_1364 = arith.addi %mul3A_2, %add3A_1363 : i32
    %dma_wait3A_1365 = arith.constant 1 : i32
    %dma_wait3A_1366 = arith.constant 1 : i32
    %dma_wait3A_1367 = arith.constant 0 : i32
    %dma_wait3A_1368 = arith.constant 0 : i32
    %dma_wait3A_1369 = tpu.memref_slice %arg4[%dma_wait3A_1365, %dma_wait3A_1367, %dma_wait3A_1368] : memref<2x32x1024xf32, #tpu.memory_space<vmem>> -> memref<1x32x1024xf32, #tpu.memory_space<vmem>>
    %dma_wait3A_1370 = tpu.memref_squeeze %dma_wait3A_1369 : memref<1x32x1024xf32, #tpu.memory_space<vmem>> -> memref<32x1024xf32, #tpu.memory_space<vmem>>
    %dma_wait3A_1371 = arith.constant 0 : i32
    %dma_wait3A_1372 = tpu.memref_slice %arg2[%add3A_1364, %dma_wait3A_1371] : memref<8192x1024xf32, #tpu.memory_space<hbm>> -> memref<32x1024xf32, #tpu.memory_space<hbm>>
    %dma_wait3A_1373 = tpu.memref_slice %arg5[%dma_wait3A_1366] : memref<2x!tpu.dma_semaphore, #tpu.memory_space<semaphore_mem>> -> memref<1x!tpu.dma_semaphore, #tpu.memory_space<semaphore_mem>>
    %dma_wait3A_1374 = tpu.memref_squeeze %dma_wait3A_1373 : memref<1x!tpu.dma_semaphore, #tpu.memory_space<semaphore_mem>> -> memref<!tpu.dma_semaphore, #tpu.memory_space<semaphore_mem>>
    %dma_wait3A_1375 = arith.constant 0 : i32
    %dma_wait3A_1376 = arith.constant 0 : i32
    %dma_wait3A_1377 = tpu.memref_slice %arg4[%dma_wait3A_1365, %dma_wait3A_1375, %dma_wait3A_1376] : memref<2x32x1024xf32, #tpu.memory_space<vmem>> -> memref<1x32x1024xf32, #tpu.memory_space<vmem>>
    %dma_wait3A_1378 = tpu.memref_squeeze %dma_wait3A_1377 : memref<1x32x1024xf32, #tpu.memory_space<vmem>> -> memref<32x1024xf32, #tpu.memory_space<vmem>>
    %dma_wait3A_1379 = arith.constant 0 : i32
    %dma_wait3A_1380 = tpu.memref_slice %arg2[%add3A_1364, %dma_wait3A_1379] : memref<8192x1024xf32, #tpu.memory_space<hbm>> -> memref<32x1024xf32, #tpu.memory_space<hbm>>
    tpu.wait_dma2 semaphore(%dma_wait3A_1374 : memref<!tpu.dma_semaphore, #tpu.memory_space<semaphore_mem>>) src(%dma_wait3A_1380 : memref<32x1024xf32, #tpu.memory_space<hbm>>) dst(%dma_wait3A_1378 : memref<32x1024xf32, #tpu.memory_space<vmem>>)
    %add3A_1381 = arith.constant 224 : i32
    %add3A_1382 = arith.addi %mul3A_2, %add3A_1381 : i32
    %dma_start3A_1383 = arith.constant 1 : i32
    %dma_start3A_1384 = arith.constant 0 : i32
    %dma_start3A_1385 = arith.constant 1 : i32
    %dma_start3A_1386 = arith.constant 0 : i32
    %dma_start3A_1387 = arith.constant 0 : i32
    %dma_start3A_1388 = tpu.memref_slice %arg4[%dma_start3A_1383, %dma_start3A_1386, %dma_start3A_1387] : memref<2x32x1024xf32, #tpu.memory_space<vmem>> -> memref<1x32x1024xf32, #tpu.memory_space<vmem>>
    %dma_start3A_1389 = tpu.memref_squeeze %dma_start3A_1388 : memref<1x32x1024xf32, #tpu.memory_space<vmem>> -> memref<32x1024xf32, #tpu.memory_space<vmem>>
    %dma_start3A_1390 = arith.constant 0 : i32
    %dma_start3A_1391 = tpu.memref_slice %arg3[%dma_start3A_1384, %add3A_1382, %dma_start3A_1390] : memref<4x8192x1024xf32, #tpu.memory_space<hbm>> -> memref<1x32x1024xf32, #tpu.memory_space<hbm>>
    %dma_start3A_1392 = tpu.memref_squeeze %dma_start3A_1391 : memref<1x32x1024xf32, #tpu.memory_space<hbm>> -> memref<32x1024xf32, #tpu.memory_space<hbm>>
    %dma_start3A_1393 = tpu.memref_slice %arg6[%dma_start3A_1385] : memref<2x!tpu.dma_semaphore, #tpu.memory_space<semaphore_mem>> -> memref<1x!tpu.dma_semaphore, #tpu.memory_space<semaphore_mem>>
    %dma_start3A_1394 = tpu.memref_squeeze %dma_start3A_1393 : memref<1x!tpu.dma_semaphore, #tpu.memory_space<semaphore_mem>> -> memref<!tpu.dma_semaphore, #tpu.memory_space<semaphore_mem>>
    %dma_start3A_1395 = arith.constant 0 : i32
    %dma_start3A_1396 = tpu.memref_slice %arg3[%dma_start3A_1384, %add3A_1382, %dma_start3A_1395] : memref<4x8192x1024xf32, #tpu.memory_space<hbm>> -> memref<1x32x1024xf32, #tpu.memory_space<hbm>>
    %dma_start3A_1397 = tpu.memref_squeeze %dma_start3A_1396 : memref<1x32x1024xf32, #tpu.memory_space<hbm>> -> memref<32x1024xf32, #tpu.memory_space<hbm>>
    %dma_start3A_1398 = arith.constant 0 : i32
    %dma_start3A_1399 = arith.constant 0 : i32
    %dma_start3A_1400 = tpu.memref_slice %arg4[%dma_start3A_1383, %dma_start3A_1398, %dma_start3A_1399] : memref<2x32x1024xf32, #tpu.memory_space<vmem>> -> memref<1x32x1024xf32, #tpu.memory_space<vmem>>
    %dma_start3A_1401 = tpu.memref_squeeze %dma_start3A_1400 : memref<1x32x1024xf32, #tpu.memory_space<vmem>> -> memref<32x1024xf32, #tpu.memory_space<vmem>>
    tpu.enqueue_dma source(%dma_start3A_1401 : memref<32x1024xf32, #tpu.memory_space<vmem>>) target(%dma_start3A_1397 : memref<32x1024xf32, #tpu.memory_space<hbm>>) target_semaphore(%dma_start3A_1394 : memref<!tpu.dma_semaphore, #tpu.memory_space<semaphore_mem>>)
    %add3A_1402 = arith.constant 224 : i32
    %add3A_1403 = arith.addi %mul3A_2, %add3A_1402 : i32
    %dma_start3A_1404 = arith.constant 1 : i32
    %dma_start3A_1405 = arith.constant 1 : i32
    %dma_start3A_1406 = arith.constant 1 : i32
    %dma_start3A_1407 = arith.constant 0 : i32
    %dma_start3A_1408 = arith.constant 0 : i32
    %dma_start3A_1409 = tpu.memref_slice %arg4[%dma_start3A_1404, %dma_start3A_1407, %dma_start3A_1408] : memref<2x32x1024xf32, #tpu.memory_space<vmem>> -> memref<1x32x1024xf32, #tpu.memory_space<vmem>>
    %dma_start3A_1410 = tpu.memref_squeeze %dma_start3A_1409 : memref<1x32x1024xf32, #tpu.memory_space<vmem>> -> memref<32x1024xf32, #tpu.memory_space<vmem>>
    %dma_start3A_1411 = arith.constant 0 : i32
    %dma_start3A_1412 = tpu.memref_slice %arg3[%dma_start3A_1405, %add3A_1403, %dma_start3A_1411] : memref<4x8192x1024xf32, #tpu.memory_space<hbm>> -> memref<1x32x1024xf32, #tpu.memory_space<hbm>>
    %dma_start3A_1413 = tpu.memref_squeeze %dma_start3A_1412 : memref<1x32x1024xf32, #tpu.memory_space<hbm>> -> memref<32x1024xf32, #tpu.memory_space<hbm>>
    %dma_start3A_1414 = tpu.memref_slice %arg6[%dma_start3A_1406] : memref<2x!tpu.dma_semaphore, #tpu.memory_space<semaphore_mem>> -> memref<1x!tpu.dma_semaphore, #tpu.memory_space<semaphore_mem>>
    %dma_start3A_1415 = tpu.memref_squeeze %dma_start3A_1414 : memref<1x!tpu.dma_semaphore, #tpu.memory_space<semaphore_mem>> -> memref<!tpu.dma_semaphore, #tpu.memory_space<semaphore_mem>>
    %dma_start3A_1416 = arith.constant 0 : i32
    %dma_start3A_1417 = tpu.memref_slice %arg3[%dma_start3A_1405, %add3A_1403, %dma_start3A_1416] : memref<4x8192x1024xf32, #tpu.memory_space<hbm>> -> memref<1x32x1024xf32, #tpu.memory_space<hbm>>
    %dma_start3A_1418 = tpu.memref_squeeze %dma_start3A_1417 : memref<1x32x1024xf32, #tpu.memory_space<hbm>> -> memref<32x1024xf32, #tpu.memory_space<hbm>>
    %dma_start3A_1419 = arith.constant 0 : i32
    %dma_start3A_1420 = arith.constant 0 : i32
    %dma_start3A_1421 = tpu.memref_slice %arg4[%dma_start3A_1404, %dma_start3A_1419, %dma_start3A_1420] : memref<2x32x1024xf32, #tpu.memory_space<vmem>> -> memref<1x32x1024xf32, #tpu.memory_space<vmem>>
    %dma_start3A_1422 = tpu.memref_squeeze %dma_start3A_1421 : memref<1x32x1024xf32, #tpu.memory_space<vmem>> -> memref<32x1024xf32, #tpu.memory_space<vmem>>
    tpu.enqueue_dma source(%dma_start3A_1422 : memref<32x1024xf32, #tpu.memory_space<vmem>>) target(%dma_start3A_1418 : memref<32x1024xf32, #tpu.memory_space<hbm>>) target_semaphore(%dma_start3A_1415 : memref<!tpu.dma_semaphore, #tpu.memory_space<semaphore_mem>>)
    %add3A_1423 = arith.constant 224 : i32
    %add3A_1424 = arith.addi %mul3A_2, %add3A_1423 : i32
    %dma_start3A_1425 = arith.constant 1 : i32
    %dma_start3A_1426 = arith.constant 2 : i32
    %dma_start3A_1427 = arith.constant 1 : i32
    %dma_start3A_1428 = arith.constant 0 : i32
    %dma_start3A_1429 = arith.constant 0 : i32
    %dma_start3A_1430 = tpu.memref_slice %arg4[%dma_start3A_1425, %dma_start3A_1428, %dma_start3A_1429] : memref<2x32x1024xf32, #tpu.memory_space<vmem>> -> memref<1x32x1024xf32, #tpu.memory_space<vmem>>
    %dma_start3A_1431 = tpu.memref_squeeze %dma_start3A_1430 : memref<1x32x1024xf32, #tpu.memory_space<vmem>> -> memref<32x1024xf32, #tpu.memory_space<vmem>>
    %dma_start3A_1432 = arith.constant 0 : i32
    %dma_start3A_1433 = tpu.memref_slice %arg3[%dma_start3A_1426, %add3A_1424, %dma_start3A_1432] : memref<4x8192x1024xf32, #tpu.memory_space<hbm>> -> memref<1x32x1024xf32, #tpu.memory_space<hbm>>
    %dma_start3A_1434 = tpu.memref_squeeze %dma_start3A_1433 : memref<1x32x1024xf32, #tpu.memory_space<hbm>> -> memref<32x1024xf32, #tpu.memory_space<hbm>>
    %dma_start3A_1435 = tpu.memref_slice %arg6[%dma_start3A_1427] : memref<2x!tpu.dma_semaphore, #tpu.memory_space<semaphore_mem>> -> memref<1x!tpu.dma_semaphore, #tpu.memory_space<semaphore_mem>>
    %dma_start3A_1436 = tpu.memref_squeeze %dma_start3A_1435 : memref<1x!tpu.dma_semaphore, #tpu.memory_space<semaphore_mem>> -> memref<!tpu.dma_semaphore, #tpu.memory_space<semaphore_mem>>
    %dma_start3A_1437 = arith.constant 0 : i32
    %dma_start3A_1438 = tpu.memref_slice %arg3[%dma_start3A_1426, %add3A_1424, %dma_start3A_1437] : memref<4x8192x1024xf32, #tpu.memory_space<hbm>> -> memref<1x32x1024xf32, #tpu.memory_space<hbm>>
    %dma_start3A_1439 = tpu.memref_squeeze %dma_start3A_1438 : memref<1x32x1024xf32, #tpu.memory_space<hbm>> -> memref<32x1024xf32, #tpu.memory_space<hbm>>
    %dma_start3A_1440 = arith.constant 0 : i32
    %dma_start3A_1441 = arith.constant 0 : i32
    %dma_start3A_1442 = tpu.memref_slice %arg4[%dma_start3A_1425, %dma_start3A_1440, %dma_start3A_1441] : memref<2x32x1024xf32, #tpu.memory_space<vmem>> -> memref<1x32x1024xf32, #tpu.memory_space<vmem>>
    %dma_start3A_1443 = tpu.memref_squeeze %dma_start3A_1442 : memref<1x32x1024xf32, #tpu.memory_space<vmem>> -> memref<32x1024xf32, #tpu.memory_space<vmem>>
    tpu.enqueue_dma source(%dma_start3A_1443 : memref<32x1024xf32, #tpu.memory_space<vmem>>) target(%dma_start3A_1439 : memref<32x1024xf32, #tpu.memory_space<hbm>>) target_semaphore(%dma_start3A_1436 : memref<!tpu.dma_semaphore, #tpu.memory_space<semaphore_mem>>)
    %add3A_1444 = arith.constant 224 : i32
    %add3A_1445 = arith.addi %mul3A_2, %add3A_1444 : i32
    %dma_start3A_1446 = arith.constant 1 : i32
    %dma_start3A_1447 = arith.constant 3 : i32
    %dma_start3A_1448 = arith.constant 1 : i32
    %dma_start3A_1449 = arith.constant 0 : i32
    %dma_start3A_1450 = arith.constant 0 : i32
    %dma_start3A_1451 = tpu.memref_slice %arg4[%dma_start3A_1446, %dma_start3A_1449, %dma_start3A_1450] : memref<2x32x1024xf32, #tpu.memory_space<vmem>> -> memref<1x32x1024xf32, #tpu.memory_space<vmem>>
    %dma_start3A_1452 = tpu.memref_squeeze %dma_start3A_1451 : memref<1x32x1024xf32, #tpu.memory_space<vmem>> -> memref<32x1024xf32, #tpu.memory_space<vmem>>
    %dma_start3A_1453 = arith.constant 0 : i32
    %dma_start3A_1454 = tpu.memref_slice %arg3[%dma_start3A_1447, %add3A_1445, %dma_start3A_1453] : memref<4x8192x1024xf32, #tpu.memory_space<hbm>> -> memref<1x32x1024xf32, #tpu.memory_space<hbm>>
    %dma_start3A_1455 = tpu.memref_squeeze %dma_start3A_1454 : memref<1x32x1024xf32, #tpu.memory_space<hbm>> -> memref<32x1024xf32, #tpu.memory_space<hbm>>
    %dma_start3A_1456 = tpu.memref_slice %arg6[%dma_start3A_1448] : memref<2x!tpu.dma_semaphore, #tpu.memory_space<semaphore_mem>> -> memref<1x!tpu.dma_semaphore, #tpu.memory_space<semaphore_mem>>
    %dma_start3A_1457 = tpu.memref_squeeze %dma_start3A_1456 : memref<1x!tpu.dma_semaphore, #tpu.memory_space<semaphore_mem>> -> memref<!tpu.dma_semaphore, #tpu.memory_space<semaphore_mem>>
    %dma_start3A_1458 = arith.constant 0 : i32
    %dma_start3A_1459 = tpu.memref_slice %arg3[%dma_start3A_1447, %add3A_1445, %dma_start3A_1458] : memref<4x8192x1024xf32, #tpu.memory_space<hbm>> -> memref<1x32x1024xf32, #tpu.memory_space<hbm>>
    %dma_start3A_1460 = tpu.memref_squeeze %dma_start3A_1459 : memref<1x32x1024xf32, #tpu.memory_space<hbm>> -> memref<32x1024xf32, #tpu.memory_space<hbm>>
    %dma_start3A_1461 = arith.constant 0 : i32
    %dma_start3A_1462 = arith.constant 0 : i32
    %dma_start3A_1463 = tpu.memref_slice %arg4[%dma_start3A_1446, %dma_start3A_1461, %dma_start3A_1462] : memref<2x32x1024xf32, #tpu.memory_space<vmem>> -> memref<1x32x1024xf32, #tpu.memory_space<vmem>>
    %dma_start3A_1464 = tpu.memref_squeeze %dma_start3A_1463 : memref<1x32x1024xf32, #tpu.memory_space<vmem>> -> memref<32x1024xf32, #tpu.memory_space<vmem>>
    tpu.enqueue_dma source(%dma_start3A_1464 : memref<32x1024xf32, #tpu.memory_space<vmem>>) target(%dma_start3A_1460 : memref<32x1024xf32, #tpu.memory_space<hbm>>) target_semaphore(%dma_start3A_1457 : memref<!tpu.dma_semaphore, #tpu.memory_space<semaphore_mem>>)
    %add3A_1465 = arith.constant 192 : i32
    %add3A_1466 = arith.addi %mul3A_2, %add3A_1465 : i32
    %dma_wait3A_1467 = arith.constant 0 : i32
    %dma_wait3A_1468 = arith.constant 0 : i32
    %dma_wait3A_1469 = arith.constant 0 : i32
    %dma_wait3A_1470 = arith.constant 0 : i32
    %dma_wait3A_1471 = arith.constant 0 : i32
    %dma_wait3A_1472 = tpu.memref_slice %arg4[%dma_wait3A_1467, %dma_wait3A_1470, %dma_wait3A_1471] : memref<2x32x1024xf32, #tpu.memory_space<vmem>> -> memref<1x32x1024xf32, #tpu.memory_space<vmem>>
    %dma_wait3A_1473 = tpu.memref_squeeze %dma_wait3A_1472 : memref<1x32x1024xf32, #tpu.memory_space<vmem>> -> memref<32x1024xf32, #tpu.memory_space<vmem>>
    %dma_wait3A_1474 = arith.constant 0 : i32
    %dma_wait3A_1475 = tpu.memref_slice %arg3[%dma_wait3A_1468, %add3A_1466, %dma_wait3A_1474] : memref<4x8192x1024xf32, #tpu.memory_space<hbm>> -> memref<1x32x1024xf32, #tpu.memory_space<hbm>>
    %dma_wait3A_1476 = tpu.memref_squeeze %dma_wait3A_1475 : memref<1x32x1024xf32, #tpu.memory_space<hbm>> -> memref<32x1024xf32, #tpu.memory_space<hbm>>
    %dma_wait3A_1477 = tpu.memref_slice %arg6[%dma_wait3A_1469] : memref<2x!tpu.dma_semaphore, #tpu.memory_space<semaphore_mem>> -> memref<1x!tpu.dma_semaphore, #tpu.memory_space<semaphore_mem>>
    %dma_wait3A_1478 = tpu.memref_squeeze %dma_wait3A_1477 : memref<1x!tpu.dma_semaphore, #tpu.memory_space<semaphore_mem>> -> memref<!tpu.dma_semaphore, #tpu.memory_space<semaphore_mem>>
    %dma_wait3A_1479 = arith.constant 0 : i32
    %dma_wait3A_1480 = tpu.memref_slice %arg3[%dma_wait3A_1468, %add3A_1466, %dma_wait3A_1479] : memref<4x8192x1024xf32, #tpu.memory_space<hbm>> -> memref<1x32x1024xf32, #tpu.memory_space<hbm>>
    %dma_wait3A_1481 = tpu.memref_squeeze %dma_wait3A_1480 : memref<1x32x1024xf32, #tpu.memory_space<hbm>> -> memref<32x1024xf32, #tpu.memory_space<hbm>>
    %dma_wait3A_1482 = arith.constant 0 : i32
    %dma_wait3A_1483 = arith.constant 0 : i32
    %dma_wait3A_1484 = tpu.memref_slice %arg4[%dma_wait3A_1467, %dma_wait3A_1482, %dma_wait3A_1483] : memref<2x32x1024xf32, #tpu.memory_space<vmem>> -> memref<1x32x1024xf32, #tpu.memory_space<vmem>>
    %dma_wait3A_1485 = tpu.memref_squeeze %dma_wait3A_1484 : memref<1x32x1024xf32, #tpu.memory_space<vmem>> -> memref<32x1024xf32, #tpu.memory_space<vmem>>
    tpu.wait_dma2 semaphore(%dma_wait3A_1478 : memref<!tpu.dma_semaphore, #tpu.memory_space<semaphore_mem>>) src(%dma_wait3A_1485 : memref<32x1024xf32, #tpu.memory_space<vmem>>) dst(%dma_wait3A_1481 : memref<32x1024xf32, #tpu.memory_space<hbm>>)
    %add3A_1486 = arith.constant 192 : i32
    %add3A_1487 = arith.addi %mul3A_2, %add3A_1486 : i32
    %dma_wait3A_1488 = arith.constant 0 : i32
    %dma_wait3A_1489 = arith.constant 1 : i32
    %dma_wait3A_1490 = arith.constant 0 : i32
    %dma_wait3A_1491 = arith.constant 0 : i32
    %dma_wait3A_1492 = arith.constant 0 : i32
    %dma_wait3A_1493 = tpu.memref_slice %arg4[%dma_wait3A_1488, %dma_wait3A_1491, %dma_wait3A_1492] : memref<2x32x1024xf32, #tpu.memory_space<vmem>> -> memref<1x32x1024xf32, #tpu.memory_space<vmem>>
    %dma_wait3A_1494 = tpu.memref_squeeze %dma_wait3A_1493 : memref<1x32x1024xf32, #tpu.memory_space<vmem>> -> memref<32x1024xf32, #tpu.memory_space<vmem>>
    %dma_wait3A_1495 = arith.constant 0 : i32
    %dma_wait3A_1496 = tpu.memref_slice %arg3[%dma_wait3A_1489, %add3A_1487, %dma_wait3A_1495] : memref<4x8192x1024xf32, #tpu.memory_space<hbm>> -> memref<1x32x1024xf32, #tpu.memory_space<hbm>>
    %dma_wait3A_1497 = tpu.memref_squeeze %dma_wait3A_1496 : memref<1x32x1024xf32, #tpu.memory_space<hbm>> -> memref<32x1024xf32, #tpu.memory_space<hbm>>
    %dma_wait3A_1498 = tpu.memref_slice %arg6[%dma_wait3A_1490] : memref<2x!tpu.dma_semaphore, #tpu.memory_space<semaphore_mem>> -> memref<1x!tpu.dma_semaphore, #tpu.memory_space<semaphore_mem>>
    %dma_wait3A_1499 = tpu.memref_squeeze %dma_wait3A_1498 : memref<1x!tpu.dma_semaphore, #tpu.memory_space<semaphore_mem>> -> memref<!tpu.dma_semaphore, #tpu.memory_space<semaphore_mem>>
    %dma_wait3A_1500 = arith.constant 0 : i32
    %dma_wait3A_1501 = tpu.memref_slice %arg3[%dma_wait3A_1489, %add3A_1487, %dma_wait3A_1500] : memref<4x8192x1024xf32, #tpu.memory_space<hbm>> -> memref<1x32x1024xf32, #tpu.memory_space<hbm>>
    %dma_wait3A_1502 = tpu.memref_squeeze %dma_wait3A_1501 : memref<1x32x1024xf32, #tpu.memory_space<hbm>> -> memref<32x1024xf32, #tpu.memory_space<hbm>>
    %dma_wait3A_1503 = arith.constant 0 : i32
    %dma_wait3A_1504 = arith.constant 0 : i32
    %dma_wait3A_1505 = tpu.memref_slice %arg4[%dma_wait3A_1488, %dma_wait3A_1503, %dma_wait3A_1504] : memref<2x32x1024xf32, #tpu.memory_space<vmem>> -> memref<1x32x1024xf32, #tpu.memory_space<vmem>>
    %dma_wait3A_1506 = tpu.memref_squeeze %dma_wait3A_1505 : memref<1x32x1024xf32, #tpu.memory_space<vmem>> -> memref<32x1024xf32, #tpu.memory_space<vmem>>
    tpu.wait_dma2 semaphore(%dma_wait3A_1499 : memref<!tpu.dma_semaphore, #tpu.memory_space<semaphore_mem>>) src(%dma_wait3A_1506 : memref<32x1024xf32, #tpu.memory_space<vmem>>) dst(%dma_wait3A_1502 : memref<32x1024xf32, #tpu.memory_space<hbm>>)
    %add3A_1507 = arith.constant 192 : i32
    %add3A_1508 = arith.addi %mul3A_2, %add3A_1507 : i32
    %dma_wait3A_1509 = arith.constant 0 : i32
    %dma_wait3A_1510 = arith.constant 2 : i32
    %dma_wait3A_1511 = arith.constant 0 : i32
    %dma_wait3A_1512 = arith.constant 0 : i32
    %dma_wait3A_1513 = arith.constant 0 : i32
    %dma_wait3A_1514 = tpu.memref_slice %arg4[%dma_wait3A_1509, %dma_wait3A_1512, %dma_wait3A_1513] : memref<2x32x1024xf32, #tpu.memory_space<vmem>> -> memref<1x32x1024xf32, #tpu.memory_space<vmem>>
    %dma_wait3A_1515 = tpu.memref_squeeze %dma_wait3A_1514 : memref<1x32x1024xf32, #tpu.memory_space<vmem>> -> memref<32x1024xf32, #tpu.memory_space<vmem>>
    %dma_wait3A_1516 = arith.constant 0 : i32
    %dma_wait3A_1517 = tpu.memref_slice %arg3[%dma_wait3A_1510, %add3A_1508, %dma_wait3A_1516] : memref<4x8192x1024xf32, #tpu.memory_space<hbm>> -> memref<1x32x1024xf32, #tpu.memory_space<hbm>>
    %dma_wait3A_1518 = tpu.memref_squeeze %dma_wait3A_1517 : memref<1x32x1024xf32, #tpu.memory_space<hbm>> -> memref<32x1024xf32, #tpu.memory_space<hbm>>
    %dma_wait3A_1519 = tpu.memref_slice %arg6[%dma_wait3A_1511] : memref<2x!tpu.dma_semaphore, #tpu.memory_space<semaphore_mem>> -> memref<1x!tpu.dma_semaphore, #tpu.memory_space<semaphore_mem>>
    %dma_wait3A_1520 = tpu.memref_squeeze %dma_wait3A_1519 : memref<1x!tpu.dma_semaphore, #tpu.memory_space<semaphore_mem>> -> memref<!tpu.dma_semaphore, #tpu.memory_space<semaphore_mem>>
    %dma_wait3A_1521 = arith.constant 0 : i32
    %dma_wait3A_1522 = tpu.memref_slice %arg3[%dma_wait3A_1510, %add3A_1508, %dma_wait3A_1521] : memref<4x8192x1024xf32, #tpu.memory_space<hbm>> -> memref<1x32x1024xf32, #tpu.memory_space<hbm>>
    %dma_wait3A_1523 = tpu.memref_squeeze %dma_wait3A_1522 : memref<1x32x1024xf32, #tpu.memory_space<hbm>> -> memref<32x1024xf32, #tpu.memory_space<hbm>>
    %dma_wait3A_1524 = arith.constant 0 : i32
    %dma_wait3A_1525 = arith.constant 0 : i32
    %dma_wait3A_1526 = tpu.memref_slice %arg4[%dma_wait3A_1509, %dma_wait3A_1524, %dma_wait3A_1525] : memref<2x32x1024xf32, #tpu.memory_space<vmem>> -> memref<1x32x1024xf32, #tpu.memory_space<vmem>>
    %dma_wait3A_1527 = tpu.memref_squeeze %dma_wait3A_1526 : memref<1x32x1024xf32, #tpu.memory_space<vmem>> -> memref<32x1024xf32, #tpu.memory_space<vmem>>
    tpu.wait_dma2 semaphore(%dma_wait3A_1520 : memref<!tpu.dma_semaphore, #tpu.memory_space<semaphore_mem>>) src(%dma_wait3A_1527 : memref<32x1024xf32, #tpu.memory_space<vmem>>) dst(%dma_wait3A_1523 : memref<32x1024xf32, #tpu.memory_space<hbm>>)
    %add3A_1528 = arith.constant 192 : i32
    %add3A_1529 = arith.addi %mul3A_2, %add3A_1528 : i32
    %dma_wait3A_1530 = arith.constant 0 : i32
    %dma_wait3A_1531 = arith.constant 3 : i32
    %dma_wait3A_1532 = arith.constant 0 : i32
    %dma_wait3A_1533 = arith.constant 0 : i32
    %dma_wait3A_1534 = arith.constant 0 : i32
    %dma_wait3A_1535 = tpu.memref_slice %arg4[%dma_wait3A_1530, %dma_wait3A_1533, %dma_wait3A_1534] : memref<2x32x1024xf32, #tpu.memory_space<vmem>> -> memref<1x32x1024xf32, #tpu.memory_space<vmem>>
    %dma_wait3A_1536 = tpu.memref_squeeze %dma_wait3A_1535 : memref<1x32x1024xf32, #tpu.memory_space<vmem>> -> memref<32x1024xf32, #tpu.memory_space<vmem>>
    %dma_wait3A_1537 = arith.constant 0 : i32
    %dma_wait3A_1538 = tpu.memref_slice %arg3[%dma_wait3A_1531, %add3A_1529, %dma_wait3A_1537] : memref<4x8192x1024xf32, #tpu.memory_space<hbm>> -> memref<1x32x1024xf32, #tpu.memory_space<hbm>>
    %dma_wait3A_1539 = tpu.memref_squeeze %dma_wait3A_1538 : memref<1x32x1024xf32, #tpu.memory_space<hbm>> -> memref<32x1024xf32, #tpu.memory_space<hbm>>
    %dma_wait3A_1540 = tpu.memref_slice %arg6[%dma_wait3A_1532] : memref<2x!tpu.dma_semaphore, #tpu.memory_space<semaphore_mem>> -> memref<1x!tpu.dma_semaphore, #tpu.memory_space<semaphore_mem>>
    %dma_wait3A_1541 = tpu.memref_squeeze %dma_wait3A_1540 : memref<1x!tpu.dma_semaphore, #tpu.memory_space<semaphore_mem>> -> memref<!tpu.dma_semaphore, #tpu.memory_space<semaphore_mem>>
    %dma_wait3A_1542 = arith.constant 0 : i32
    %dma_wait3A_1543 = tpu.memref_slice %arg3[%dma_wait3A_1531, %add3A_1529, %dma_wait3A_1542] : memref<4x8192x1024xf32, #tpu.memory_space<hbm>> -> memref<1x32x1024xf32, #tpu.memory_space<hbm>>
    %dma_wait3A_1544 = tpu.memref_squeeze %dma_wait3A_1543 : memref<1x32x1024xf32, #tpu.memory_space<hbm>> -> memref<32x1024xf32, #tpu.memory_space<hbm>>
    %dma_wait3A_1545 = arith.constant 0 : i32
    %dma_wait3A_1546 = arith.constant 0 : i32
    %dma_wait3A_1547 = tpu.memref_slice %arg4[%dma_wait3A_1530, %dma_wait3A_1545, %dma_wait3A_1546] : memref<2x32x1024xf32, #tpu.memory_space<vmem>> -> memref<1x32x1024xf32, #tpu.memory_space<vmem>>
    %dma_wait3A_1548 = tpu.memref_squeeze %dma_wait3A_1547 : memref<1x32x1024xf32, #tpu.memory_space<vmem>> -> memref<32x1024xf32, #tpu.memory_space<vmem>>
    tpu.wait_dma2 semaphore(%dma_wait3A_1541 : memref<!tpu.dma_semaphore, #tpu.memory_space<semaphore_mem>>) src(%dma_wait3A_1548 : memref<32x1024xf32, #tpu.memory_space<vmem>>) dst(%dma_wait3A_1544 : memref<32x1024xf32, #tpu.memory_space<hbm>>)
    %add3A_1549 = arith.constant 224 : i32
    %add3A_1550 = arith.addi %mul3A_2, %add3A_1549 : i32
    %dma_wait3A_1551 = arith.constant 1 : i32
    %dma_wait3A_1552 = arith.constant 0 : i32
    %dma_wait3A_1553 = arith.constant 1 : i32
    %dma_wait3A_1554 = arith.constant 0 : i32
    %dma_wait3A_1555 = arith.constant 0 : i32
    %dma_wait3A_1556 = tpu.memref_slice %arg4[%dma_wait3A_1551, %dma_wait3A_1554, %dma_wait3A_1555] : memref<2x32x1024xf32, #tpu.memory_space<vmem>> -> memref<1x32x1024xf32, #tpu.memory_space<vmem>>
    %dma_wait3A_1557 = tpu.memref_squeeze %dma_wait3A_1556 : memref<1x32x1024xf32, #tpu.memory_space<vmem>> -> memref<32x1024xf32, #tpu.memory_space<vmem>>
    %dma_wait3A_1558 = arith.constant 0 : i32
    %dma_wait3A_1559 = tpu.memref_slice %arg3[%dma_wait3A_1552, %add3A_1550, %dma_wait3A_1558] : memref<4x8192x1024xf32, #tpu.memory_space<hbm>> -> memref<1x32x1024xf32, #tpu.memory_space<hbm>>
    %dma_wait3A_1560 = tpu.memref_squeeze %dma_wait3A_1559 : memref<1x32x1024xf32, #tpu.memory_space<hbm>> -> memref<32x1024xf32, #tpu.memory_space<hbm>>
    %dma_wait3A_1561 = tpu.memref_slice %arg6[%dma_wait3A_1553] : memref<2x!tpu.dma_semaphore, #tpu.memory_space<semaphore_mem>> -> memref<1x!tpu.dma_semaphore, #tpu.memory_space<semaphore_mem>>
    %dma_wait3A_1562 = tpu.memref_squeeze %dma_wait3A_1561 : memref<1x!tpu.dma_semaphore, #tpu.memory_space<semaphore_mem>> -> memref<!tpu.dma_semaphore, #tpu.memory_space<semaphore_mem>>
    %dma_wait3A_1563 = arith.constant 0 : i32
    %dma_wait3A_1564 = tpu.memref_slice %arg3[%dma_wait3A_1552, %add3A_1550, %dma_wait3A_1563] : memref<4x8192x1024xf32, #tpu.memory_space<hbm>> -> memref<1x32x1024xf32, #tpu.memory_space<hbm>>
    %dma_wait3A_1565 = tpu.memref_squeeze %dma_wait3A_1564 : memref<1x32x1024xf32, #tpu.memory_space<hbm>> -> memref<32x1024xf32, #tpu.memory_space<hbm>>
    %dma_wait3A_1566 = arith.constant 0 : i32
    %dma_wait3A_1567 = arith.constant 0 : i32
    %dma_wait3A_1568 = tpu.memref_slice %arg4[%dma_wait3A_1551, %dma_wait3A_1566, %dma_wait3A_1567] : memref<2x32x1024xf32, #tpu.memory_space<vmem>> -> memref<1x32x1024xf32, #tpu.memory_space<vmem>>
    %dma_wait3A_1569 = tpu.memref_squeeze %dma_wait3A_1568 : memref<1x32x1024xf32, #tpu.memory_space<vmem>> -> memref<32x1024xf32, #tpu.memory_space<vmem>>
    tpu.wait_dma2 semaphore(%dma_wait3A_1562 : memref<!tpu.dma_semaphore, #tpu.memory_space<semaphore_mem>>) src(%dma_wait3A_1569 : memref<32x1024xf32, #tpu.memory_space<vmem>>) dst(%dma_wait3A_1565 : memref<32x1024xf32, #tpu.memory_space<hbm>>)
    %add3A_1570 = arith.constant 224 : i32
    %add3A_1571 = arith.addi %mul3A_2, %add3A_1570 : i32
    %dma_wait3A_1572 = arith.constant 1 : i32
    %dma_wait3A_1573 = arith.constant 1 : i32
    %dma_wait3A_1574 = arith.constant 1 : i32
    %dma_wait3A_1575 = arith.constant 0 : i32
    %dma_wait3A_1576 = arith.constant 0 : i32
    %dma_wait3A_1577 = tpu.memref_slice %arg4[%dma_wait3A_1572, %dma_wait3A_1575, %dma_wait3A_1576] : memref<2x32x1024xf32, #tpu.memory_space<vmem>> -> memref<1x32x1024xf32, #tpu.memory_space<vmem>>
    %dma_wait3A_1578 = tpu.memref_squeeze %dma_wait3A_1577 : memref<1x32x1024xf32, #tpu.memory_space<vmem>> -> memref<32x1024xf32, #tpu.memory_space<vmem>>
    %dma_wait3A_1579 = arith.constant 0 : i32
    %dma_wait3A_1580 = tpu.memref_slice %arg3[%dma_wait3A_1573, %add3A_1571, %dma_wait3A_1579] : memref<4x8192x1024xf32, #tpu.memory_space<hbm>> -> memref<1x32x1024xf32, #tpu.memory_space<hbm>>
    %dma_wait3A_1581 = tpu.memref_squeeze %dma_wait3A_1580 : memref<1x32x1024xf32, #tpu.memory_space<hbm>> -> memref<32x1024xf32, #tpu.memory_space<hbm>>
    %dma_wait3A_1582 = tpu.memref_slice %arg6[%dma_wait3A_1574] : memref<2x!tpu.dma_semaphore, #tpu.memory_space<semaphore_mem>> -> memref<1x!tpu.dma_semaphore, #tpu.memory_space<semaphore_mem>>
    %dma_wait3A_1583 = tpu.memref_squeeze %dma_wait3A_1582 : memref<1x!tpu.dma_semaphore, #tpu.memory_space<semaphore_mem>> -> memref<!tpu.dma_semaphore, #tpu.memory_space<semaphore_mem>>
    %dma_wait3A_1584 = arith.constant 0 : i32
    %dma_wait3A_1585 = tpu.memref_slice %arg3[%dma_wait3A_1573, %add3A_1571, %dma_wait3A_1584] : memref<4x8192x1024xf32, #tpu.memory_space<hbm>> -> memref<1x32x1024xf32, #tpu.memory_space<hbm>>
    %dma_wait3A_1586 = tpu.memref_squeeze %dma_wait3A_1585 : memref<1x32x1024xf32, #tpu.memory_space<hbm>> -> memref<32x1024xf32, #tpu.memory_space<hbm>>
    %dma_wait3A_1587 = arith.constant 0 : i32
    %dma_wait3A_1588 = arith.constant 0 : i32
    %dma_wait3A_1589 = tpu.memref_slice %arg4[%dma_wait3A_1572, %dma_wait3A_1587, %dma_wait3A_1588] : memref<2x32x1024xf32, #tpu.memory_space<vmem>> -> memref<1x32x1024xf32, #tpu.memory_space<vmem>>
    %dma_wait3A_1590 = tpu.memref_squeeze %dma_wait3A_1589 : memref<1x32x1024xf32, #tpu.memory_space<vmem>> -> memref<32x1024xf32, #tpu.memory_space<vmem>>
    tpu.wait_dma2 semaphore(%dma_wait3A_1583 : memref<!tpu.dma_semaphore, #tpu.memory_space<semaphore_mem>>) src(%dma_wait3A_1590 : memref<32x1024xf32, #tpu.memory_space<vmem>>) dst(%dma_wait3A_1586 : memref<32x1024xf32, #tpu.memory_space<hbm>>)
    %add3A_1591 = arith.constant 224 : i32
    %add3A_1592 = arith.addi %mul3A_2, %add3A_1591 : i32
    %dma_wait3A_1593 = arith.constant 1 : i32
    %dma_wait3A_1594 = arith.constant 2 : i32
    %dma_wait3A_1595 = arith.constant 1 : i32
    %dma_wait3A_1596 = arith.constant 0 : i32
    %dma_wait3A_1597 = arith.constant 0 : i32
    %dma_wait3A_1598 = tpu.memref_slice %arg4[%dma_wait3A_1593, %dma_wait3A_1596, %dma_wait3A_1597] : memref<2x32x1024xf32, #tpu.memory_space<vmem>> -> memref<1x32x1024xf32, #tpu.memory_space<vmem>>
    %dma_wait3A_1599 = tpu.memref_squeeze %dma_wait3A_1598 : memref<1x32x1024xf32, #tpu.memory_space<vmem>> -> memref<32x1024xf32, #tpu.memory_space<vmem>>
    %dma_wait3A_1600 = arith.constant 0 : i32
    %dma_wait3A_1601 = tpu.memref_slice %arg3[%dma_wait3A_1594, %add3A_1592, %dma_wait3A_1600] : memref<4x8192x1024xf32, #tpu.memory_space<hbm>> -> memref<1x32x1024xf32, #tpu.memory_space<hbm>>
    %dma_wait3A_1602 = tpu.memref_squeeze %dma_wait3A_1601 : memref<1x32x1024xf32, #tpu.memory_space<hbm>> -> memref<32x1024xf32, #tpu.memory_space<hbm>>
    %dma_wait3A_1603 = tpu.memref_slice %arg6[%dma_wait3A_1595] : memref<2x!tpu.dma_semaphore, #tpu.memory_space<semaphore_mem>> -> memref<1x!tpu.dma_semaphore, #tpu.memory_space<semaphore_mem>>
    %dma_wait3A_1604 = tpu.memref_squeeze %dma_wait3A_1603 : memref<1x!tpu.dma_semaphore, #tpu.memory_space<semaphore_mem>> -> memref<!tpu.dma_semaphore, #tpu.memory_space<semaphore_mem>>
    %dma_wait3A_1605 = arith.constant 0 : i32
    %dma_wait3A_1606 = tpu.memref_slice %arg3[%dma_wait3A_1594, %add3A_1592, %dma_wait3A_1605] : memref<4x8192x1024xf32, #tpu.memory_space<hbm>> -> memref<1x32x1024xf32, #tpu.memory_space<hbm>>
    %dma_wait3A_1607 = tpu.memref_squeeze %dma_wait3A_1606 : memref<1x32x1024xf32, #tpu.memory_space<hbm>> -> memref<32x1024xf32, #tpu.memory_space<hbm>>
    %dma_wait3A_1608 = arith.constant 0 : i32
    %dma_wait3A_1609 = arith.constant 0 : i32
    %dma_wait3A_1610 = tpu.memref_slice %arg4[%dma_wait3A_1593, %dma_wait3A_1608, %dma_wait3A_1609] : memref<2x32x1024xf32, #tpu.memory_space<vmem>> -> memref<1x32x1024xf32, #tpu.memory_space<vmem>>
    %dma_wait3A_1611 = tpu.memref_squeeze %dma_wait3A_1610 : memref<1x32x1024xf32, #tpu.memory_space<vmem>> -> memref<32x1024xf32, #tpu.memory_space<vmem>>
    tpu.wait_dma2 semaphore(%dma_wait3A_1604 : memref<!tpu.dma_semaphore, #tpu.memory_space<semaphore_mem>>) src(%dma_wait3A_1611 : memref<32x1024xf32, #tpu.memory_space<vmem>>) dst(%dma_wait3A_1607 : memref<32x1024xf32, #tpu.memory_space<hbm>>)
    %add3A_1612 = arith.constant 224 : i32
    %add3A_1613 = arith.addi %mul3A_2, %add3A_1612 : i32
    %dma_wait3A_1614 = arith.constant 1 : i32
    %dma_wait3A_1615 = arith.constant 3 : i32
    %dma_wait3A_1616 = arith.constant 1 : i32
    %dma_wait3A_1617 = arith.constant 0 : i32
    %dma_wait3A_1618 = arith.constant 0 : i32
    %dma_wait3A_1619 = tpu.memref_slice %arg4[%dma_wait3A_1614, %dma_wait3A_1617, %dma_wait3A_1618] : memref<2x32x1024xf32, #tpu.memory_space<vmem>> -> memref<1x32x1024xf32, #tpu.memory_space<vmem>>
    %dma_wait3A_1620 = tpu.memref_squeeze %dma_wait3A_1619 : memref<1x32x1024xf32, #tpu.memory_space<vmem>> -> memref<32x1024xf32, #tpu.memory_space<vmem>>
    %dma_wait3A_1621 = arith.constant 0 : i32
    %dma_wait3A_1622 = tpu.memref_slice %arg3[%dma_wait3A_1615, %add3A_1613, %dma_wait3A_1621] : memref<4x8192x1024xf32, #tpu.memory_space<hbm>> -> memref<1x32x1024xf32, #tpu.memory_space<hbm>>
    %dma_wait3A_1623 = tpu.memref_squeeze %dma_wait3A_1622 : memref<1x32x1024xf32, #tpu.memory_space<hbm>> -> memref<32x1024xf32, #tpu.memory_space<hbm>>
    %dma_wait3A_1624 = tpu.memref_slice %arg6[%dma_wait3A_1616] : memref<2x!tpu.dma_semaphore, #tpu.memory_space<semaphore_mem>> -> memref<1x!tpu.dma_semaphore, #tpu.memory_space<semaphore_mem>>
    %dma_wait3A_1625 = tpu.memref_squeeze %dma_wait3A_1624 : memref<1x!tpu.dma_semaphore, #tpu.memory_space<semaphore_mem>> -> memref<!tpu.dma_semaphore, #tpu.memory_space<semaphore_mem>>
    %dma_wait3A_1626 = arith.constant 0 : i32
    %dma_wait3A_1627 = tpu.memref_slice %arg3[%dma_wait3A_1615, %add3A_1613, %dma_wait3A_1626] : memref<4x8192x1024xf32, #tpu.memory_space<hbm>> -> memref<1x32x1024xf32, #tpu.memory_space<hbm>>
    %dma_wait3A_1628 = tpu.memref_squeeze %dma_wait3A_1627 : memref<1x32x1024xf32, #tpu.memory_space<hbm>> -> memref<32x1024xf32, #tpu.memory_space<hbm>>
    %dma_wait3A_1629 = arith.constant 0 : i32
    %dma_wait3A_1630 = arith.constant 0 : i32
    %dma_wait3A_1631 = tpu.memref_slice %arg4[%dma_wait3A_1614, %dma_wait3A_1629, %dma_wait3A_1630] : memref<2x32x1024xf32, #tpu.memory_space<vmem>> -> memref<1x32x1024xf32, #tpu.memory_space<vmem>>
    %dma_wait3A_1632 = tpu.memref_squeeze %dma_wait3A_1631 : memref<1x32x1024xf32, #tpu.memory_space<vmem>> -> memref<32x1024xf32, #tpu.memory_space<vmem>>
    tpu.wait_dma2 semaphore(%dma_wait3A_1625 : memref<!tpu.dma_semaphore, #tpu.memory_space<semaphore_mem>>) src(%dma_wait3A_1632 : memref<32x1024xf32, #tpu.memory_space<vmem>>) dst(%dma_wait3A_1628 : memref<32x1024xf32, #tpu.memory_space<hbm>>)
    return
  }
}

</mosaic_0001>

<sc_bundles>
// kernel: kernel.3.cloned.1.call-start
scs
__scs_entry_jumppad:
0x0: {  	(pc) =	sbr.rel $0x88, $3  }
0x1: {  	(tag) =	ssettag $0x0;
	lr =	simm.s32 $0x1  }
0x2: {  	[smem:$0x3FA0] =	sst lr;
	_ =	strace $0xD0000000  }
0x3: {  	_ = 	snop  }
0x4: {  	_ = 	snop  }
0x5: {  	_ = 	snop  }
0x6: {  	_ = 	snop  }
0x7: {  	_ = 	snop  }
__scs_overlays_trampoline_lowered:
0x8: {  	[smem:$0x3FAF] =	sst s0  }
0x9: {  	[smem:$0x3FB0] =	sst s1  }
0xa: {  	[smem:$0x3FB1] =	sst s2  }
0xb: {  	[smem:$0x3FB2] =	sst s3  }
0xc: {  	[smem:$0x3FB3] =	sst s4  }
0xd: {  	[smem:$0x3FB4] =	sst s5  }
0xe: {  	[smem:$0x3FB5] =	sst s6  }
0xf: {  	[smem:$0x3FB6] =	sst s7  }
0x10: {  	[smem:$0x3FB7] =	sst s8  }
0x11: {  	[smem:$0x3FB8] =	sst s9;
	s0 =	simm.s32 @!p0 $0x0  }
0x12: {  	s1 =	sld [smem:$0x3F9E];
	s0 =	simm.s32 @p0 $0x1  }
0x13: {  	[smem:$0x3FB9] =	sst s0;
	s0 =	simm.s32 @!p1 $0x0  }
0x14: {  	s2 =	sld [smem:$0x3F9D];
	s0 =	simm.s32 @p1 $0x1  }
0x15: {  	[smem:$0x3FBA] =	sst s0;
	s0 =	simm.s32 @!p2 $0x0  }
0x16: {  	s3 =	sld [smem:$0x3FDB];
	s0 =	simm.s32 @p2 $0x1  }
0x17: {  	s4 =	simm.s32 $0x1BF5;
	[smem:$0x3FBC] =	sst s0  }
0x18: {  	s0 =	sld [smem:$0x3F9F];
	_ =	swait.ge [sflag:s4], $0x0  }
0x19: {  	s7 =	sld [smem:$0x3FA0]  }
0x1a: {  	s8 =	sadd.s32 $0xFFFFE003, lr  }
0x1b: {  	s9 =	sadd.s32 $0xFFFFFEF7, lr;
	s5 =	simm.s32 $0xFFFFFFFF;
	p2 =	slt.u32 s8, $0xFFFFF086  }
0x1c: {  	p1 =	slt.u32 s9, $0xF7A;
	s5 =	simm.s32 @!p2 $0x0  }
0x1d: {  	s5 =	simm.s32 @p1 $0x1;
	p0 =	seq.s32 s7, s2  }
0x1e: {  	s7 =	smul.u32 @!p0 $0xF7A, s2;
	p2 =	seq.s32 @!p0 s5, $0x0  }
0x1f: {  	s9 =	smul.u32 $0xF7A, s1;
	s8 =	simm.s32 @!p0 $0x1BF5;
	p2 =	por !p2, p0  }
0x20: {  	[sflag:s8] =	ssyncset.s32 @!p0 $0xFFFFF086;
	s6 =	sadd.s32 @!p0 s3, s7;
	s7 =	simm.s32 @!p0 $0x108  }
0x21: {  	s3 =	sadd.s32 s3, s9;
	s6 =	sadd.s32 @!p0 $0x88, s6;
	s7 =	simm.s32 @p2 $0x1082  }
0x22: {  	[simem:s7], [sflag:s8] =	dma.local @!p0 [hbm:s6], $0xF7A  }
0x23: {  	s9 =	sor.u32 $0xD0000000, s2;
	s6 =	simm.s32 $0x108;
	_ =	swait.ge @!p0 [sflag:s8], $0x0  }
0x24: {  	s3 =	sadd.s32 $0x88, s3;
	s6 =	simm.s32 @!p1 $0x1082;
	[sflag:s4] =	ssyncset.s32 $0xFFFFF086  }
0x25: {  	[simem:s6], [sflag:s4] =	dma.local [hbm:s3], $0xF7A  }
0x26: {  	[smem:$0x3FA0] =	sst s1;
	(tag) =	ssettag s2;
	_ =	strace s9  }
0x27: {  	s1 =	sld [smem:$0x3FB0]  }
0x28: {  	s2 =	sld [smem:$0x3FB1]  }
0x29: {  	s4 =	sld [smem:$0x3FB3]  }
0x2a: {  	p0 =	seq.s32 s5, $0x0;
	s5 =	sld [smem:$0x3FB4]  }
0x2b: {  	s6 =	sld [smem:$0x3FB5]  }
0x2c: {  	s7 =	sld [smem:$0x3FB6]  }
0x2d: {  	s3 =	simm.s32 $0x108;
	s8 =	sld [smem:$0x3FB7]  }
0x2e: {  	s3 =	simm.s32 @!p0 $0x1082;
	s9 =	sld [smem:$0x3FB8]  }
0x2f: {  	lr =	sadd.s32 s0, s3;
	s0 =	sld [smem:$0x3FAF]  }
0x30: {  	s3 =	sld [smem:$0x3FB2]  }
0x31: {  	[smem:$0x3FBB] =	sst s10  }
0x32: {  	s10 =	sld [smem:$0x3FB9];
	_ =	sdelay $0x3  }
0x33: {  	p0 =	seq.s32 s10, $0x1;
	s10 =	sld [smem:$0x3FBB];
	_ =	sdelay $0x3  }
0x34: {  	[smem:$0x3FBB] =	sst s10  }
0x35: {  	s10 =	sld [smem:$0x3FBA];
	_ =	sdelay $0x3  }
0x36: {  	p1 =	seq.s32 s10, $0x1;
	s10 =	sld [smem:$0x3FBB];
	_ =	sdelay $0x3  }
0x37: {  	[smem:$0x3FBB] =	sst s10  }
0x38: {  	s10 =	sld [smem:$0x3FBC]  }
0x39: {  	_ = 	snop;
	(pc) =	sbr.ind lr, $3  }
0x3a: {  	_ = 	snop  }
0x3b: {  	_ = 	snop  }
0x3c: {  	p2 =	seq.s32 s10, $0x1;
	s10 =	sld [smem:$0x3FBB]  }
0x3d: {  	_ =	shalt  }
0x3e: {  	_ =	shalt  }
0x3f: {  	_ =	shalt  }
0x40: {  	_ =	shalt  }
0x41: {  	_ =	shalt  }
0x42: {  	_ =	shalt  }
0x43: {  	_ =	shalt  }
0x44: {  	_ =	shalt  }
0x45: {  	_ =	shalt  }
0x46: {  	_ =	shalt  }
0x47: {  	_ =	shalt  }
0x48: {  	_ =	shalt  }
0x49: {  	_ =	shalt  }
0x4a: {  	_ =	shalt  }
0x4b: {  	_ =	shalt  }
0x4c: {  	_ =	shalt  }
0x4d: {  	_ =	shalt  }
0x4e: {  	_ =	shalt  }
0x4f: {  	_ =	shalt  }
0x50: {  	_ =	shalt  }
0x51: {  	_ =	shalt  }
0x52: {  	_ =	shalt  }
0x53: {  	_ =	shalt  }
0x54: {  	_ =	shalt  }
0x55: {  	_ =	shalt  }
0x56: {  	_ =	shalt  }
0x57: {  	_ =	shalt  }
0x58: {  	_ =	shalt  }
0x59: {  	_ =	shalt  }
0x5a: {  	_ =	shalt  }
0x5b: {  	_ =	shalt  }
0x5c: {  	_ =	shalt  }
0x5d: {  	_ =	shalt  }
0x5e: {  	_ =	shalt  }
0x5f: {  	_ =	shalt  }
0x60: {  	_ =	shalt  }
0x61: {  	_ =	shalt  }
0x62: {  	_ =	shalt  }
0x63: {  	_ =	shalt  }
0x64: {  	_ =	shalt  }
0x65: {  	_ =	shalt  }
0x66: {  	_ =	shalt  }
0x67: {  	_ =	shalt  }
0x68: {  	_ =	shalt  }
0x69: {  	_ =	shalt  }
0x6a: {  	_ =	shalt  }
0x6b: {  	_ =	shalt  }
0x6c: {  	_ =	shalt  }
0x6d: {  	_ =	shalt  }
0x6e: {  	_ =	shalt  }
0x6f: {  	_ =	shalt  }
0x70: {  	_ =	shalt  }
0x71: {  	_ =	shalt  }
0x72: {  	_ =	shalt  }
0x73: {  	_ =	shalt  }
0x74: {  	_ =	shalt  }
0x75: {  	_ =	shalt  }
0x76: {  	_ =	shalt  }
0x77: {  	_ =	shalt  }
0x78: {  	_ =	shalt  }
0x79: {  	_ =	shalt  }
0x7a: {  	_ =	shalt  }
0x7b: {  	_ =	shalt  }
0x7c: {  	_ =	shalt  }
0x7d: {  	_ =	shalt  }
0x7e: {  	_ =	shalt  }
0x7f: {  	_ =	shalt  }
0x80: {  	_ =	shalt  }
0x81: {  	_ =	shalt  }
0x82: {  	_ =	shalt  }
0x83: {  	_ =	shalt  }
0x84: {  	_ =	shalt  }
0x85: {  	_ =	shalt  }
0x86: {  	_ =	shalt  }
0x87: {  	_ =	shalt  }
.Lfunc_end0:
.L_simem_size_0:
called_computation_lowered:
.L_overlay_start_0:
0x88: {  	s2 =	sld [smem:$0x3FD9]  }
0x89: {  	s3 =	sld [smem:$0x3FFE];
	_ =	sdelay $0x1  }
0x8a: {  	s1 =	srdreg.scid  }
0x8b: {  	s0 =	sand.u32 $0x1, s1  }
0x8c: {  	s18 =	sshll.u32 s0, $0xA;
	s2 =	sadd.s32 s3, s2  }
0x8d: {  	s2 =	sadd.s32 s2, s18  }
0x8e: {  	[smem:$0x3FC7] =	sst s2  }
0x8f: {  	_ = 	snop  }
0x90: {  	s2 =	sld [smem:$0x3FC9]  }
0x91: {  	s19 =	sld [smem:$0x3FD0];
	(tm) =	ssettm $0x1  }
0x92: {  	s4 =	sld [smem:$0x3FFB];
	_ =	sdelay $0x3  }
0x93: {  	_ =	strace s4  }
0x94: {  	s4 =	sld [smem:$0x3FFC];
	_ =	sdelay $0x3  }
0x95: {  	_ =	strace s4  }
0x96: {  	s4 =	sld [smem:$0x3FFD];
	_ =	sdelay $0x3  }
0x97: {  	_ =	strace s4  }
0x98: {  	_ =	strace $0x8FFFFFFF  }
0x99: {  	s20 =	sld [smem:$0x3FDB];
	_ =	sdelay $0x1  }
0x9a: {  	s5 =	simm.s32 $_scs_section_size  }
0x9b: {  	s6 =	simm.s32 $_size__tile_overlayer_lowered;
	s7 =	simm.s32 $_tile_overlayer_lowered  }
0x9c: {  	s23 =	simm.s32 $0x1BFF;
	s22 =	sshll.u32 s7, $0x1;
	s4 =	sadd.s32 s5, s20  }
0x9d: {  	s8 =	simm.s32 $0x0;
	s21 =	sshll.u32 s6, $0x1;
	s6 =	sadd.s32 s22, s4  }
0x9e: {  	[timem:s8], [sflag:s23] =	dma.local [hbm:s6], s21  }
0x9f: {  	_ =	swait.ge [sflag:s23], s21  }
0xa0: {  	s5 =	ssub.s32 $0x0, s21;
	[sflag:s23] =	ssyncset.done $0x0  }
0xa1: {  	[sflag:s23] =	ssyncadd.s32 s5;
	_ =	sdelay $0x1  }
0xa2: {  	s24 =	simm.s32 $0x1B8B  }
0xa3: {  	_ =	swait.ge [sflag:s24], $0x1  }
0xa4: {  	[sflag:s24] =	ssyncset.done $0x0  }
0xa5: {  	s25 =	simm.s32 $0x1B8E;
	[sflag:s24] =	ssyncadd.s32 $0xFFFFFFFF  }
0xa6: {  	s26 =	simm.s32 $execute0_lowered;
	[smem:$0x3FD2] =	sst s25  }
0xa7: {  	s5 =	sshll.u32 s26, $0x1;
	_ =	strace $0x80000046;
	[dreg:$0x1] =	wrdreg $0xFFFFFFFF  }
0xa8: {  	s28 =	simm.s32 $_size_execute0_lowered;
	s4 =	sadd.s32 s4, s5;
	[dreg:$0x0] =	wrdreg $0x0  }
0xa9: {  	s5 =	sshll.u32 s28, $0x1;
	[dreg:$0x2] =	wrdreg s4  }
0xaa: {  	[dreg:$0x3] =	wrdreg s5  }
0xab: {  	[dreg:$0x4] =	wrdreg $0xC0  }
0xac: {  	_ =	task [dreg:s8], $0x5FFFF  }
0xad: {  	[dreg:$0x1] =	wrdreg $0xFFFFFFFF  }
0xae: {  	[dreg:$0x0] =	wrdreg $0x60  }
0xaf: {  	[dreg:$0x2] =	wrdreg s2  }
0xb0: {  	[dreg:$0x3] =	wrdreg s19  }
0xb1: {  	[dreg:$0x4] =	wrdreg $0x9  }
0xb2: {  	_ =	task.clear_ibuf [dreg:s8], $0x5FFFF;
	_ =	strace $0x90000046  }
0xb3: {  	s29 =	simm.s32 $0x9;
	_ =	strace $0x80000048  }
0xb4: {  	_ =	swait.ge [sflag:s29], $0x1  }
0xb5: {  	[sflag:s29] =	ssyncadd.s32 $0xFFFFFFFF  }
0xb6: {  	_ =	strace $0x90000048  }
0xb7: {  	_ =	sfence  }
0xb8: {  	s30 =	sld [smem:$0x0];
	_ =	sdelay $0x2  }
0xb9: {  	s31 =	sshll.u32 s1, $0xD;
	s1 =	sshrl.u32 s1, $0x2  }
0xba: {  	s3 =	sand.u32 $0x4000, s31;
	s1 =	sadd.s32 s1, s30  }
0xbb: {  	s0 =	sor.u32 s3, s0;
	s1 =	sshll.u32 s1, $0x11  }
0xbc: {  	s0 =	sor.u32 s1, s0  }
0xbd: {  	s0 =	sadd.s32 $0x8F2B, s0  }
0xbe: {  	[sflag:s0] =	ssyncadd.remote.s32 $0x1  }
0xbf: {  	_ =	sfence.sel $0xFFFF  }
0xc0: {  	[dreg:$0x0] =	wrdreg $0xFFFFFFFF;
	(pc) =	sbr.abs _section_cstart, $3  }
0xc1: {  	[dreg:$0x1] =	wrdreg $0xFFFFFFFF  }
0xc2: {  	_ =	task.clear_ibuf [dreg:s8], $0x2FFFF;
	_ =	strace $0x9FFFFFFF  }
0xc3: {  	(tm) =	ssettm $0x7FFFFFFF  }
tec
execute0_lowered:
.L_overlay_start_1:
0x0: {  	(tag) =	ssettag $0x1  }
0x1: {  	s3 =	rddreg [dreg:$0x0];
	s1 =	srdreg.scid  }
0x2: {  	s0 =	rddreg [dreg:$0x1];
	s4 =	stileid.u32;
	s1 =	sand.u32 $0x1, s1  }
0x3: {  	s2 =	simm.s32 $0x0;
	s4 =	sshll.u32 s4, $0x10;
	s5 =	sshll.u32 s1, $0xF  }
0x4: {  	[smem:$0x7FF] =	sst s2;
	s4 =	sor.u32 s5, s4  }
0x5: {  	_ =	strace $0x80000047;
	s5 =	sadd.s32 s3, s4;
	s6 =	sor.u32 $0x1000, s4  }
0x6: {  	s31 =	sadd.s32 s0, s4;
	[dreg:$0x3] =	wrdreg s5;
	s16 =	sadd.s32 s3, s6  }
0x7: {  	s17 =	sadd.s32 $0x100000, s31;
	[dreg:$0x4] =	wrdreg s16  }
0x8: {  	s18 =	sadd.s32 $0x200000, s31;
	[dreg:$0x5] =	wrdreg s17  }
0x9: {  	s7 =	sor.u32 $0x2000, s4;
	s19 =	sadd.s32 $0x300000, s31;
	[dreg:$0x6] =	wrdreg s18  }
0xa: {  	p0 =	por $0x0, $0x0;
	s20 =	sadd.s32 s3, s7;
	[dreg:$0x7] =	wrdreg s19  }
0xb: {  	s1 =	ssub.s32 $0x2, s1;
	s21 =	sadd.s32 s0, s6;
	[dreg:$0x8] =	wrdreg s20  }
0xc: {  	s25 =	sor.u32 $0x3000, s4;
	s22 =	sadd.s32 $0x101000, s31;
	[dreg:$0x9] =	wrdreg s21  }
0xd: {  	s11 =	sor.u32 $0x4000, s4;
	s23 =	sadd.s32 $0x201000, s31;
	[dreg:$0xa] =	wrdreg s22  }
0xe: {  	s14 =	sor.u32 $0x5000, s4;
	s24 =	sadd.s32 $0x301000, s31;
	[dreg:$0xb] =	wrdreg s23  }
0xf: {  	s15 =	sor.u32 $0x6000, s4;
	s26 =	sadd.s32 s3, s25;
	[dreg:$0xc] =	wrdreg s24  }
0x10: {  	s4 =	sor.u32 $0x7000, s4;
	s7 =	sadd.s32 s0, s7;
	[dreg:$0xd] =	wrdreg s26  }
0x11: {  	s8 =	sadd.s32 $0x102000, s31;
	s9 =	sadd.s32 $0x202000, s31;
	[dreg:$0xe] =	wrdreg s7  }
0x12: {  	s10 =	sadd.s32 $0x302000, s31;
	s12 =	sadd.s32 s3, s11;
	[dreg:$0xf] =	wrdreg s8  }
0x13: {  	s13 =	sadd.s32 s0, s25;
	s28 =	sadd.s32 $0x103000, s31;
	[dreg:$0x10] =	wrdreg s9  }
0x14: {  	s29 =	sadd.s32 $0x203000, s31;
	s30 =	sadd.s32 $0x303000, s31;
	[dreg:$0x11] =	wrdreg s10  }
0x15: {  	s25 =	sadd.s32 $0x304000, s31;
	s5 =	sadd.s32 s0, s4;
	[dreg:$0x12] =	wrdreg s12  }
0x16: {  	s6 =	sadd.s32 $0x107000, s31;
	s8 =	sshrl.u32 s1, $0x1;
	[dreg:$0x13] =	wrdreg s13  }
0x17: {  	s26 =	sadd.s32 s3, s14;
	s22 =	sadd.s32 s0, s11;
	s23 =	sadd.s32 $0x104000, s31  }
0x18: {  	s24 =	sadd.s32 $0x204000, s31;
	s21 =	sadd.s32 s3, s15;
	s1 =	ssub.s32 s1, s8  }
0x19: {  	s16 =	sadd.s32 s0, s14;
	s17 =	sadd.s32 $0x105000, s31;
	s18 =	smax.u32 s1, $0x1  }
0x1a: {  	s19 =	sadd.s32 $0x205000, s31;
	s20 =	sadd.s32 $0x305000, s31;
	p1 =	sne.s32 s18, $0x1  }
.Ltmp0:
0x1b: {  	s14 =	sadd.s32 s3, s4;
	s9 =	sadd.s32 $0x106000, s31;
	(pc) =	sbr.rel @!p1 .LBB2_5-.Ltmp0, $4  }
0x1c: {  	s10 =	sadd.s32 $0x206000, s31;
	s11 =	sadd.s32 $0x306000, s31;
	s7 =	sadd.s32 $0x207000, s31  }
0x1d: {  	s12 =	sadd.s32 $0x307000, s31;
	s13 =	simm.s32 $0x8000;
	s4 =	simm.s32 $0x3  }
0x1e: {  	s3 =	simm.s32 $0x4;
	s8 =	sadd.s32 s0, s15;
	s15 =	simm.s32 $0x2  }
0x1f: {  	s1 =	rddreg [dreg:$0x3];
	s0 =	sadd.s32 $0xFFFFFFFF, s18;
	s18 =	simm.s32 $0x1  }
0x20: {  	[dreg:$0x15] =	wrdreg s0  }
0x21: {  	[tilespmem:s2], [sflag:$0x1] =	stream.linear.gather [hbm4b:s1+s2], $0x8000, $0x38;
	[tilespmem:$0x10000] =	vst v63  }
0x22: {  	s0 =	rddreg [dreg:$0x4]  }
0x23: {  	[tilespmem:s13], [sflag:$0x2] =	stream.linear.gather [hbm4b:s0+s2], $0x8000, $0x38;
	[tilespmem:$0x10000] =	vst v63  }
0x24: {  	_ =	swait.ge [sflag:s18], $0x8000  }
0x25: {  	[sflag:s18] =	ssyncset.done $0x0  }
0x26: {  	[sflag:s18] =	ssyncadd.s32 $0xFFFF8000  }
0x27: {  	[hbm4b:s31+s2] =	stream.linear.scatter [tilespmem:s2], [sflag:$0x3], $0x8000, $0x38;
	[tilespmem:$0x10000] =	vst v63  }
0x28: {  	s0 =	rddreg [dreg:$0x5]  }
0x29: {  	[hbm4b:s0+s2] =	stream.linear.scatter [tilespmem:s2], [sflag:$0x3], $0x8000, $0x38;
	[tilespmem:$0x10000] =	vst v63  }
0x2a: {  	s1 =	rddreg [dreg:$0x6]  }
0x2b: {  	[hbm4b:s1+s2] =	stream.linear.scatter [tilespmem:s2], [sflag:$0x3], $0x8000, $0x38;
	[tilespmem:$0x10000] =	vst v63  }
0x2c: {  	s0 =	rddreg [dreg:$0x7]  }
0x2d: {  	[hbm4b:s0+s2] =	stream.linear.scatter [tilespmem:s2], [sflag:$0x3], $0x8000, $0x38;
	[tilespmem:$0x10000] =	vst v63  }
0x2e: {  	_ =	swait.ge [sflag:s4], $0x8000  }
0x2f: {  	[sflag:s4] =	ssyncset.done $0x0  }
0x30: {  	[sflag:s4] =	ssyncadd.s32 $0xFFFF8000  }
0x31: {  	_ =	swait.ge [sflag:s4], $0x8000  }
0x32: {  	[sflag:s4] =	ssyncset.done $0x0  }
0x33: {  	[sflag:s4] =	ssyncadd.s32 $0xFFFF8000  }
0x34: {  	_ =	swait.ge [sflag:s4], $0x8000  }
0x35: {  	[sflag:s4] =	ssyncset.done $0x0  }
0x36: {  	[sflag:s4] =	ssyncadd.s32 $0xFFFF8000  }
0x37: {  	_ =	swait.ge [sflag:s4], $0x8000  }
0x38: {  	[sflag:s4] =	ssyncset.done $0x0  }
0x39: {  	s1 =	rddreg [dreg:$0x8];
	[sflag:s4] =	ssyncadd.s32 $0xFFFF8000  }
0x3a: {  	[tilespmem:s2], [sflag:$0x1] =	stream.linear.gather [hbm4b:s1+s2], $0x8000, $0x38;
	[tilespmem:$0x10000] =	vst v63  }
0x3b: {  	_ =	swait.ge [sflag:s15], $0x8000  }
0x3c: {  	[sflag:s15] =	ssyncset.done $0x0  }
0x3d: {  	s0 =	rddreg [dreg:$0x9];
	[sflag:s15] =	ssyncadd.s32 $0xFFFF8000  }
0x3e: {  	[hbm4b:s0+s2] =	stream.linear.scatter [tilespmem:s13], [sflag:$0x4], $0x8000, $0x38;
	[tilespmem:$0x10000] =	vst v63  }
0x3f: {  	s1 =	rddreg [dreg:$0xa]  }
0x40: {  	[hbm4b:s1+s2] =	stream.linear.scatter [tilespmem:s13], [sflag:$0x4], $0x8000, $0x38;
	[tilespmem:$0x10000] =	vst v63  }
0x41: {  	s0 =	rddreg [dreg:$0xb]  }
0x42: {  	[hbm4b:s0+s2] =	stream.linear.scatter [tilespmem:s13], [sflag:$0x4], $0x8000, $0x38;
	[tilespmem:$0x10000] =	vst v63  }
0x43: {  	s1 =	rddreg [dreg:$0xc]  }
0x44: {  	[hbm4b:s1+s2] =	stream.linear.scatter [tilespmem:s13], [sflag:$0x4], $0x8000, $0x38;
	[tilespmem:$0x10000] =	vst v63  }
0x45: {  	_ =	swait.ge [sflag:s3], $0x8000  }
0x46: {  	[sflag:s3] =	ssyncset.done $0x0  }
0x47: {  	[sflag:s3] =	ssyncadd.s32 $0xFFFF8000  }
0x48: {  	_ =	swait.ge [sflag:s3], $0x8000  }
0x49: {  	[sflag:s3] =	ssyncset.done $0x0  }
0x4a: {  	[sflag:s3] =	ssyncadd.s32 $0xFFFF8000  }
0x4b: {  	_ =	swait.ge [sflag:s3], $0x8000  }
0x4c: {  	[sflag:s3] =	ssyncset.done $0x0  }
0x4d: {  	[sflag:s3] =	ssyncadd.s32 $0xFFFF8000  }
0x4e: {  	_ =	swait.ge [sflag:s3], $0x8000  }
0x4f: {  	[sflag:s3] =	ssyncset.done $0x0  }
0x50: {  	s1 =	rddreg [dreg:$0xd];
	[sflag:s3] =	ssyncadd.s32 $0xFFFF8000  }
0x51: {  	[tilespmem:s13], [sflag:$0x2] =	stream.linear.gather [hbm4b:s1+s2], $0x8000, $0x38;
	[tilespmem:$0x10000] =	vst v63  }
0x52: {  	_ =	swait.ge [sflag:s18], $0x8000  }
0x53: {  	[sflag:s18] =	ssyncset.done $0x0  }
0x54: {  	s0 =	rddreg [dreg:$0xe];
	[sflag:s18] =	ssyncadd.s32 $0xFFFF8000  }
0x55: {  	[hbm4b:s0+s2] =	stream.linear.scatter [tilespmem:s2], [sflag:$0x3], $0x8000, $0x38;
	[tilespmem:$0x10000] =	vst v63  }
0x56: {  	s1 =	rddreg [dreg:$0xf]  }
0x57: {  	[hbm4b:s1+s2] =	stream.linear.scatter [tilespmem:s2], [sflag:$0x3], $0x8000, $0x38;
	[tilespmem:$0x10000] =	vst v63  }
0x58: {  	s0 =	rddreg [dreg:$0x10]  }
0x59: {  	[hbm4b:s0+s2] =	stream.linear.scatter [tilespmem:s2], [sflag:$0x3], $0x8000, $0x38;
	[tilespmem:$0x10000] =	vst v63  }
0x5a: {  	s1 =	rddreg [dreg:$0x11]  }
0x5b: {  	[hbm4b:s1+s2] =	stream.linear.scatter [tilespmem:s2], [sflag:$0x3], $0x8000, $0x38;
	[tilespmem:$0x10000] =	vst v63  }
0x5c: {  	_ =	swait.ge [sflag:s4], $0x8000  }
0x5d: {  	[sflag:s4] =	ssyncset.done $0x0  }
0x5e: {  	[sflag:s4] =	ssyncadd.s32 $0xFFFF8000  }
0x5f: {  	_ =	swait.ge [sflag:s4], $0x8000  }
0x60: {  	[sflag:s4] =	ssyncset.done $0x0  }
0x61: {  	[sflag:s4] =	ssyncadd.s32 $0xFFFF8000  }
0x62: {  	_ =	swait.ge [sflag:s4], $0x8000  }
0x63: {  	[sflag:s4] =	ssyncset.done $0x0  }
0x64: {  	[sflag:s4] =	ssyncadd.s32 $0xFFFF8000  }
0x65: {  	_ =	swait.ge [sflag:s4], $0x8000  }
0x66: {  	[sflag:s4] =	ssyncset.done $0x0  }
0x67: {  	s1 =	rddreg [dreg:$0x12];
	[sflag:s4] =	ssyncadd.s32 $0xFFFF8000  }
0x68: {  	[tilespmem:s2], [sflag:$0x1] =	stream.linear.gather [hbm4b:s1+s2], $0x8000, $0x38;
	[tilespmem:$0x10000] =	vst v63  }
0x69: {  	_ =	swait.ge [sflag:s15], $0x8000  }
0x6a: {  	[sflag:s15] =	ssyncset.done $0x0  }
0x6b: {  	s1 =	rddreg [dreg:$0x13];
	[sflag:s15] =	ssyncadd.s32 $0xFFFF8000  }
0x6c: {  	[hbm4b:s1+s2] =	stream.linear.scatter [tilespmem:s13], [sflag:$0x4], $0x8000, $0x38;
	[tilespmem:$0x10000] =	vst v63  }
0x6d: {  	_ = 	snop  }
0x6e: {  	[hbm4b:s28+s2] =	stream.linear.scatter [tilespmem:s13], [sflag:$0x4], $0x8000, $0x38;
	[tilespmem:$0x10000] =	vst v63  }
0x6f: {  	_ = 	snop  }
0x70: {  	[hbm4b:s29+s2] =	stream.linear.scatter [tilespmem:s13], [sflag:$0x4], $0x8000, $0x38;
	[tilespmem:$0x10000] =	vst v63  }
0x71: {  	_ = 	snop  }
0x72: {  	[hbm4b:s30+s2] =	stream.linear.scatter [tilespmem:s13], [sflag:$0x4], $0x8000, $0x38;
	[tilespmem:$0x10000] =	vst v63  }
0x73: {  	_ =	swait.ge [sflag:s3], $0x8000  }
0x74: {  	[sflag:s3] =	ssyncset.done $0x0  }
0x75: {  	[sflag:s3] =	ssyncadd.s32 $0xFFFF8000  }
0x76: {  	_ =	swait.ge [sflag:s3], $0x8000  }
0x77: {  	[sflag:s3] =	ssyncset.done $0x0  }
0x78: {  	[sflag:s3] =	ssyncadd.s32 $0xFFFF8000  }
0x79: {  	_ =	swait.ge [sflag:s3], $0x8000  }
0x7a: {  	[sflag:s3] =	ssyncset.done $0x0  }
0x7b: {  	[sflag:s3] =	ssyncadd.s32 $0xFFFF8000  }
0x7c: {  	_ =	swait.ge [sflag:s3], $0x8000  }
0x7d: {  	[sflag:s3] =	ssyncset.done $0x0  }
0x7e: {  	[sflag:s3] =	ssyncadd.s32 $0xFFFF8000  }
0x7f: {  	[tilespmem:s13], [sflag:$0x2] =	stream.linear.gather [hbm4b:s26+s2], $0x8000, $0x38;
	[tilespmem:$0x10000] =	vst v63  }
0x80: {  	_ =	swait.ge [sflag:s18], $0x8000  }
0x81: {  	[sflag:s18] =	ssyncset.done $0x0  }
0x82: {  	[sflag:s18] =	ssyncadd.s32 $0xFFFF8000  }
0x83: {  	[hbm4b:s22+s2] =	stream.linear.scatter [tilespmem:s2], [sflag:$0x3], $0x8000, $0x38;
	[tilespmem:$0x10000] =	vst v63  }
0x84: {  	_ = 	snop  }
0x85: {  	[hbm4b:s23+s2] =	stream.linear.scatter [tilespmem:s2], [sflag:$0x3], $0x8000, $0x38;
	[tilespmem:$0x10000] =	vst v63  }
0x86: {  	_ = 	snop  }
0x87: {  	[hbm4b:s24+s2] =	stream.linear.scatter [tilespmem:s2], [sflag:$0x3], $0x8000, $0x38;
	[tilespmem:$0x10000] =	vst v63  }
0x88: {  	_ = 	snop  }
0x89: {  	[hbm4b:s25+s2] =	stream.linear.scatter [tilespmem:s2], [sflag:$0x3], $0x8000, $0x38;
	[tilespmem:$0x10000] =	vst v63  }
0x8a: {  	_ =	swait.ge [sflag:s4], $0x8000  }
0x8b: {  	[sflag:s4] =	ssyncset.done $0x0  }
0x8c: {  	[sflag:s4] =	ssyncadd.s32 $0xFFFF8000  }
0x8d: {  	_ =	swait.ge [sflag:s4], $0x8000  }
0x8e: {  	[sflag:s4] =	ssyncset.done $0x0  }
0x8f: {  	[sflag:s4] =	ssyncadd.s32 $0xFFFF8000  }
0x90: {  	_ =	swait.ge [sflag:s4], $0x8000  }
0x91: {  	[sflag:s4] =	ssyncset.done $0x0  }
0x92: {  	[sflag:s4] =	ssyncadd.s32 $0xFFFF8000  }
0x93: {  	_ =	swait.ge [sflag:s4], $0x8000  }
0x94: {  	[sflag:s4] =	ssyncset.done $0x0  }
0x95: {  	[sflag:s4] =	ssyncadd.s32 $0xFFFF8000  }
0x96: {  	[tilespmem:s2], [sflag:$0x1] =	stream.linear.gather [hbm4b:s21+s2], $0x8000, $0x38;
	[tilespmem:$0x10000] =	vst v63  }
0x97: {  	_ =	swait.ge [sflag:s15], $0x8000  }
0x98: {  	[sflag:s15] =	ssyncset.done $0x0  }
0x99: {  	[sflag:s15] =	ssyncadd.s32 $0xFFFF8000  }
0x9a: {  	[hbm4b:s16+s2] =	stream.linear.scatter [tilespmem:s13], [sflag:$0x4], $0x8000, $0x38;
	[tilespmem:$0x10000] =	vst v63  }
0x9b: {  	_ = 	snop  }
0x9c: {  	[hbm4b:s17+s2] =	stream.linear.scatter [tilespmem:s13], [sflag:$0x4], $0x8000, $0x38;
	[tilespmem:$0x10000] =	vst v63  }
0x9d: {  	_ = 	snop  }
0x9e: {  	[hbm4b:s19+s2] =	stream.linear.scatter [tilespmem:s13], [sflag:$0x4], $0x8000, $0x38;
	[tilespmem:$0x10000] =	vst v63  }
0x9f: {  	_ = 	snop  }
0xa0: {  	[hbm4b:s20+s2] =	stream.linear.scatter [tilespmem:s13], [sflag:$0x4], $0x8000, $0x38;
	[tilespmem:$0x10000] =	vst v63  }
0xa1: {  	_ =	swait.ge [sflag:s3], $0x8000  }
0xa2: {  	[sflag:s3] =	ssyncset.done $0x0  }
0xa3: {  	[sflag:s3] =	ssyncadd.s32 $0xFFFF8000  }
0xa4: {  	_ =	swait.ge [sflag:s3], $0x8000  }
0xa5: {  	[sflag:s3] =	ssyncset.done $0x0  }
0xa6: {  	[sflag:s3] =	ssyncadd.s32 $0xFFFF8000  }
0xa7: {  	_ =	swait.ge [sflag:s3], $0x8000  }
0xa8: {  	[sflag:s3] =	ssyncset.done $0x0  }
0xa9: {  	[sflag:s3] =	ssyncadd.s32 $0xFFFF8000  }
0xaa: {  	_ =	swait.ge [sflag:s3], $0x8000  }
0xab: {  	[sflag:s3] =	ssyncset.done $0x0  }
0xac: {  	[sflag:s3] =	ssyncadd.s32 $0xFFFF8000  }
0xad: {  	[tilespmem:s13], [sflag:$0x2] =	stream.linear.gather [hbm4b:s14+s2], $0x8000, $0x38;
	[tilespmem:$0x10000] =	vst v63  }
0xae: {  	_ =	swait.ge [sflag:s18], $0x8000  }
0xaf: {  	[sflag:s18] =	ssyncset.done $0x0  }
0xb0: {  	[sflag:s18] =	ssyncadd.s32 $0xFFFF8000  }
0xb1: {  	[hbm4b:s8+s2] =	stream.linear.scatter [tilespmem:s2], [sflag:$0x3], $0x8000, $0x38;
	[tilespmem:$0x10000] =	vst v63  }
0xb2: {  	_ = 	snop  }
0xb3: {  	[hbm4b:s9+s2] =	stream.linear.scatter [tilespmem:s2], [sflag:$0x3], $0x8000, $0x38;
	[tilespmem:$0x10000] =	vst v63  }
0xb4: {  	_ = 	snop  }
0xb5: {  	[hbm4b:s10+s2] =	stream.linear.scatter [tilespmem:s2], [sflag:$0x3], $0x8000, $0x38;
	[tilespmem:$0x10000] =	vst v63  }
0xb6: {  	_ = 	snop  }
0xb7: {  	[hbm4b:s11+s2] =	stream.linear.scatter [tilespmem:s2], [sflag:$0x3], $0x8000, $0x38;
	[tilespmem:$0x10000] =	vst v63  }
0xb8: {  	_ =	swait.ge [sflag:s15], $0x8000  }
0xb9: {  	[sflag:s15] =	ssyncset.done $0x0  }
0xba: {  	[sflag:s15] =	ssyncadd.s32 $0xFFFF8000  }
0xbb: {  	[hbm4b:s5+s2] =	stream.linear.scatter [tilespmem:s13], [sflag:$0x4], $0x8000, $0x38;
	[tilespmem:$0x10000] =	vst v63  }
0xbc: {  	_ = 	snop  }
0xbd: {  	[hbm4b:s6+s2] =	stream.linear.scatter [tilespmem:s13], [sflag:$0x4], $0x8000, $0x38;
	[tilespmem:$0x10000] =	vst v63  }
0xbe: {  	_ = 	snop  }
0xbf: {  	[hbm4b:s7+s2] =	stream.linear.scatter [tilespmem:s13], [sflag:$0x4], $0x8000, $0x38;
	[tilespmem:$0x10000] =	vst v63  }
0xc0: {  	_ = 	snop  }
0xc1: {  	[hbm4b:s12+s2] =	stream.linear.scatter [tilespmem:s13], [sflag:$0x4], $0x8000, $0x38;
	[tilespmem:$0x10000] =	vst v63  }
0xc2: {  	_ =	swait.ge [sflag:s4], $0x8000  }
0xc3: {  	[sflag:s4] =	ssyncset.done $0x0  }
0xc4: {  	[sflag:s4] =	ssyncadd.s32 $0xFFFF8000  }
0xc5: {  	_ =	swait.ge [sflag:s4], $0x8000  }
0xc6: {  	[sflag:s4] =	ssyncset.done $0x0  }
0xc7: {  	[sflag:s4] =	ssyncadd.s32 $0xFFFF8000  }
0xc8: {  	_ =	swait.ge [sflag:s4], $0x8000  }
0xc9: {  	[sflag:s4] =	ssyncset.done $0x0  }
0xca: {  	[sflag:s4] =	ssyncadd.s32 $0xFFFF8000  }
0xcb: {  	_ =	swait.ge [sflag:s4], $0x8000  }
0xcc: {  	[sflag:s4] =	ssyncset.done $0x0  }
0xcd: {  	[sflag:s4] =	ssyncadd.s32 $0xFFFF8000  }
0xce: {  	_ =	swait.ge [sflag:s3], $0x8000  }
0xcf: {  	[sflag:s3] =	ssyncset.done $0x0  }
0xd0: {  	[sflag:s3] =	ssyncadd.s32 $0xFFFF8000  }
0xd1: {  	_ =	swait.ge [sflag:s3], $0x8000  }
0xd2: {  	[sflag:s3] =	ssyncset.done $0x0  }
0xd3: {  	[sflag:s3] =	ssyncadd.s32 $0xFFFF8000  }
0xd4: {  	_ =	swait.ge [sflag:s3], $0x8000  }
0xd5: {  	s1 =	rddreg [dreg:$0x15]  }
0xd6: {  	p1 =	sne.s32 s1, $0x1  }
.Ltmp1:
0xd7: {  	_ = 	snop;
	(pc) =	sbr.rel @!p1 .LBB2_2-.Ltmp1, $4  }
0xd8: {  	[sflag:s3] =	ssyncset.done $0x0  }
0xd9: {  	[sflag:s3] =	ssyncadd.s32 $0xFFFF8000  }
0xda: {  	p0 =	por $0x1, $0x1;
	_ =	swait.ge [sflag:s3], $0x8000;
	[dreg:$0x14] =	wrdreg s31  }
0xdb: {  	s0 =	sadd.s32 $0xFFFFFFFF, s1;
	s1 =	rddreg [dreg:$0x3];
	[sflag:s3] =	ssyncset.done $0x0  }
.LBB2_3:
0xdc: {  	[sflag:s3] =	ssyncadd.s32 $0xFFFF8000;
	s31 =	smov.u32 s30;
	s30 =	smov.u32 s29  }
0xdd: {  	s29 =	smov.u32 s28;
	s28 =	smov.u32 s26;
	s26 =	smov.u32 s25  }
0xde: {  	s25 =	smov.u32 s24;
	s24 =	smov.u32 s23;
	s23 =	smov.u32 s22  }
0xdf: {  	s22 =	smov.u32 s21;
	s21 =	smov.u32 s20;
	s20 =	smov.u32 s19  }
0xe0: {  	s19 =	smov.u32 s17;
	s17 =	smov.u32 s16;
	s16 =	smov.u32 s14  }
0xe1: {  	s14 =	smov.u32 s12;
	s12 =	smov.u32 s11;
	s11 =	smov.u32 s10  }
0xe2: {  	s10 =	smov.u32 s9;
	s9 =	smov.u32 s8;
	s8 =	smov.u32 s7  }
0xe3: {  	[tilespmem:s2], [sflag:$0x1] =	stream.linear.gather [hbm4b:s1+s2], $0x8000, $0x38;
	[tilespmem:$0x10000] =	vst v63  }
0xe4: {  	s7 =	smov.u32 s6;
	s6 =	smov.u32 s5;
	s5 =	rddreg [dreg:$0x4]  }
0xe5: {  	[tilespmem:s13], [sflag:$0x2] =	stream.linear.gather [hbm4b:s5+s2], $0x8000, $0x38;
	[tilespmem:$0x10000] =	vst v63  }
0xe6: {  	_ =	swait.ge [sflag:s18], $0x8000  }
0xe7: {  	[sflag:s18] =	ssyncset.done $0x0  }
0xe8: {  	s5 =	rddreg [dreg:$0x14];
	[sflag:s18] =	ssyncadd.s32 $0xFFFF8000  }
0xe9: {  	[hbm4b:s5+s2] =	stream.linear.scatter [tilespmem:s2], [sflag:$0x3], $0x8000, $0x38;
	[tilespmem:$0x10000] =	vst v63  }
0xea: {  	s1 =	rddreg [dreg:$0x5]  }
0xeb: {  	[hbm4b:s1+s2] =	stream.linear.scatter [tilespmem:s2], [sflag:$0x3], $0x8000, $0x38;
	[tilespmem:$0x10000] =	vst v63  }
0xec: {  	s5 =	rddreg [dreg:$0x6]  }
0xed: {  	[hbm4b:s5+s2] =	stream.linear.scatter [tilespmem:s2], [sflag:$0x3], $0x8000, $0x38;
	[tilespmem:$0x10000] =	vst v63  }
0xee: {  	s1 =	rddreg [dreg:$0x7]  }
0xef: {  	[hbm4b:s1+s2] =	stream.linear.scatter [tilespmem:s2], [sflag:$0x3], $0x8000, $0x38;
	[tilespmem:$0x10000] =	vst v63  }
0xf0: {  	_ =	swait.ge [sflag:s4], $0x8000  }
0xf1: {  	[sflag:s4] =	ssyncset.done $0x0  }
0xf2: {  	[sflag:s4] =	ssyncadd.s32 $0xFFFF8000  }
0xf3: {  	_ =	swait.ge [sflag:s4], $0x8000  }
0xf4: {  	[sflag:s4] =	ssyncset.done $0x0  }
0xf5: {  	[sflag:s4] =	ssyncadd.s32 $0xFFFF8000  }
0xf6: {  	_ =	swait.ge [sflag:s4], $0x8000  }
0xf7: {  	[sflag:s4] =	ssyncset.done $0x0  }
0xf8: {  	[sflag:s4] =	ssyncadd.s32 $0xFFFF8000  }
0xf9: {  	_ =	swait.ge [sflag:s4], $0x8000  }
0xfa: {  	[sflag:s4] =	ssyncset.done $0x0  }
0xfb: {  	s5 =	rddreg [dreg:$0x8];
	[sflag:s4] =	ssyncadd.s32 $0xFFFF8000  }
0xfc: {  	[tilespmem:s2], [sflag:$0x1] =	stream.linear.gather [hbm4b:s5+s2], $0x8000, $0x38;
	[tilespmem:$0x10000] =	vst v63  }
0xfd: {  	_ =	swait.ge [sflag:s15], $0x8000  }
0xfe: {  	[sflag:s15] =	ssyncset.done $0x0  }
0xff: {  	s1 =	rddreg [dreg:$0x9];
	[sflag:s15] =	ssyncadd.s32 $0xFFFF8000  }
0x100: {  	[hbm4b:s1+s2] =	stream.linear.scatter [tilespmem:s13], [sflag:$0x4], $0x8000, $0x38;
	[tilespmem:$0x10000] =	vst v63  }
0x101: {  	s5 =	rddreg [dreg:$0xa]  }
0x102: {  	[hbm4b:s5+s2] =	stream.linear.scatter [tilespmem:s13], [sflag:$0x4], $0x8000, $0x38;
	[tilespmem:$0x10000] =	vst v63  }
0x103: {  	s1 =	rddreg [dreg:$0xb]  }
0x104: {  	[hbm4b:s1+s2] =	stream.linear.scatter [tilespmem:s13], [sflag:$0x4], $0x8000, $0x38;
	[tilespmem:$0x10000] =	vst v63  }
0x105: {  	s5 =	rddreg [dreg:$0xc]  }
0x106: {  	[hbm4b:s5+s2] =	stream.linear.scatter [tilespmem:s13], [sflag:$0x4], $0x8000, $0x38;
	[tilespmem:$0x10000] =	vst v63  }
0x107: {  	_ =	swait.ge [sflag:s3], $0x8000  }
0x108: {  	[sflag:s3] =	ssyncset.done $0x0  }
0x109: {  	[sflag:s3] =	ssyncadd.s32 $0xFFFF8000  }
0x10a: {  	_ =	swait.ge [sflag:s3], $0x8000  }
0x10b: {  	[sflag:s3] =	ssyncset.done $0x0  }
0x10c: {  	[sflag:s3] =	ssyncadd.s32 $0xFFFF8000  }
0x10d: {  	_ =	swait.ge [sflag:s3], $0x8000  }
0x10e: {  	[sflag:s3] =	ssyncset.done $0x0  }
0x10f: {  	[sflag:s3] =	ssyncadd.s32 $0xFFFF8000  }
0x110: {  	_ =	swait.ge [sflag:s3], $0x8000  }
0x111: {  	[sflag:s3] =	ssyncset.done $0x0  }
0x112: {  	s5 =	rddreg [dreg:$0xd];
	[sflag:s3] =	ssyncadd.s32 $0xFFFF8000  }
0x113: {  	[tilespmem:s13], [sflag:$0x2] =	stream.linear.gather [hbm4b:s5+s2], $0x8000, $0x38;
	[tilespmem:$0x10000] =	vst v63  }
0x114: {  	_ =	swait.ge [sflag:s18], $0x8000  }
0x115: {  	[sflag:s18] =	ssyncset.done $0x0  }
0x116: {  	s1 =	rddreg [dreg:$0xe];
	[sflag:s18] =	ssyncadd.s32 $0xFFFF8000  }
0x117: {  	[hbm4b:s1+s2] =	stream.linear.scatter [tilespmem:s2], [sflag:$0x3], $0x8000, $0x38;
	[tilespmem:$0x10000] =	vst v63  }
0x118: {  	s5 =	rddreg [dreg:$0xf]  }
0x119: {  	[hbm4b:s5+s2] =	stream.linear.scatter [tilespmem:s2], [sflag:$0x3], $0x8000, $0x38;
	[tilespmem:$0x10000] =	vst v63  }
0x11a: {  	s1 =	rddreg [dreg:$0x10]  }
0x11b: {  	[hbm4b:s1+s2] =	stream.linear.scatter [tilespmem:s2], [sflag:$0x3], $0x8000, $0x38;
	[tilespmem:$0x10000] =	vst v63  }
0x11c: {  	s5 =	rddreg [dreg:$0x11]  }
0x11d: {  	[hbm4b:s5+s2] =	stream.linear.scatter [tilespmem:s2], [sflag:$0x3], $0x8000, $0x38;
	[tilespmem:$0x10000] =	vst v63  }
0x11e: {  	_ =	swait.ge [sflag:s4], $0x8000  }
0x11f: {  	[sflag:s4] =	ssyncset.done $0x0  }
0x120: {  	[sflag:s4] =	ssyncadd.s32 $0xFFFF8000  }
0x121: {  	_ =	swait.ge [sflag:s4], $0x8000  }
0x122: {  	[sflag:s4] =	ssyncset.done $0x0  }
0x123: {  	s5 =	smov.u32 s6;
	[sflag:s4] =	ssyncadd.s32 $0xFFFF8000  }
0x124: {  	s6 =	smov.u32 s7;
	s7 =	smov.u32 s8;
	_ =	swait.ge [sflag:s4], $0x8000  }
0x125: {  	s8 =	smov.u32 s9;
	s9 =	smov.u32 s10;
	[sflag:s4] =	ssyncset.done $0x0  }
0x126: {  	s10 =	smov.u32 s11;
	s11 =	smov.u32 s12;
	[sflag:s4] =	ssyncadd.s32 $0xFFFF8000  }
0x127: {  	s12 =	smov.u32 s14;
	s14 =	smov.u32 s16;
	_ =	swait.ge [sflag:s4], $0x8000  }
0x128: {  	s16 =	smov.u32 s17;
	s17 =	smov.u32 s19;
	[sflag:s4] =	ssyncset.done $0x0  }
0x129: {  	s19 =	smov.u32 s20;
	s1 =	rddreg [dreg:$0x12];
	[sflag:s4] =	ssyncadd.s32 $0xFFFF8000  }
0x12a: {  	[tilespmem:s2], [sflag:$0x1] =	stream.linear.gather [hbm4b:s1+s2], $0x8000, $0x38;
	[tilespmem:$0x10000] =	vst v63  }
0x12b: {  	s20 =	smov.u32 s21;
	s21 =	smov.u32 s22;
	_ =	swait.ge [sflag:s15], $0x8000  }
0x12c: {  	s22 =	smov.u32 s23;
	s23 =	smov.u32 s24;
	[sflag:s15] =	ssyncset.done $0x0  }
0x12d: {  	s24 =	smov.u32 s25;
	s1 =	rddreg [dreg:$0x13];
	[sflag:s15] =	ssyncadd.s32 $0xFFFF8000  }
0x12e: {  	[hbm4b:s1+s2] =	stream.linear.scatter [tilespmem:s13], [sflag:$0x4], $0x8000, $0x38;
	[tilespmem:$0x10000] =	vst v63  }
0x12f: {  	s25 =	smov.u32 s26;
	s26 =	smov.u32 s28;
	s28 =	smov.u32 s29  }
0x130: {  	[hbm4b:s28+s2] =	stream.linear.scatter [tilespmem:s13], [sflag:$0x4], $0x8000, $0x38;
	[tilespmem:$0x10000] =	vst v63  }
0x131: {  	s29 =	smov.u32 s30  }
0x132: {  	[hbm4b:s29+s2] =	stream.linear.scatter [tilespmem:s13], [sflag:$0x4], $0x8000, $0x38;
	[tilespmem:$0x10000] =	vst v63  }
0x133: {  	_ = 	snop  }
0x134: {  	[hbm4b:s31+s2] =	stream.linear.scatter [tilespmem:s13], [sflag:$0x4], $0x8000, $0x38;
	[tilespmem:$0x10000] =	vst v63  }
0x135: {  	_ =	swait.ge [sflag:s3], $0x8000  }
0x136: {  	[sflag:s3] =	ssyncset.done $0x0  }
0x137: {  	[sflag:s3] =	ssyncadd.s32 $0xFFFF8000  }
0x138: {  	_ =	swait.ge [sflag:s3], $0x8000  }
0x139: {  	[sflag:s3] =	ssyncset.done $0x0  }
0x13a: {  	[sflag:s3] =	ssyncadd.s32 $0xFFFF8000  }
0x13b: {  	_ =	swait.ge [sflag:s3], $0x8000  }
0x13c: {  	[sflag:s3] =	ssyncset.done $0x0  }
0x13d: {  	[sflag:s3] =	ssyncadd.s32 $0xFFFF8000  }
0x13e: {  	_ =	swait.ge [sflag:s3], $0x8000  }
0x13f: {  	[sflag:s3] =	ssyncset.done $0x0  }
0x140: {  	[sflag:s3] =	ssyncadd.s32 $0xFFFF8000  }
0x141: {  	[tilespmem:s13], [sflag:$0x2] =	stream.linear.gather [hbm4b:s26+s2], $0x8000, $0x38;
	[tilespmem:$0x10000] =	vst v63  }
0x142: {  	_ =	swait.ge [sflag:s18], $0x8000  }
0x143: {  	[sflag:s18] =	ssyncset.done $0x0  }
0x144: {  	[sflag:s18] =	ssyncadd.s32 $0xFFFF8000  }
0x145: {  	[hbm4b:s22+s2] =	stream.linear.scatter [tilespmem:s2], [sflag:$0x3], $0x8000, $0x38;
	[tilespmem:$0x10000] =	vst v63  }
0x146: {  	_ = 	snop  }
0x147: {  	[hbm4b:s23+s2] =	stream.linear.scatter [tilespmem:s2], [sflag:$0x3], $0x8000, $0x38;
	[tilespmem:$0x10000] =	vst v63  }
0x148: {  	_ = 	snop  }
0x149: {  	[hbm4b:s24+s2] =	stream.linear.scatter [tilespmem:s2], [sflag:$0x3], $0x8000, $0x38;
	[tilespmem:$0x10000] =	vst v63  }
0x14a: {  	_ = 	snop  }
0x14b: {  	[hbm4b:s25+s2] =	stream.linear.scatter [tilespmem:s2], [sflag:$0x3], $0x8000, $0x38;
	[tilespmem:$0x10000] =	vst v63  }
0x14c: {  	_ =	swait.ge [sflag:s4], $0x8000  }
0x14d: {  	[sflag:s4] =	ssyncset.done $0x0  }
0x14e: {  	[sflag:s4] =	ssyncadd.s32 $0xFFFF8000  }
0x14f: {  	_ =	swait.ge [sflag:s4], $0x8000  }
0x150: {  	[sflag:s4] =	ssyncset.done $0x0  }
0x151: {  	[sflag:s4] =	ssyncadd.s32 $0xFFFF8000  }
0x152: {  	_ =	swait.ge [sflag:s4], $0x8000  }
0x153: {  	[sflag:s4] =	ssyncset.done $0x0  }
0x154: {  	[sflag:s4] =	ssyncadd.s32 $0xFFFF8000  }
0x155: {  	_ =	swait.ge [sflag:s4], $0x8000  }
0x156: {  	[sflag:s4] =	ssyncset.done $0x0  }
0x157: {  	[sflag:s4] =	ssyncadd.s32 $0xFFFF8000  }
0x158: {  	[tilespmem:s2], [sflag:$0x1] =	stream.linear.gather [hbm4b:s21+s2], $0x8000, $0x38;
	[tilespmem:$0x10000] =	vst v63  }
0x159: {  	_ =	swait.ge [sflag:s15], $0x8000  }
0x15a: {  	[sflag:s15] =	ssyncset.done $0x0  }
0x15b: {  	[sflag:s15] =	ssyncadd.s32 $0xFFFF8000  }
0x15c: {  	[hbm4b:s16+s2] =	stream.linear.scatter [tilespmem:s13], [sflag:$0x4], $0x8000, $0x38;
	[tilespmem:$0x10000] =	vst v63  }
0x15d: {  	_ = 	snop  }
0x15e: {  	[hbm4b:s17+s2] =	stream.linear.scatter [tilespmem:s13], [sflag:$0x4], $0x8000, $0x38;
	[tilespmem:$0x10000] =	vst v63  }
0x15f: {  	_ = 	snop  }
0x160: {  	[hbm4b:s19+s2] =	stream.linear.scatter [tilespmem:s13], [sflag:$0x4], $0x8000, $0x38;
	[tilespmem:$0x10000] =	vst v63  }
0x161: {  	_ = 	snop  }
0x162: {  	[hbm4b:s20+s2] =	stream.linear.scatter [tilespmem:s13], [sflag:$0x4], $0x8000, $0x38;
	[tilespmem:$0x10000] =	vst v63  }
0x163: {  	_ =	swait.ge [sflag:s3], $0x8000  }
0x164: {  	[sflag:s3] =	ssyncset.done $0x0  }
0x165: {  	[sflag:s3] =	ssyncadd.s32 $0xFFFF8000  }
0x166: {  	_ =	swait.ge [sflag:s3], $0x8000  }
0x167: {  	[sflag:s3] =	ssyncset.done $0x0  }
0x168: {  	[sflag:s3] =	ssyncadd.s32 $0xFFFF8000  }
0x169: {  	_ =	swait.ge [sflag:s3], $0x8000  }
0x16a: {  	[sflag:s3] =	ssyncset.done $0x0  }
0x16b: {  	[sflag:s3] =	ssyncadd.s32 $0xFFFF8000  }
0x16c: {  	_ =	swait.ge [sflag:s3], $0x8000  }
0x16d: {  	[sflag:s3] =	ssyncset.done $0x0  }
0x16e: {  	[sflag:s3] =	ssyncadd.s32 $0xFFFF8000  }
0x16f: {  	[tilespmem:s13], [sflag:$0x2] =	stream.linear.gather [hbm4b:s14+s2], $0x8000, $0x38;
	[tilespmem:$0x10000] =	vst v63  }
0x170: {  	_ =	swait.ge [sflag:s18], $0x8000  }
0x171: {  	[sflag:s18] =	ssyncset.done $0x0  }
0x172: {  	[sflag:s18] =	ssyncadd.s32 $0xFFFF8000  }
0x173: {  	[hbm4b:s8+s2] =	stream.linear.scatter [tilespmem:s2], [sflag:$0x3], $0x8000, $0x38;
	[tilespmem:$0x10000] =	vst v63  }
0x174: {  	_ = 	snop  }
0x175: {  	[hbm4b:s9+s2] =	stream.linear.scatter [tilespmem:s2], [sflag:$0x3], $0x8000, $0x38;
	[tilespmem:$0x10000] =	vst v63  }
0x176: {  	_ = 	snop  }
0x177: {  	[hbm4b:s10+s2] =	stream.linear.scatter [tilespmem:s2], [sflag:$0x3], $0x8000, $0x38;
	[tilespmem:$0x10000] =	vst v63  }
0x178: {  	_ = 	snop  }
0x179: {  	[hbm4b:s11+s2] =	stream.linear.scatter [tilespmem:s2], [sflag:$0x3], $0x8000, $0x38;
	[tilespmem:$0x10000] =	vst v63  }
0x17a: {  	_ =	swait.ge [sflag:s15], $0x8000  }
0x17b: {  	[sflag:s15] =	ssyncset.done $0x0  }
0x17c: {  	[sflag:s15] =	ssyncadd.s32 $0xFFFF8000  }
0x17d: {  	[hbm4b:s5+s2] =	stream.linear.scatter [tilespmem:s13], [sflag:$0x4], $0x8000, $0x38;
	[tilespmem:$0x10000] =	vst v63  }
0x17e: {  	_ = 	snop  }
0x17f: {  	[hbm4b:s6+s2] =	stream.linear.scatter [tilespmem:s13], [sflag:$0x4], $0x8000, $0x38;
	[tilespmem:$0x10000] =	vst v63  }
0x180: {  	_ = 	snop  }
0x181: {  	[hbm4b:s7+s2] =	stream.linear.scatter [tilespmem:s13], [sflag:$0x4], $0x8000, $0x38;
	[tilespmem:$0x10000] =	vst v63  }
0x182: {  	_ = 	snop  }
0x183: {  	[hbm4b:s12+s2] =	stream.linear.scatter [tilespmem:s13], [sflag:$0x4], $0x8000, $0x38;
	[tilespmem:$0x10000] =	vst v63  }
0x184: {  	_ =	swait.ge [sflag:s4], $0x8000  }
0x185: {  	[sflag:s4] =	ssyncset.done $0x0  }
0x186: {  	[sflag:s4] =	ssyncadd.s32 $0xFFFF8000  }
0x187: {  	_ =	swait.ge [sflag:s4], $0x8000  }
0x188: {  	[sflag:s4] =	ssyncset.done $0x0  }
0x189: {  	[sflag:s4] =	ssyncadd.s32 $0xFFFF8000  }
0x18a: {  	_ =	swait.ge [sflag:s4], $0x8000  }
0x18b: {  	[sflag:s4] =	ssyncset.done $0x0  }
0x18c: {  	[sflag:s4] =	ssyncadd.s32 $0xFFFF8000  }
0x18d: {  	_ =	swait.ge [sflag:s4], $0x8000  }
0x18e: {  	[sflag:s4] =	ssyncset.done $0x0  }
0x18f: {  	[sflag:s4] =	ssyncadd.s32 $0xFFFF8000  }
0x190: {  	_ =	swait.ge [sflag:s3], $0x8000  }
0x191: {  	[sflag:s3] =	ssyncset.done $0x0  }
0x192: {  	[sflag:s3] =	ssyncadd.s32 $0xFFFF8000  }
0x193: {  	_ =	swait.ge [sflag:s3], $0x8000  }
0x194: {  	[sflag:s3] =	ssyncset.done $0x0  }
0x195: {  	p1 =	sne.s32 s0, $0x1;
	[sflag:s3] =	ssyncadd.s32 $0xFFFF8000  }
.Ltmp2:
0x196: {  	_ =	swait.ge [sflag:s3], $0x8000;
	(pc) =	sbr.rel @p1 .LBB2_3-.Ltmp2, $4  }
0x197: {  	[sflag:s3] =	ssyncset.done $0x0  }
0x198: {  	[sflag:s3] =	ssyncadd.s32 $0xFFFF8000  }
0x199: {  	s0 =	sadd.s32 $0xFFFFFFFF, s0;
	_ =	swait.ge [sflag:s3], $0x8000  }
0x19a: {  	s30 =	smov.u32 s31;
	s1 =	rddreg [dreg:$0x3];
	[sflag:s3] =	ssyncset.done $0x0  }
0x19b: {  	s31 =	rddreg [dreg:$0x14]  }
.LBB2_5:
0x19c: {  	[sflag:s3] =	ssyncadd.s32 @p0 $0xFFFF8000  }
0x19d: {  	[tilespmem:s2], [sflag:$0x1] =	stream.linear.gather [hbm4b:s1+s2], $0x8000, $0x38;
	[tilespmem:$0x10000] =	vst v63  }
0x19e: {  	s0 =	rddreg [dreg:$0x4]  }
0x19f: {  	[tilespmem:s13], [sflag:$0x2] =	stream.linear.gather [hbm4b:s0+s2], $0x8000, $0x38;
	[tilespmem:$0x10000] =	vst v63  }
0x1a0: {  	_ =	swait.ge [sflag:s18], $0x8000  }
0x1a1: {  	[sflag:s18] =	ssyncset.done $0x0  }
0x1a2: {  	[sflag:s18] =	ssyncadd.s32 $0xFFFF8000  }
0x1a3: {  	[hbm4b:s31+s2] =	stream.linear.scatter [tilespmem:s2], [sflag:$0x3], $0x8000, $0x38;
	[tilespmem:$0x10000] =	vst v63  }
0x1a4: {  	s0 =	rddreg [dreg:$0x5]  }
0x1a5: {  	[hbm4b:s0+s2] =	stream.linear.scatter [tilespmem:s2], [sflag:$0x3], $0x8000, $0x38;
	[tilespmem:$0x10000] =	vst v63  }
0x1a6: {  	s1 =	rddreg [dreg:$0x6]  }
0x1a7: {  	[hbm4b:s1+s2] =	stream.linear.scatter [tilespmem:s2], [sflag:$0x3], $0x8000, $0x38;
	[tilespmem:$0x10000] =	vst v63  }
0x1a8: {  	s31 =	rddreg [dreg:$0x7]  }
0x1a9: {  	[hbm4b:s31+s2] =	stream.linear.scatter [tilespmem:s2], [sflag:$0x3], $0x8000, $0x38;
	[tilespmem:$0x10000] =	vst v63  }
0x1aa: {  	_ =	swait.ge [sflag:s4], $0x8000  }
0x1ab: {  	[sflag:s4] =	ssyncset.done $0x0  }
0x1ac: {  	[sflag:s4] =	ssyncadd.s32 $0xFFFF8000  }
0x1ad: {  	_ =	swait.ge [sflag:s4], $0x8000  }
0x1ae: {  	[sflag:s4] =	ssyncset.done $0x0  }
0x1af: {  	[sflag:s4] =	ssyncadd.s32 $0xFFFF8000  }
0x1b0: {  	_ =	swait.ge [sflag:s4], $0x8000  }
0x1b1: {  	[sflag:s4] =	ssyncset.done $0x0  }
0x1b2: {  	[sflag:s4] =	ssyncadd.s32 $0xFFFF8000  }
0x1b3: {  	_ =	swait.ge [sflag:s4], $0x8000  }
0x1b4: {  	[sflag:s4] =	ssyncset.done $0x0  }
0x1b5: {  	s31 =	rddreg [dreg:$0x8];
	[sflag:s4] =	ssyncadd.s32 $0xFFFF8000  }
0x1b6: {  	[tilespmem:s2], [sflag:$0x1] =	stream.linear.gather [hbm4b:s31+s2], $0x8000, $0x38;
	[tilespmem:$0x10000] =	vst v63  }
0x1b7: {  	_ =	swait.ge [sflag:s15], $0x8000  }
0x1b8: {  	[sflag:s15] =	ssyncset.done $0x0  }
0x1b9: {  	s1 =	rddreg [dreg:$0x9];
	[sflag:s15] =	ssyncadd.s32 $0xFFFF8000  }
0x1ba: {  	[hbm4b:s1+s2] =	stream.linear.scatter [tilespmem:s13], [sflag:$0x4], $0x8000, $0x38;
	[tilespmem:$0x10000] =	vst v63  }
0x1bb: {  	s31 =	rddreg [dreg:$0xa]  }
0x1bc: {  	[hbm4b:s31+s2] =	stream.linear.scatter [tilespmem:s13], [sflag:$0x4], $0x8000, $0x38;
	[tilespmem:$0x10000] =	vst v63  }
0x1bd: {  	s0 =	rddreg [dreg:$0xb]  }
0x1be: {  	[hbm4b:s0+s2] =	stream.linear.scatter [tilespmem:s13], [sflag:$0x4], $0x8000, $0x38;
	[tilespmem:$0x10000] =	vst v63  }
0x1bf: {  	s31 =	rddreg [dreg:$0xc]  }
0x1c0: {  	[hbm4b:s31+s2] =	stream.linear.scatter [tilespmem:s13], [sflag:$0x4], $0x8000, $0x38;
	[tilespmem:$0x10000] =	vst v63  }
0x1c1: {  	_ =	swait.ge [sflag:s3], $0x8000  }
0x1c2: {  	[sflag:s3] =	ssyncset.done $0x0  }
0x1c3: {  	[sflag:s3] =	ssyncadd.s32 $0xFFFF8000  }
0x1c4: {  	_ =	swait.ge [sflag:s3], $0x8000  }
0x1c5: {  	[sflag:s3] =	ssyncset.done $0x0  }
0x1c6: {  	[sflag:s3] =	ssyncadd.s32 $0xFFFF8000  }
0x1c7: {  	_ =	swait.ge [sflag:s3], $0x8000  }
0x1c8: {  	[sflag:s3] =	ssyncset.done $0x0  }
0x1c9: {  	[sflag:s3] =	ssyncadd.s32 $0xFFFF8000  }
0x1ca: {  	_ =	swait.ge [sflag:s3], $0x8000  }
0x1cb: {  	[sflag:s3] =	ssyncset.done $0x0  }
0x1cc: {  	s31 =	rddreg [dreg:$0xd];
	[sflag:s3] =	ssyncadd.s32 $0xFFFF8000  }
0x1cd: {  	[tilespmem:s13], [sflag:$0x2] =	stream.linear.gather [hbm4b:s31+s2], $0x8000, $0x38;
	[tilespmem:$0x10000] =	vst v63  }
0x1ce: {  	_ =	swait.ge [sflag:s18], $0x8000  }
0x1cf: {  	[sflag:s18] =	ssyncset.done $0x0  }
0x1d0: {  	s1 =	rddreg [dreg:$0xe];
	[sflag:s18] =	ssyncadd.s32 $0xFFFF8000  }
0x1d1: {  	[hbm4b:s1+s2] =	stream.linear.scatter [tilespmem:s2], [sflag:$0x3], $0x8000, $0x38;
	[tilespmem:$0x10000] =	vst v63  }
0x1d2: {  	s31 =	rddreg [dreg:$0xf]  }
0x1d3: {  	[hbm4b:s31+s2] =	stream.linear.scatter [tilespmem:s2], [sflag:$0x3], $0x8000, $0x38;
	[tilespmem:$0x10000] =	vst v63  }
0x1d4: {  	s0 =	rddreg [dreg:$0x10]  }
0x1d5: {  	[hbm4b:s0+s2] =	stream.linear.scatter [tilespmem:s2], [sflag:$0x3], $0x8000, $0x38;
	[tilespmem:$0x10000] =	vst v63  }
0x1d6: {  	s31 =	rddreg [dreg:$0x11]  }
0x1d7: {  	[hbm4b:s31+s2] =	stream.linear.scatter [tilespmem:s2], [sflag:$0x3], $0x8000, $0x38;
	[tilespmem:$0x10000] =	vst v63  }
0x1d8: {  	_ =	swait.ge [sflag:s4], $0x8000  }
0x1d9: {  	[sflag:s4] =	ssyncset.done $0x0  }
0x1da: {  	[sflag:s4] =	ssyncadd.s32 $0xFFFF8000  }
0x1db: {  	_ =	swait.ge [sflag:s4], $0x8000  }
0x1dc: {  	[sflag:s4] =	ssyncset.done $0x0  }
0x1dd: {  	[sflag:s4] =	ssyncadd.s32 $0xFFFF8000  }
0x1de: {  	_ =	swait.ge [sflag:s4], $0x8000  }
0x1df: {  	[sflag:s4] =	ssyncset.done $0x0  }
0x1e0: {  	[sflag:s4] =	ssyncadd.s32 $0xFFFF8000  }
0x1e1: {  	_ =	swait.ge [sflag:s4], $0x8000  }
0x1e2: {  	[sflag:s4] =	ssyncset.done $0x0  }
0x1e3: {  	s31 =	rddreg [dreg:$0x12];
	[sflag:s4] =	ssyncadd.s32 $0xFFFF8000  }
0x1e4: {  	[tilespmem:s2], [sflag:$0x1] =	stream.linear.gather [hbm4b:s31+s2], $0x8000, $0x38;
	[tilespmem:$0x10000] =	vst v63  }
0x1e5: {  	_ =	swait.ge [sflag:s15], $0x8000  }
0x1e6: {  	[sflag:s15] =	ssyncset.done $0x0  }
0x1e7: {  	s1 =	rddreg [dreg:$0x13];
	[sflag:s15] =	ssyncadd.s32 $0xFFFF8000  }
0x1e8: {  	[hbm4b:s1+s2] =	stream.linear.scatter [tilespmem:s13], [sflag:$0x4], $0x8000, $0x38;
	[tilespmem:$0x10000] =	vst v63  }
0x1e9: {  	_ = 	snop  }
0x1ea: {  	[hbm4b:s28+s2] =	stream.linear.scatter [tilespmem:s13], [sflag:$0x4], $0x8000, $0x38;
	[tilespmem:$0x10000] =	vst v63  }
0x1eb: {  	_ = 	snop  }
0x1ec: {  	[hbm4b:s29+s2] =	stream.linear.scatter [tilespmem:s13], [sflag:$0x4], $0x8000, $0x38;
	[tilespmem:$0x10000] =	vst v63  }
0x1ed: {  	_ = 	snop  }
0x1ee: {  	[hbm4b:s30+s2] =	stream.linear.scatter [tilespmem:s13], [sflag:$0x4], $0x8000, $0x38;
	[tilespmem:$0x10000] =	vst v63  }
0x1ef: {  	_ =	swait.ge [sflag:s3], $0x8000  }
0x1f0: {  	[sflag:s3] =	ssyncset.done $0x0  }
0x1f1: {  	[sflag:s3] =	ssyncadd.s32 $0xFFFF8000  }
0x1f2: {  	_ =	swait.ge [sflag:s3], $0x8000  }
0x1f3: {  	[sflag:s3] =	ssyncset.done $0x0  }
0x1f4: {  	[sflag:s3] =	ssyncadd.s32 $0xFFFF8000  }
0x1f5: {  	_ =	swait.ge [sflag:s3], $0x8000  }
0x1f6: {  	[sflag:s3] =	ssyncset.done $0x0  }
0x1f7: {  	[sflag:s3] =	ssyncadd.s32 $0xFFFF8000  }
0x1f8: {  	_ =	swait.ge [sflag:s3], $0x8000  }
0x1f9: {  	[sflag:s3] =	ssyncset.done $0x0  }
0x1fa: {  	[sflag:s3] =	ssyncadd.s32 $0xFFFF8000  }
0x1fb: {  	[tilespmem:s13], [sflag:$0x2] =	stream.linear.gather [hbm4b:s26+s2], $0x8000, $0x38;
	[tilespmem:$0x10000] =	vst v63  }
0x1fc: {  	_ =	swait.ge [sflag:s18], $0x8000  }
0x1fd: {  	[sflag:s18] =	ssyncset.done $0x0  }
0x1fe: {  	[sflag:s18] =	ssyncadd.s32 $0xFFFF8000  }
0x1ff: {  	[hbm4b:s22+s2] =	stream.linear.scatter [tilespmem:s2], [sflag:$0x3], $0x8000, $0x38;
	[tilespmem:$0x10000] =	vst v63  }
0x200: {  	_ = 	snop  }
0x201: {  	[hbm4b:s23+s2] =	stream.linear.scatter [tilespmem:s2], [sflag:$0x3], $0x8000, $0x38;
	[tilespmem:$0x10000] =	vst v63  }
0x202: {  	_ = 	snop  }
0x203: {  	[hbm4b:s24+s2] =	stream.linear.scatter [tilespmem:s2], [sflag:$0x3], $0x8000, $0x38;
	[tilespmem:$0x10000] =	vst v63  }
0x204: {  	_ = 	snop  }
0x205: {  	[hbm4b:s25+s2] =	stream.linear.scatter [tilespmem:s2], [sflag:$0x3], $0x8000, $0x38;
	[tilespmem:$0x10000] =	vst v63  }
0x206: {  	_ =	swait.ge [sflag:s4], $0x8000  }
0x207: {  	[sflag:s4] =	ssyncset.done $0x0  }
0x208: {  	[sflag:s4] =	ssyncadd.s32 $0xFFFF8000  }
0x209: {  	_ =	swait.ge [sflag:s4], $0x8000  }
0x20a: {  	[sflag:s4] =	ssyncset.done $0x0  }
0x20b: {  	[sflag:s4] =	ssyncadd.s32 $0xFFFF8000  }
0x20c: {  	_ =	swait.ge [sflag:s4], $0x8000  }
0x20d: {  	[sflag:s4] =	ssyncset.done $0x0  }
0x20e: {  	[sflag:s4] =	ssyncadd.s32 $0xFFFF8000  }
0x20f: {  	_ =	swait.ge [sflag:s4], $0x8000  }
0x210: {  	[sflag:s4] =	ssyncset.done $0x0  }
0x211: {  	[sflag:s4] =	ssyncadd.s32 $0xFFFF8000  }
0x212: {  	[tilespmem:s2], [sflag:$0x1] =	stream.linear.gather [hbm4b:s21+s2], $0x8000, $0x38;
	[tilespmem:$0x10000] =	vst v63  }
0x213: {  	_ =	swait.ge [sflag:s15], $0x8000  }
0x214: {  	[sflag:s15] =	ssyncset.done $0x0  }
0x215: {  	[sflag:s15] =	ssyncadd.s32 $0xFFFF8000  }
0x216: {  	[hbm4b:s16+s2] =	stream.linear.scatter [tilespmem:s13], [sflag:$0x4], $0x8000, $0x38;
	[tilespmem:$0x10000] =	vst v63  }
0x217: {  	_ = 	snop  }
0x218: {  	[hbm4b:s17+s2] =	stream.linear.scatter [tilespmem:s13], [sflag:$0x4], $0x8000, $0x38;
	[tilespmem:$0x10000] =	vst v63  }
0x219: {  	_ = 	snop  }
0x21a: {  	[hbm4b:s19+s2] =	stream.linear.scatter [tilespmem:s13], [sflag:$0x4], $0x8000, $0x38;
	[tilespmem:$0x10000] =	vst v63  }
0x21b: {  	_ = 	snop  }
0x21c: {  	[hbm4b:s20+s2] =	stream.linear.scatter [tilespmem:s13], [sflag:$0x4], $0x8000, $0x38;
	[tilespmem:$0x10000] =	vst v63  }
0x21d: {  	_ =	swait.ge [sflag:s3], $0x8000  }
0x21e: {  	[sflag:s3] =	ssyncset.done $0x0  }
0x21f: {  	[sflag:s3] =	ssyncadd.s32 $0xFFFF8000  }
0x220: {  	_ =	swait.ge [sflag:s3], $0x8000  }
0x221: {  	[sflag:s3] =	ssyncset.done $0x0  }
0x222: {  	[sflag:s3] =	ssyncadd.s32 $0xFFFF8000  }
0x223: {  	_ =	swait.ge [sflag:s3], $0x8000  }
0x224: {  	[sflag:s3] =	ssyncset.done $0x0  }
0x225: {  	[sflag:s3] =	ssyncadd.s32 $0xFFFF8000  }
0x226: {  	_ =	swait.ge [sflag:s3], $0x8000  }
0x227: {  	[sflag:s3] =	ssyncset.done $0x0  }
0x228: {  	[sflag:s3] =	ssyncadd.s32 $0xFFFF8000  }
0x229: {  	[tilespmem:s13], [sflag:$0x2] =	stream.linear.gather [hbm4b:s14+s2], $0x8000, $0x38;
	[tilespmem:$0x10000] =	vst v63  }
0x22a: {  	_ =	swait.ge [sflag:s18], $0x8000  }
0x22b: {  	[sflag:s18] =	ssyncset.done $0x0  }
0x22c: {  	[sflag:s18] =	ssyncadd.s32 $0xFFFF8000  }
0x22d: {  	[hbm4b:s8+s2] =	stream.linear.scatter [tilespmem:s2], [sflag:$0x3], $0x8000, $0x38;
	[tilespmem:$0x10000] =	vst v63  }
0x22e: {  	_ = 	snop  }
0x22f: {  	[hbm4b:s9+s2] =	stream.linear.scatter [tilespmem:s2], [sflag:$0x3], $0x8000, $0x38;
	[tilespmem:$0x10000] =	vst v63  }
0x230: {  	_ = 	snop  }
0x231: {  	[hbm4b:s10+s2] =	stream.linear.scatter [tilespmem:s2], [sflag:$0x3], $0x8000, $0x38;
	[tilespmem:$0x10000] =	vst v63  }
0x232: {  	_ = 	snop  }
0x233: {  	[hbm4b:s11+s2] =	stream.linear.scatter [tilespmem:s2], [sflag:$0x3], $0x8000, $0x38;
	[tilespmem:$0x10000] =	vst v63  }
0x234: {  	_ =	swait.ge [sflag:s15], $0x8000  }
0x235: {  	[sflag:s15] =	ssyncset.done $0x0  }
0x236: {  	[sflag:s15] =	ssyncadd.s32 $0xFFFF8000  }
0x237: {  	[hbm4b:s5+s2] =	stream.linear.scatter [tilespmem:s13], [sflag:$0x4], $0x8000, $0x38;
	[tilespmem:$0x10000] =	vst v63  }
0x238: {  	_ = 	snop  }
0x239: {  	[hbm4b:s6+s2] =	stream.linear.scatter [tilespmem:s13], [sflag:$0x4], $0x8000, $0x38;
	[tilespmem:$0x10000] =	vst v63  }
0x23a: {  	_ = 	snop  }
0x23b: {  	[hbm4b:s7+s2] =	stream.linear.scatter [tilespmem:s13], [sflag:$0x4], $0x8000, $0x38;
	[tilespmem:$0x10000] =	vst v63  }
0x23c: {  	_ = 	snop  }
0x23d: {  	[hbm4b:s12+s2] =	stream.linear.scatter [tilespmem:s13], [sflag:$0x4], $0x8000, $0x38;
	[tilespmem:$0x10000] =	vst v63  }
0x23e: {  	_ =	swait.ge [sflag:s4], $0x8000  }
0x23f: {  	[sflag:s4] =	ssyncset.done $0x0  }
0x240: {  	[sflag:s4] =	ssyncadd.s32 $0xFFFF8000  }
0x241: {  	_ =	swait.ge [sflag:s4], $0x8000  }
0x242: {  	[sflag:s4] =	ssyncset.done $0x0  }
0x243: {  	[sflag:s4] =	ssyncadd.s32 $0xFFFF8000  }
0x244: {  	_ =	swait.ge [sflag:s4], $0x8000  }
0x245: {  	[sflag:s4] =	ssyncset.done $0x0  }
0x246: {  	[sflag:s4] =	ssyncadd.s32 $0xFFFF8000  }
0x247: {  	_ =	swait.ge [sflag:s4], $0x8000  }
0x248: {  	[sflag:s4] =	ssyncset.done $0x0  }
0x249: {  	[sflag:s4] =	ssyncadd.s32 $0xFFFF8000  }
0x24a: {  	_ =	swait.ge [sflag:s3], $0x8000  }
0x24b: {  	[sflag:s3] =	ssyncset.done $0x0  }
0x24c: {  	[sflag:s3] =	ssyncadd.s32 $0xFFFF8000  }
0x24d: {  	_ =	swait.ge [sflag:s3], $0x8000  }
0x24e: {  	[sflag:s3] =	ssyncset.done $0x0  }
0x24f: {  	[sflag:s3] =	ssyncadd.s32 $0xFFFF8000  }
0x250: {  	_ =	swait.ge [sflag:s3], $0x8000  }
0x251: {  	[sflag:s3] =	ssyncset.done $0x0  }
0x252: {  	[sflag:s3] =	ssyncadd.s32 $0xFFFF8000  }
0x253: {  	_ =	swait.ge [sflag:s3], $0x8000  }
0x254: {  	[sflag:s3] =	ssyncset.done $0x0  }
0x255: {  	[sflag:s3] =	ssyncadd.s32 $0xFFFF8000  }
0x256: {  	_ =	sfence.sel $0x180000  }
0x257: {  	[bflag:$0x0] =	sbarrier.arrive $0xFFFF  }
0x258: {  	_ =	strace $0x90000047  }
0x259: {  	s31 =	stileid.u32;
	[bflag:$0x2] =	sbarrier.arrive $0xFFFF  }
0x25a: {  	p0 =	sne.s32 s31, $0x0;
	s0 =	rddreg [dreg:$0x2]  }
0x25b: {  	s0 =	sadd.s32 @!p0 $0x100000, s0  }
0x25c: {  	[sflag:s0] =	ssyncadd.tile.s32 @!p0 $0x1;
	_ =	shalt  }
.LBB2_2:
.Ltmp3:
0x25d: {  	(pc) =	sbr.rel .LBB2_5-.Ltmp3, $2  }
0x25e: {  	_ =	sdelay $0x2  }
0x25f: {  	s31 =	rddreg [dreg:$0x14]  }
.Lfunc_end2:
_tile_overlayer_lowered:
.L_overlay_start_2:
0x260: {  	(tag) =	ssettag $0x2  }
0x261: {  	s0 =	rddreg [dreg:$0x0];
	s2 =	stileid.u32  }
0x262: {  	s1 =	rddreg [dreg:$0x1];
	p0 =	sne.s32 s2, $0x0  }
0x263: {  	s3 =	rddreg [dreg:$0x2];
	[bflag:$0x3] =	sbarrier.arrive $0xFFFF;
	s2 =	simm.s32 @!p0 $0x1C05  }
0x264: {  	[timem:s3], [sflag:s2] =	dma.local @!p0 [hbm:s0], s1  }
0x265: {  	s0 =	simm.s32 @!p0 $0x5  }
0x266: {  	_ =	swait.ge @!p0 [sflag:s0], s1  }
0x267: {  	s1 =	ssub.s32 @!p0 $0x0, s1;
	[sflag:s0] =	ssyncset.done @!p0 $0x0  }
0x268: {  	[sflag:s0] =	ssyncadd.s32 @!p0 s1  }
0x269: {  	[bflag:$0x3] =	sbarrier.arrive $0xFFFF  }
0x26a: {  	_ =	shalt  }

</sc_bundles>
